<compile_context>
chip_gen: v7x
topology: tpu7x:2x2x1
jax: 0.10.2.dev20260603
libtpu: 0.0.44.dev20260713+nightly
codegen_flags: <defaults>
</compile_context>

<pallas_src>
import functools

import jax
import jax.numpy as jnp
from jax import lax
from jax.experimental import pallas as pl
from jax.experimental.pallas import tpu as pltpu
from jax.experimental.pallas import tpu_sc as plsc

_B = 128
_V = 100000
_VA = 85000
_VB = 5000
_NA = _VA // _VB
_NT = _V // _VB

_T0 = _VA // 8
_TSC = (_V - _VA) // 8
_TPW = _TSC // 32
_XTRA = _TSC % 32
_CT = 20
_CV = _CT * 8
_NC = 3


def _k1_tc(x_ref, m_ref, e_ref, s_ref, acc):
    i = pl.program_id(0)

    @pl.when(i == 0)
    def _():
        acc[...] = jnp.zeros_like(acc)

    e = jnp.exp(x_ref[...]) * m_ref[...]
    e_ref[...] = e.astype(jnp.bfloat16)
    acc[0:1, :] += jnp.sum(e, axis=0, keepdims=True)
    s_ref[...] = acc[...]


def _k1_sc(x_hbm, m_hbm, stage_hbm, sums_hbm,
           xbuf, mbuf, obuf, sumbuf, xsem, msem, osem, ssem):
    c = lax.axis_index("c")
    s = lax.axis_index("s")
    w = c * 16 + s
    count = _TPW + jnp.where(w < _XTRA, 1, 0)
    t0 = _T0 + _TPW * w + jnp.minimum(w, _XTRA)

    def off_v(i):
        return pl.multiple_of(
            (t0 + jnp.minimum(_CT * i, count - _CT)) * 8, 8)

    def xcp(i, b):
        return pltpu.make_async_copy(
            x_hbm.at[pl.ds(off_v(i), _CV), :], xbuf.at[b], xsem.at[b])

    def mcp(i, b):
        return pltpu.make_async_copy(
            m_hbm.at[pl.ds(off_v(i), _CV), :], mbuf.at[b], msem.at[b])

    def ocp(i, b):
        return pltpu.make_async_copy(
            obuf.at[b], stage_hbm.at[pl.ds(off_v(i), _CV), :], osem.at[b])

    xcp(0, 0).start()
    mcp(0, 0).start()
    xcp(1, 1).start()
    mcp(1, 1).start()

    zero = jnp.zeros((16,), jnp.float32)
    accs = [zero] * 8
    for i in range(_NC):
        b = i % 2
        xcp(i, b).wait()
        mcp(i, b).wait()
        if i >= 2:
            ocp(i - 2, b).wait()

        def body(v, a, b=b):
            out = []
            for k in range(8):
                sl = pl.ds(k * 16, 16)
                e = jnp.exp(xbuf[b, v, sl]) * mbuf[b, v, sl]
                obuf[b, v, sl] = e
                out.append(a[k] + e)
            return tuple(out)

        accs = list(plsc.parallel_loop(
            0, _CV, step=1, unroll=2, carry=tuple(accs))(body))
        ocp(i, b).start()
        if i + 2 < _NC:
            xcp(i + 2, b).start()
            mcp(i + 2, b).start()

    lo_v = (_NC * _CT - count) * 8
    lb = (_NC - 1) % 2

    def sub_body(v, a, lb=lb):
        gate = jnp.full((16,), (v < lo_v).astype(jnp.float32))
        out = []
        for k in range(8):
            sl = pl.ds(k * 16, 16)
            out.append(a[k] - jnp.exp(xbuf[lb, v, sl]) * mbuf[lb, v, sl] * gate)
        return tuple(out)

    accs = list(plsc.parallel_loop(
        0, 40, step=1, unroll=2, carry=tuple(accs))(sub_body))

    ocp(_NC - 2, (_NC - 2) % 2).wait()
    ocp(_NC - 1, (_NC - 1) % 2).wait()

    for k in range(8):
        sumbuf[0, pl.ds(k * 16, 16)] = accs[k]
        for r in range(1, 8):
            sumbuf[r, pl.ds(k * 16, 16)] = zero
    pltpu.make_async_copy(sumbuf, sums_hbm.at[w], ssem).start()
    pltpu.make_async_copy(sumbuf, sums_hbm.at[w], ssem).wait()


def _inv_from(s_tc_ref, s_sc_ref):
    total = s_tc_ref[0:1, :] + jnp.sum(s_sc_ref[:, 0, :], axis=0,
                                       keepdims=True)
    return 1.0 / total


def _k2a(e_ref, s_tc_ref, s_sc_ref, o_ref):
    o_ref[...] = e_ref[...].astype(jnp.float32) * _inv_from(s_tc_ref, s_sc_ref)


def _k2b(o_alias_ref, e_ref, s_tc_ref, s_sc_ref, o_ref):
    del o_alias_ref
    o_ref[...] = e_ref[...] * _inv_from(s_tc_ref, s_sc_ref)


def kernel(input, mask):
    x = input.T
    m = mask.T

    sc_mesh = plsc.VectorSubcoreMesh(core_axis_name="c", subcore_axis_name="s")
    stage_sc, sums_sc = functools.partial(
        pl.kernel,
        mesh=sc_mesh,
        out_type=(
            jax.ShapeDtypeStruct((_V, _B), jnp.float32),
            jax.ShapeDtypeStruct((32, 8, _B), jnp.float32),
        ),
        scratch_types=[
            pltpu.VMEM((2, _CV, _B), jnp.float32),
            pltpu.VMEM((2, _CV, _B), jnp.float32),
            pltpu.VMEM((2, _CV, _B), jnp.float32),
            pltpu.VMEM((8, _B), jnp.float32),
            pltpu.SemaphoreType.DMA((2,)),
            pltpu.SemaphoreType.DMA((2,)),
            pltpu.SemaphoreType.DMA((2,)),
            pltpu.SemaphoreType.DMA,
        ],
        compiler_params=pltpu.CompilerParams(needs_layout_passes=False),
    )(_k1_sc)(x, m)

    stage_tc, sums_tc = pl.pallas_call(
        _k1_tc,
        grid=(_NA,),
        in_specs=[
            pl.BlockSpec((_VB, _B), lambda i: (i, 0)),
            pl.BlockSpec((_VB, _B), lambda i: (i, 0)),
        ],
        out_specs=[
            pl.BlockSpec((_VB, _B), lambda i: (i, 0)),
            pl.BlockSpec((8, _B), lambda i: (0, 0)),
        ],
        out_shape=[
            jax.ShapeDtypeStruct((_VA, _B), jnp.bfloat16),
            jax.ShapeDtypeStruct((8, _B), jnp.float32),
        ],
        scratch_shapes=[pltpu.VMEM((8, _B), jnp.float32)],
    )(x, m)

    out1 = pl.pallas_call(
        _k2a,
        grid=(_NA,),
        in_specs=[
            pl.BlockSpec((_VB, _B), lambda i: (i, 0)),
            pl.BlockSpec((8, _B), lambda i: (0, 0)),
            pl.BlockSpec((32, 8, _B), lambda i: (0, 0, 0)),
        ],
        out_specs=pl.BlockSpec((_VB, _B), lambda i: (i, 0)),
        out_shape=jax.ShapeDtypeStruct((_V, _B), jnp.float32),
    )(stage_tc, sums_tc, sums_sc)

    out = pl.pallas_call(
        _k2b,
        grid=(_NT - _NA,),
        in_specs=[
            pl.BlockSpec(memory_space=pltpu.MemorySpace.HBM),
            pl.BlockSpec((_VB, _B), lambda i: (_NA + i, 0)),
            pl.BlockSpec((8, _B), lambda i: (0, 0)),
            pl.BlockSpec((32, 8, _B), lambda i: (0, 0, 0)),
        ],
        out_specs=pl.BlockSpec((_VB, _B), lambda i: (_NA + i, 0)),
        out_shape=jax.ShapeDtypeStruct((_V, _B), jnp.float32),
        input_output_aliases={0: 0},
    )(out1, stage_sc, sums_tc, sums_sc)
    return out.T

# --- scband reference (transcript-rebuilt; emitter-appended) ---
"""Pipeline reference for scband-categorical-80874234184500 (READ-ONLY COPY).

The authoritative reference and input builder live on the scoring server;
editing this copy changes nothing except your own understanding.
"""

import jax, jax.numpy as jnp
import numpy as np

B = 128
V = 100000

def setup_inputs(seed: int = 0) -> dict:
    key = jax.random.key(seed)
    k1, k2 = jax.random.split(key)
    logits = jax.random.normal(k1, (B, V), dtype=jnp.float32)
    # binary action mask (realistic: ~half the actions available)
    mask = (jax.random.uniform(k2, (B, V), dtype=jnp.float32) > 0.5).astype(jnp.float32)
    return {"input": logits, "mask": mask}

def reference(input, mask):
    # Categorical.act (use_decay=False, mortgages/buyings None):
    #   x = softmax(input, dim=1); x = x * mask; FixedCategorical(probs=x)
    # torch.distributions.Categorical normalizes probs internally, so the
    # faithful output is the normalized masked probability matrix.
    x = jax.nn.softmax(input, axis=1)
    x = x * mask
    probs = x / jnp.sum(x, axis=1, keepdims=True)
    return probs

if __name__ == "__main__":
    import jax
    _d = setup_inputs()
    print(jax.jit(kernel)(*tuple(_d.values())))

</pallas_src>

<mosaic_0001>
#map = affine_map<(d0, d1) -> (0, 0)>
#map1 = affine_map<(d0, d1) -> (0, 0, 0)>
module attributes {stable_mosaic.version = 14 : i64} {
  func.func @_k1_sc(%arg0: i32, %arg1: i32, %arg2: memref<100000x128xf32, #tpu.memory_space<hbm>>, %arg3: memref<100000x128xf32, #tpu.memory_space<hbm>>, %arg4: memref<100000x128xf32, #tpu.memory_space<hbm>>, %arg5: memref<32x8x128xf32, #tpu.memory_space<hbm>>, %arg6: memref<2x160x128xf32, #tpu.memory_space<vmem>>, %arg7: memref<2x160x128xf32, #tpu.memory_space<vmem>>, %arg8: memref<2x160x128xf32, #tpu.memory_space<vmem>>, %arg9: memref<8x128xf32, #tpu.memory_space<vmem>>, %arg10: memref<2x!tpu.dma_semaphore, #tpu.memory_space<semaphore_mem>>, %arg11: memref<2x!tpu.dma_semaphore, #tpu.memory_space<semaphore_mem>>, %arg12: memref<2x!tpu.dma_semaphore, #tpu.memory_space<semaphore_mem>>, %arg13: memref<!tpu.dma_semaphore, #tpu.memory_space<semaphore_mem>>) attributes {dimension_semantics = [#tpu.dimension_semantics<core_parallel>, #tpu.dimension_semantics<subcore_parallel>], iteration_bounds = array<i64: 2, 16>, scalar_prefetch = 0 : i64, scratch_operands = 8 : i64, tpu.core_type = #tpu.core_type<sc_vector_subcore>, window_params = [{transform_indices = #map}, {transform_indices = #map}, {transform_indices = #map}, {transform_indices = #map1}]} {
    %mul3A = arith.constant 16 : i32
    %mul3A_0 = arith.muli %arg0, %mul3A : i32
    %add3A = arith.addi %mul3A_0, %arg1 : i32
    %lt3A = arith.constant 19 : i32
    %lt3A_1 = arith.cmpi slt, %add3A, %lt3A : i32
    %jit3A = arith.constant 1 : i32
    %jit3A_2 = arith.constant 0 : i32
    %select_n3A = arith.select %lt3A_1, %jit3A, %jit3A_2 : i32
    %add3A_3 = arith.constant 58 : i32
    %add3A_4 = arith.addi %add3A_3, %select_n3A : i32
    %mul3A_5 = arith.constant 58 : i32
    %mul3A_6 = arith.muli %mul3A_5, %add3A : i32
    %add3A_7 = arith.constant 10625 : i32
    %add3A_8 = arith.addi %add3A_7, %mul3A_6 : i32
    %min3A = arith.constant 19 : i32
    %min3A_9 = arith.minsi %add3A, %min3A : i32
    %add3A_10 = arith.addi %add3A_8, %min3A_9 : i32
    %sub3A = arith.constant 20 : i32
    %sub3A_11 = arith.subi %add3A_4, %sub3A : i32
    %min3A_12 = arith.constant 0 : i32
    %min3A_13 = arith.minsi %min3A_12, %sub3A_11 : i32
    %add3A_14 = arith.addi %add3A_10, %min3A_13 : i32
    %mul3A_15 = arith.constant 8 : i32
    %mul3A_16 = arith.muli %add3A_14, %mul3A_15 : i32
    %multiple_of3A = tpu.assume_multiple %mul3A_16, 8 : i32
    %dma_start3A = arith.constant 0 : i32
    %dma_start3A_17 = arith.constant 0 : i32
    %dma_start3A_18 = arith.constant 0 : i32
    %dma_start3A_19 = arith.constant 0 : i32
    %dma_start3A_20 = tpu.memref_slice %arg6[%dma_start3A, %dma_start3A_18, %dma_start3A_19] : memref<2x160x128xf32, #tpu.memory_space<vmem>> -> memref<1x160x128xf32, #tpu.memory_space<vmem>>
    %dma_start3A_21 = tpu.memref_squeeze %dma_start3A_20 : memref<1x160x128xf32, #tpu.memory_space<vmem>> -> memref<160x128xf32, #tpu.memory_space<vmem>>
    %dma_start3A_22 = arith.constant 0 : i32
    %dma_start3A_23 = tpu.memref_slice %arg2[%multiple_of3A, %dma_start3A_22] : memref<100000x128xf32, #tpu.memory_space<hbm>> -> memref<160x128xf32, #tpu.memory_space<hbm>>
    %dma_start3A_24 = tpu.memref_slice %arg10[%dma_start3A_17] : memref<2x!tpu.dma_semaphore, #tpu.memory_space<semaphore_mem>> -> memref<1x!tpu.dma_semaphore, #tpu.memory_space<semaphore_mem>>
    %dma_start3A_25 = tpu.memref_squeeze %dma_start3A_24 : memref<1x!tpu.dma_semaphore, #tpu.memory_space<semaphore_mem>> -> memref<!tpu.dma_semaphore, #tpu.memory_space<semaphore_mem>>
    %dma_start3A_26 = arith.constant 0 : i32
    %dma_start3A_27 = arith.constant 0 : i32
    %dma_start3A_28 = tpu.memref_slice %arg6[%dma_start3A, %dma_start3A_26, %dma_start3A_27] : memref<2x160x128xf32, #tpu.memory_space<vmem>> -> memref<1x160x128xf32, #tpu.memory_space<vmem>>
    %dma_start3A_29 = tpu.memref_squeeze %dma_start3A_28 : memref<1x160x128xf32, #tpu.memory_space<vmem>> -> memref<160x128xf32, #tpu.memory_space<vmem>>
    %dma_start3A_30 = arith.constant 0 : i32
    %dma_start3A_31 = tpu.memref_slice %arg2[%multiple_of3A, %dma_start3A_30] : memref<100000x128xf32, #tpu.memory_space<hbm>> -> memref<160x128xf32, #tpu.memory_space<hbm>>
    tpu.enqueue_dma source(%dma_start3A_31 : memref<160x128xf32, #tpu.memory_space<hbm>>) target(%dma_start3A_29 : memref<160x128xf32, #tpu.memory_space<vmem>>) target_semaphore(%dma_start3A_25 : memref<!tpu.dma_semaphore, #tpu.memory_space<semaphore_mem>>)
    %sub3A_32 = arith.constant 20 : i32
    %sub3A_33 = arith.subi %add3A_4, %sub3A_32 : i32
    %min3A_34 = arith.constant 0 : i32
    %min3A_35 = arith.minsi %min3A_34, %sub3A_33 : i32
    %add3A_36 = arith.addi %add3A_10, %min3A_35 : i32
    %mul3A_37 = arith.constant 8 : i32
    %mul3A_38 = arith.muli %add3A_36, %mul3A_37 : i32
    %multiple_of3A_39 = tpu.assume_multiple %mul3A_38, 8 : i32
    %dma_start3A_40 = arith.constant 0 : i32
    %dma_start3A_41 = arith.constant 0 : i32
    %dma_start3A_42 = arith.constant 0 : i32
    %dma_start3A_43 = arith.constant 0 : i32
    %dma_start3A_44 = tpu.memref_slice %arg7[%dma_start3A_40, %dma_start3A_42, %dma_start3A_43] : memref<2x160x128xf32, #tpu.memory_space<vmem>> -> memref<1x160x128xf32, #tpu.memory_space<vmem>>
    %dma_start3A_45 = tpu.memref_squeeze %dma_start3A_44 : memref<1x160x128xf32, #tpu.memory_space<vmem>> -> memref<160x128xf32, #tpu.memory_space<vmem>>
    %dma_start3A_46 = arith.constant 0 : i32
    %dma_start3A_47 = tpu.memref_slice %arg3[%multiple_of3A_39, %dma_start3A_46] : memref<100000x128xf32, #tpu.memory_space<hbm>> -> memref<160x128xf32, #tpu.memory_space<hbm>>
    %dma_start3A_48 = tpu.memref_slice %arg11[%dma_start3A_41] : memref<2x!tpu.dma_semaphore, #tpu.memory_space<semaphore_mem>> -> memref<1x!tpu.dma_semaphore, #tpu.memory_space<semaphore_mem>>
    %dma_start3A_49 = tpu.memref_squeeze %dma_start3A_48 : memref<1x!tpu.dma_semaphore, #tpu.memory_space<semaphore_mem>> -> memref<!tpu.dma_semaphore, #tpu.memory_space<semaphore_mem>>
    %dma_start3A_50 = arith.constant 0 : i32
    %dma_start3A_51 = arith.constant 0 : i32
    %dma_start3A_52 = tpu.memref_slice %arg7[%dma_start3A_40, %dma_start3A_50, %dma_start3A_51] : memref<2x160x128xf32, #tpu.memory_space<vmem>> -> memref<1x160x128xf32, #tpu.memory_space<vmem>>
    %dma_start3A_53 = tpu.memref_squeeze %dma_start3A_52 : memref<1x160x128xf32, #tpu.memory_space<vmem>> -> memref<160x128xf32, #tpu.memory_space<vmem>>
    %dma_start3A_54 = arith.constant 0 : i32
    %dma_start3A_55 = tpu.memref_slice %arg3[%multiple_of3A_39, %dma_start3A_54] : memref<100000x128xf32, #tpu.memory_space<hbm>> -> memref<160x128xf32, #tpu.memory_space<hbm>>
    tpu.enqueue_dma source(%dma_start3A_55 : memref<160x128xf32, #tpu.memory_space<hbm>>) target(%dma_start3A_53 : memref<160x128xf32, #tpu.memory_space<vmem>>) target_semaphore(%dma_start3A_49 : memref<!tpu.dma_semaphore, #tpu.memory_space<semaphore_mem>>)
    %sub3A_56 = arith.constant 20 : i32
    %sub3A_57 = arith.subi %add3A_4, %sub3A_56 : i32
    %min3A_58 = arith.constant 20 : i32
    %min3A_59 = arith.minsi %min3A_58, %sub3A_57 : i32
    %add3A_60 = arith.addi %add3A_10, %min3A_59 : i32
    %mul3A_61 = arith.constant 8 : i32
    %mul3A_62 = arith.muli %add3A_60, %mul3A_61 : i32
    %multiple_of3A_63 = tpu.assume_multiple %mul3A_62, 8 : i32
    %dma_start3A_64 = arith.constant 1 : i32
    %dma_start3A_65 = arith.constant 1 : i32
    %dma_start3A_66 = arith.constant 0 : i32
    %dma_start3A_67 = arith.constant 0 : i32
    %dma_start3A_68 = tpu.memref_slice %arg6[%dma_start3A_64, %dma_start3A_66, %dma_start3A_67] : memref<2x160x128xf32, #tpu.memory_space<vmem>> -> memref<1x160x128xf32, #tpu.memory_space<vmem>>
    %dma_start3A_69 = tpu.memref_squeeze %dma_start3A_68 : memref<1x160x128xf32, #tpu.memory_space<vmem>> -> memref<160x128xf32, #tpu.memory_space<vmem>>
    %dma_start3A_70 = arith.constant 0 : i32
    %dma_start3A_71 = tpu.memref_slice %arg2[%multiple_of3A_63, %dma_start3A_70] : memref<100000x128xf32, #tpu.memory_space<hbm>> -> memref<160x128xf32, #tpu.memory_space<hbm>>
    %dma_start3A_72 = tpu.memref_slice %arg10[%dma_start3A_65] : memref<2x!tpu.dma_semaphore, #tpu.memory_space<semaphore_mem>> -> memref<1x!tpu.dma_semaphore, #tpu.memory_space<semaphore_mem>>
    %dma_start3A_73 = tpu.memref_squeeze %dma_start3A_72 : memref<1x!tpu.dma_semaphore, #tpu.memory_space<semaphore_mem>> -> memref<!tpu.dma_semaphore, #tpu.memory_space<semaphore_mem>>
    %dma_start3A_74 = arith.constant 0 : i32
    %dma_start3A_75 = arith.constant 0 : i32
    %dma_start3A_76 = tpu.memref_slice %arg6[%dma_start3A_64, %dma_start3A_74, %dma_start3A_75] : memref<2x160x128xf32, #tpu.memory_space<vmem>> -> memref<1x160x128xf32, #tpu.memory_space<vmem>>
    %dma_start3A_77 = tpu.memref_squeeze %dma_start3A_76 : memref<1x160x128xf32, #tpu.memory_space<vmem>> -> memref<160x128xf32, #tpu.memory_space<vmem>>
    %dma_start3A_78 = arith.constant 0 : i32
    %dma_start3A_79 = tpu.memref_slice %arg2[%multiple_of3A_63, %dma_start3A_78] : memref<100000x128xf32, #tpu.memory_space<hbm>> -> memref<160x128xf32, #tpu.memory_space<hbm>>
    tpu.enqueue_dma source(%dma_start3A_79 : memref<160x128xf32, #tpu.memory_space<hbm>>) target(%dma_start3A_77 : memref<160x128xf32, #tpu.memory_space<vmem>>) target_semaphore(%dma_start3A_73 : memref<!tpu.dma_semaphore, #tpu.memory_space<semaphore_mem>>)
    %sub3A_80 = arith.constant 20 : i32
    %sub3A_81 = arith.subi %add3A_4, %sub3A_80 : i32
    %min3A_82 = arith.constant 20 : i32
    %min3A_83 = arith.minsi %min3A_82, %sub3A_81 : i32
    %add3A_84 = arith.addi %add3A_10, %min3A_83 : i32
    %mul3A_85 = arith.constant 8 : i32
    %mul3A_86 = arith.muli %add3A_84, %mul3A_85 : i32
    %multiple_of3A_87 = tpu.assume_multiple %mul3A_86, 8 : i32
    %dma_start3A_88 = arith.constant 1 : i32
    %dma_start3A_89 = arith.constant 1 : i32
    %dma_start3A_90 = arith.constant 0 : i32
    %dma_start3A_91 = arith.constant 0 : i32
    %dma_start3A_92 = tpu.memref_slice %arg7[%dma_start3A_88, %dma_start3A_90, %dma_start3A_91] : memref<2x160x128xf32, #tpu.memory_space<vmem>> -> memref<1x160x128xf32, #tpu.memory_space<vmem>>
    %dma_start3A_93 = tpu.memref_squeeze %dma_start3A_92 : memref<1x160x128xf32, #tpu.memory_space<vmem>> -> memref<160x128xf32, #tpu.memory_space<vmem>>
    %dma_start3A_94 = arith.constant 0 : i32
    %dma_start3A_95 = tpu.memref_slice %arg3[%multiple_of3A_87, %dma_start3A_94] : memref<100000x128xf32, #tpu.memory_space<hbm>> -> memref<160x128xf32, #tpu.memory_space<hbm>>
    %dma_start3A_96 = tpu.memref_slice %arg11[%dma_start3A_89] : memref<2x!tpu.dma_semaphore, #tpu.memory_space<semaphore_mem>> -> memref<1x!tpu.dma_semaphore, #tpu.memory_space<semaphore_mem>>
    %dma_start3A_97 = tpu.memref_squeeze %dma_start3A_96 : memref<1x!tpu.dma_semaphore, #tpu.memory_space<semaphore_mem>> -> memref<!tpu.dma_semaphore, #tpu.memory_space<semaphore_mem>>
    %dma_start3A_98 = arith.constant 0 : i32
    %dma_start3A_99 = arith.constant 0 : i32
    %dma_start3A_100 = tpu.memref_slice %arg7[%dma_start3A_88, %dma_start3A_98, %dma_start3A_99] : memref<2x160x128xf32, #tpu.memory_space<vmem>> -> memref<1x160x128xf32, #tpu.memory_space<vmem>>
    %dma_start3A_101 = tpu.memref_squeeze %dma_start3A_100 : memref<1x160x128xf32, #tpu.memory_space<vmem>> -> memref<160x128xf32, #tpu.memory_space<vmem>>
    %dma_start3A_102 = arith.constant 0 : i32
    %dma_start3A_103 = tpu.memref_slice %arg3[%multiple_of3A_87, %dma_start3A_102] : memref<100000x128xf32, #tpu.memory_space<hbm>> -> memref<160x128xf32, #tpu.memory_space<hbm>>
    tpu.enqueue_dma source(%dma_start3A_103 : memref<160x128xf32, #tpu.memory_space<hbm>>) target(%dma_start3A_101 : memref<160x128xf32, #tpu.memory_space<vmem>>) target_semaphore(%dma_start3A_97 : memref<!tpu.dma_semaphore, #tpu.memory_space<semaphore_mem>>)
    %broadcast_in_dim3A = arith.constant 0.000000e+00 : f32
    %broadcast_in_dim3A_104 = vector.broadcast %broadcast_in_dim3A : f32 to vector<16xf32>
    %sub3A_105 = arith.constant 20 : i32
    %sub3A_106 = arith.subi %add3A_4, %sub3A_105 : i32
    %min3A_107 = arith.constant 0 : i32
    %min3A_108 = arith.minsi %min3A_107, %sub3A_106 : i32
    %add3A_109 = arith.addi %add3A_10, %min3A_108 : i32
    %mul3A_110 = arith.constant 8 : i32
    %mul3A_111 = arith.muli %add3A_109, %mul3A_110 : i32
    %multiple_of3A_112 = tpu.assume_multiple %mul3A_111, 8 : i32
    %dma_wait3A = arith.constant 0 : i32
    %dma_wait3A_113 = arith.constant 0 : i32
    %dma_wait3A_114 = arith.constant 0 : i32
    %dma_wait3A_115 = arith.constant 0 : i32
    %dma_wait3A_116 = tpu.memref_slice %arg6[%dma_wait3A, %dma_wait3A_114, %dma_wait3A_115] : memref<2x160x128xf32, #tpu.memory_space<vmem>> -> memref<1x160x128xf32, #tpu.memory_space<vmem>>
    %dma_wait3A_117 = tpu.memref_squeeze %dma_wait3A_116 : memref<1x160x128xf32, #tpu.memory_space<vmem>> -> memref<160x128xf32, #tpu.memory_space<vmem>>
    %dma_wait3A_118 = arith.constant 0 : i32
    %dma_wait3A_119 = tpu.memref_slice %arg2[%multiple_of3A_112, %dma_wait3A_118] : memref<100000x128xf32, #tpu.memory_space<hbm>> -> memref<160x128xf32, #tpu.memory_space<hbm>>
    %dma_wait3A_120 = tpu.memref_slice %arg10[%dma_wait3A_113] : memref<2x!tpu.dma_semaphore, #tpu.memory_space<semaphore_mem>> -> memref<1x!tpu.dma_semaphore, #tpu.memory_space<semaphore_mem>>
    %dma_wait3A_121 = tpu.memref_squeeze %dma_wait3A_120 : memref<1x!tpu.dma_semaphore, #tpu.memory_space<semaphore_mem>> -> memref<!tpu.dma_semaphore, #tpu.memory_space<semaphore_mem>>
    %dma_wait3A_122 = arith.constant 0 : i32
    %dma_wait3A_123 = arith.constant 0 : i32
    %dma_wait3A_124 = tpu.memref_slice %arg6[%dma_wait3A, %dma_wait3A_122, %dma_wait3A_123] : memref<2x160x128xf32, #tpu.memory_space<vmem>> -> memref<1x160x128xf32, #tpu.memory_space<vmem>>
    %dma_wait3A_125 = tpu.memref_squeeze %dma_wait3A_124 : memref<1x160x128xf32, #tpu.memory_space<vmem>> -> memref<160x128xf32, #tpu.memory_space<vmem>>
    %dma_wait3A_126 = arith.constant 0 : i32
    %dma_wait3A_127 = tpu.memref_slice %arg2[%multiple_of3A_112, %dma_wait3A_126] : memref<100000x128xf32, #tpu.memory_space<hbm>> -> memref<160x128xf32, #tpu.memory_space<hbm>>
    tpu.wait_dma2 semaphore(%dma_wait3A_121 : memref<!tpu.dma_semaphore, #tpu.memory_space<semaphore_mem>>) src(%dma_wait3A_127 : memref<160x128xf32, #tpu.memory_space<hbm>>) dst(%dma_wait3A_125 : memref<160x128xf32, #tpu.memory_space<vmem>>)
    %sub3A_128 = arith.constant 20 : i32
    %sub3A_129 = arith.subi %add3A_4, %sub3A_128 : i32
    %min3A_130 = arith.constant 0 : i32
    %min3A_131 = arith.minsi %min3A_130, %sub3A_129 : i32
    %add3A_132 = arith.addi %add3A_10, %min3A_131 : i32
    %mul3A_133 = arith.constant 8 : i32
    %mul3A_134 = arith.muli %add3A_132, %mul3A_133 : i32
    %multiple_of3A_135 = tpu.assume_multiple %mul3A_134, 8 : i32
    %dma_wait3A_136 = arith.constant 0 : i32
    %dma_wait3A_137 = arith.constant 0 : i32
    %dma_wait3A_138 = arith.constant 0 : i32
    %dma_wait3A_139 = arith.constant 0 : i32
    %dma_wait3A_140 = tpu.memref_slice %arg7[%dma_wait3A_136, %dma_wait3A_138, %dma_wait3A_139] : memref<2x160x128xf32, #tpu.memory_space<vmem>> -> memref<1x160x128xf32, #tpu.memory_space<vmem>>
    %dma_wait3A_141 = tpu.memref_squeeze %dma_wait3A_140 : memref<1x160x128xf32, #tpu.memory_space<vmem>> -> memref<160x128xf32, #tpu.memory_space<vmem>>
    %dma_wait3A_142 = arith.constant 0 : i32
    %dma_wait3A_143 = tpu.memref_slice %arg3[%multiple_of3A_135, %dma_wait3A_142] : memref<100000x128xf32, #tpu.memory_space<hbm>> -> memref<160x128xf32, #tpu.memory_space<hbm>>
    %dma_wait3A_144 = tpu.memref_slice %arg11[%dma_wait3A_137] : memref<2x!tpu.dma_semaphore, #tpu.memory_space<semaphore_mem>> -> memref<1x!tpu.dma_semaphore, #tpu.memory_space<semaphore_mem>>
    %dma_wait3A_145 = tpu.memref_squeeze %dma_wait3A_144 : memref<1x!tpu.dma_semaphore, #tpu.memory_space<semaphore_mem>> -> memref<!tpu.dma_semaphore, #tpu.memory_space<semaphore_mem>>
    %dma_wait3A_146 = arith.constant 0 : i32
    %dma_wait3A_147 = arith.constant 0 : i32
    %dma_wait3A_148 = tpu.memref_slice %arg7[%dma_wait3A_136, %dma_wait3A_146, %dma_wait3A_147] : memref<2x160x128xf32, #tpu.memory_space<vmem>> -> memref<1x160x128xf32, #tpu.memory_space<vmem>>
    %dma_wait3A_149 = tpu.memref_squeeze %dma_wait3A_148 : memref<1x160x128xf32, #tpu.memory_space<vmem>> -> memref<160x128xf32, #tpu.memory_space<vmem>>
    %dma_wait3A_150 = arith.constant 0 : i32
    %dma_wait3A_151 = tpu.memref_slice %arg3[%multiple_of3A_135, %dma_wait3A_150] : memref<100000x128xf32, #tpu.memory_space<hbm>> -> memref<160x128xf32, #tpu.memory_space<hbm>>
    tpu.wait_dma2 semaphore(%dma_wait3A_145 : memref<!tpu.dma_semaphore, #tpu.memory_space<semaphore_mem>>) src(%dma_wait3A_151 : memref<160x128xf32, #tpu.memory_space<hbm>>) dst(%dma_wait3A_149 : memref<160x128xf32, #tpu.memory_space<vmem>>)
    %parallel_loop3A = arith.constant 0 : i32
    %parallel_loop3A_152 = arith.constant 160 : i32
    %parallel_loop3A_153 = arith.constant 1 : i32
    %parallel_loop3A_154:8 = scf.for %parallel_loop3A_730 = %parallel_loop3A to %parallel_loop3A_152 step %parallel_loop3A_153 iter_args(%parallel_loop3A_731 = %broadcast_in_dim3A_104, %parallel_loop3A_732 = %broadcast_in_dim3A_104, %parallel_loop3A_733 = %broadcast_in_dim3A_104, %parallel_loop3A_734 = %broadcast_in_dim3A_104, %parallel_loop3A_735 = %broadcast_in_dim3A_104, %parallel_loop3A_736 = %broadcast_in_dim3A_104, %parallel_loop3A_737 = %broadcast_in_dim3A_104, %parallel_loop3A_738 = %broadcast_in_dim3A_104) -> (vector<16xf32>, vector<16xf32>, vector<16xf32>, vector<16xf32>, vector<16xf32>, vector<16xf32>, vector<16xf32>, vector<16xf32>)  : i32 {
      %parallel_loop3A_739 = arith.constant 0 : i32
      %parallel_loop3A_740 = arith.index_cast %parallel_loop3A_739 : i32 to index
      %parallel_loop3A_741 = arith.index_cast %parallel_loop3A_730 : i32 to index
      %parallel_loop3A_742 = arith.constant 0 : index
      %parallel_loop3A_743 = tpu.vector_load %arg6[%parallel_loop3A_740, %parallel_loop3A_741, %parallel_loop3A_742] {strides = array<i32>} : memref<2x160x128xf32, #tpu.memory_space<vmem>>, vector<16xf32>,
      %parallel_loop3A_744 = math.exp %parallel_loop3A_743 : vector<16xf32>
      %parallel_loop3A_745 = arith.constant 0 : i32
      %parallel_loop3A_746 = arith.index_cast %parallel_loop3A_745 : i32 to index
      %parallel_loop3A_747 = arith.index_cast %parallel_loop3A_730 : i32 to index
      %parallel_loop3A_748 = arith.constant 0 : index
      %parallel_loop3A_749 = tpu.vector_load %arg7[%parallel_loop3A_746, %parallel_loop3A_747, %parallel_loop3A_748] {strides = array<i32>} : memref<2x160x128xf32, #tpu.memory_space<vmem>>, vector<16xf32>,
      %parallel_loop3A_750 = arith.mulf %parallel_loop3A_744, %parallel_loop3A_749 : vector<16xf32>
      %parallel_loop3A_751 = arith.constant 0 : i32
      %parallel_loop3A_752 = arith.index_cast %parallel_loop3A_751 : i32 to index
      %parallel_loop3A_753 = arith.index_cast %parallel_loop3A_730 : i32 to index
      %parallel_loop3A_754 = arith.constant 0 : index
      %parallel_loop3A_755 = tpu.vector_load %arg8[%parallel_loop3A_752, %parallel_loop3A_753, %parallel_loop3A_754] {strides = array<i32>} : memref<2x160x128xf32, #tpu.memory_space<vmem>>, vector<16xf32>,
      tpu.vector_store %arg8[%parallel_loop3A_752, %parallel_loop3A_753, %parallel_loop3A_754], %parallel_loop3A_750 {strides = array<i32>} : memref<2x160x128xf32, #tpu.memory_space<vmem>>, vector<16xf32>,
      %parallel_loop3A_756 = arith.addf %parallel_loop3A_731, %parallel_loop3A_750 : vector<16xf32>
      %parallel_loop3A_757 = arith.constant 0 : i32
      %parallel_loop3A_758 = arith.index_cast %parallel_loop3A_757 : i32 to index
      %parallel_loop3A_759 = arith.index_cast %parallel_loop3A_730 : i32 to index
      %parallel_loop3A_760 = arith.constant 16 : index
      %parallel_loop3A_761 = tpu.vector_load %arg6[%parallel_loop3A_758, %parallel_loop3A_759, %parallel_loop3A_760] {strides = array<i32>} : memref<2x160x128xf32, #tpu.memory_space<vmem>>, vector<16xf32>,
      %parallel_loop3A_762 = math.exp %parallel_loop3A_761 : vector<16xf32>
      %parallel_loop3A_763 = arith.constant 0 : i32
      %parallel_loop3A_764 = arith.index_cast %parallel_loop3A_763 : i32 to index
      %parallel_loop3A_765 = arith.index_cast %parallel_loop3A_730 : i32 to index
      %parallel_loop3A_766 = arith.constant 16 : index
      %parallel_loop3A_767 = tpu.vector_load %arg7[%parallel_loop3A_764, %parallel_loop3A_765, %parallel_loop3A_766] {strides = array<i32>} : memref<2x160x128xf32, #tpu.memory_space<vmem>>, vector<16xf32>,
      %parallel_loop3A_768 = arith.mulf %parallel_loop3A_762, %parallel_loop3A_767 : vector<16xf32>
      %parallel_loop3A_769 = arith.constant 0 : i32
      %parallel_loop3A_770 = arith.index_cast %parallel_loop3A_769 : i32 to index
      %parallel_loop3A_771 = arith.index_cast %parallel_loop3A_730 : i32 to index
      %parallel_loop3A_772 = arith.constant 16 : index
      %parallel_loop3A_773 = tpu.vector_load %arg8[%parallel_loop3A_770, %parallel_loop3A_771, %parallel_loop3A_772] {strides = array<i32>} : memref<2x160x128xf32, #tpu.memory_space<vmem>>, vector<16xf32>,
      tpu.vector_store %arg8[%parallel_loop3A_770, %parallel_loop3A_771, %parallel_loop3A_772], %parallel_loop3A_768 {strides = array<i32>} : memref<2x160x128xf32, #tpu.memory_space<vmem>>, vector<16xf32>,
      %parallel_loop3A_774 = arith.addf %parallel_loop3A_732, %parallel_loop3A_768 : vector<16xf32>
      %parallel_loop3A_775 = arith.constant 0 : i32
      %parallel_loop3A_776 = arith.index_cast %parallel_loop3A_775 : i32 to index
      %parallel_loop3A_777 = arith.index_cast %parallel_loop3A_730 : i32 to index
      %parallel_loop3A_778 = arith.constant 32 : index
      %parallel_loop3A_779 = tpu.vector_load %arg6[%parallel_loop3A_776, %parallel_loop3A_777, %parallel_loop3A_778] {strides = array<i32>} : memref<2x160x128xf32, #tpu.memory_space<vmem>>, vector<16xf32>,
      %parallel_loop3A_780 = math.exp %parallel_loop3A_779 : vector<16xf32>
      %parallel_loop3A_781 = arith.constant 0 : i32
      %parallel_loop3A_782 = arith.index_cast %parallel_loop3A_781 : i32 to index
      %parallel_loop3A_783 = arith.index_cast %parallel_loop3A_730 : i32 to index
      %parallel_loop3A_784 = arith.constant 32 : index
      %parallel_loop3A_785 = tpu.vector_load %arg7[%parallel_loop3A_782, %parallel_loop3A_783, %parallel_loop3A_784] {strides = array<i32>} : memref<2x160x128xf32, #tpu.memory_space<vmem>>, vector<16xf32>,
      %parallel_loop3A_786 = arith.mulf %parallel_loop3A_780, %parallel_loop3A_785 : vector<16xf32>
      %parallel_loop3A_787 = arith.constant 0 : i32
      %parallel_loop3A_788 = arith.index_cast %parallel_loop3A_787 : i32 to index
      %parallel_loop3A_789 = arith.index_cast %parallel_loop3A_730 : i32 to index
      %parallel_loop3A_790 = arith.constant 32 : index
      %parallel_loop3A_791 = tpu.vector_load %arg8[%parallel_loop3A_788, %parallel_loop3A_789, %parallel_loop3A_790] {strides = array<i32>} : memref<2x160x128xf32, #tpu.memory_space<vmem>>, vector<16xf32>,
      tpu.vector_store %arg8[%parallel_loop3A_788, %parallel_loop3A_789, %parallel_loop3A_790], %parallel_loop3A_786 {strides = array<i32>} : memref<2x160x128xf32, #tpu.memory_space<vmem>>, vector<16xf32>,
      %parallel_loop3A_792 = arith.addf %parallel_loop3A_733, %parallel_loop3A_786 : vector<16xf32>
      %parallel_loop3A_793 = arith.constant 0 : i32
      %parallel_loop3A_794 = arith.index_cast %parallel_loop3A_793 : i32 to index
      %parallel_loop3A_795 = arith.index_cast %parallel_loop3A_730 : i32 to index
      %parallel_loop3A_796 = arith.constant 48 : index
      %parallel_loop3A_797 = tpu.vector_load %arg6[%parallel_loop3A_794, %parallel_loop3A_795, %parallel_loop3A_796] {strides = array<i32>} : memref<2x160x128xf32, #tpu.memory_space<vmem>>, vector<16xf32>,
      %parallel_loop3A_798 = math.exp %parallel_loop3A_797 : vector<16xf32>
      %parallel_loop3A_799 = arith.constant 0 : i32
      %parallel_loop3A_800 = arith.index_cast %parallel_loop3A_799 : i32 to index
      %parallel_loop3A_801 = arith.index_cast %parallel_loop3A_730 : i32 to index
      %parallel_loop3A_802 = arith.constant 48 : index
      %parallel_loop3A_803 = tpu.vector_load %arg7[%parallel_loop3A_800, %parallel_loop3A_801, %parallel_loop3A_802] {strides = array<i32>} : memref<2x160x128xf32, #tpu.memory_space<vmem>>, vector<16xf32>,
      %parallel_loop3A_804 = arith.mulf %parallel_loop3A_798, %parallel_loop3A_803 : vector<16xf32>
      %parallel_loop3A_805 = arith.constant 0 : i32
      %parallel_loop3A_806 = arith.index_cast %parallel_loop3A_805 : i32 to index
      %parallel_loop3A_807 = arith.index_cast %parallel_loop3A_730 : i32 to index
      %parallel_loop3A_808 = arith.constant 48 : index
      %parallel_loop3A_809 = tpu.vector_load %arg8[%parallel_loop3A_806, %parallel_loop3A_807, %parallel_loop3A_808] {strides = array<i32>} : memref<2x160x128xf32, #tpu.memory_space<vmem>>, vector<16xf32>,
      tpu.vector_store %arg8[%parallel_loop3A_806, %parallel_loop3A_807, %parallel_loop3A_808], %parallel_loop3A_804 {strides = array<i32>} : memref<2x160x128xf32, #tpu.memory_space<vmem>>, vector<16xf32>,
      %parallel_loop3A_810 = arith.addf %parallel_loop3A_734, %parallel_loop3A_804 : vector<16xf32>
      %parallel_loop3A_811 = arith.constant 0 : i32
      %parallel_loop3A_812 = arith.index_cast %parallel_loop3A_811 : i32 to index
      %parallel_loop3A_813 = arith.index_cast %parallel_loop3A_730 : i32 to index
      %parallel_loop3A_814 = arith.constant 64 : index
      %parallel_loop3A_815 = tpu.vector_load %arg6[%parallel_loop3A_812, %parallel_loop3A_813, %parallel_loop3A_814] {strides = array<i32>} : memref<2x160x128xf32, #tpu.memory_space<vmem>>, vector<16xf32>,
      %parallel_loop3A_816 = math.exp %parallel_loop3A_815 : vector<16xf32>
      %parallel_loop3A_817 = arith.constant 0 : i32
      %parallel_loop3A_818 = arith.index_cast %parallel_loop3A_817 : i32 to index
      %parallel_loop3A_819 = arith.index_cast %parallel_loop3A_730 : i32 to index
      %parallel_loop3A_820 = arith.constant 64 : index
      %parallel_loop3A_821 = tpu.vector_load %arg7[%parallel_loop3A_818, %parallel_loop3A_819, %parallel_loop3A_820] {strides = array<i32>} : memref<2x160x128xf32, #tpu.memory_space<vmem>>, vector<16xf32>,
      %parallel_loop3A_822 = arith.mulf %parallel_loop3A_816, %parallel_loop3A_821 : vector<16xf32>
      %parallel_loop3A_823 = arith.constant 0 : i32
      %parallel_loop3A_824 = arith.index_cast %parallel_loop3A_823 : i32 to index
      %parallel_loop3A_825 = arith.index_cast %parallel_loop3A_730 : i32 to index
      %parallel_loop3A_826 = arith.constant 64 : index
      %parallel_loop3A_827 = tpu.vector_load %arg8[%parallel_loop3A_824, %parallel_loop3A_825, %parallel_loop3A_826] {strides = array<i32>} : memref<2x160x128xf32, #tpu.memory_space<vmem>>, vector<16xf32>,
      tpu.vector_store %arg8[%parallel_loop3A_824, %parallel_loop3A_825, %parallel_loop3A_826], %parallel_loop3A_822 {strides = array<i32>} : memref<2x160x128xf32, #tpu.memory_space<vmem>>, vector<16xf32>,
      %parallel_loop3A_828 = arith.addf %parallel_loop3A_735, %parallel_loop3A_822 : vector<16xf32>
      %parallel_loop3A_829 = arith.constant 0 : i32
      %parallel_loop3A_830 = arith.index_cast %parallel_loop3A_829 : i32 to index
      %parallel_loop3A_831 = arith.index_cast %parallel_loop3A_730 : i32 to index
      %parallel_loop3A_832 = arith.constant 80 : index
      %parallel_loop3A_833 = tpu.vector_load %arg6[%parallel_loop3A_830, %parallel_loop3A_831, %parallel_loop3A_832] {strides = array<i32>} : memref<2x160x128xf32, #tpu.memory_space<vmem>>, vector<16xf32>,
      %parallel_loop3A_834 = math.exp %parallel_loop3A_833 : vector<16xf32>
      %parallel_loop3A_835 = arith.constant 0 : i32
      %parallel_loop3A_836 = arith.index_cast %parallel_loop3A_835 : i32 to index
      %parallel_loop3A_837 = arith.index_cast %parallel_loop3A_730 : i32 to index
      %parallel_loop3A_838 = arith.constant 80 : index
      %parallel_loop3A_839 = tpu.vector_load %arg7[%parallel_loop3A_836, %parallel_loop3A_837, %parallel_loop3A_838] {strides = array<i32>} : memref<2x160x128xf32, #tpu.memory_space<vmem>>, vector<16xf32>,
      %parallel_loop3A_840 = arith.mulf %parallel_loop3A_834, %parallel_loop3A_839 : vector<16xf32>
      %parallel_loop3A_841 = arith.constant 0 : i32
      %parallel_loop3A_842 = arith.index_cast %parallel_loop3A_841 : i32 to index
      %parallel_loop3A_843 = arith.index_cast %parallel_loop3A_730 : i32 to index
      %parallel_loop3A_844 = arith.constant 80 : index
      %parallel_loop3A_845 = tpu.vector_load %arg8[%parallel_loop3A_842, %parallel_loop3A_843, %parallel_loop3A_844] {strides = array<i32>} : memref<2x160x128xf32, #tpu.memory_space<vmem>>, vector<16xf32>,
      tpu.vector_store %arg8[%parallel_loop3A_842, %parallel_loop3A_843, %parallel_loop3A_844], %parallel_loop3A_840 {strides = array<i32>} : memref<2x160x128xf32, #tpu.memory_space<vmem>>, vector<16xf32>,
      %parallel_loop3A_846 = arith.addf %parallel_loop3A_736, %parallel_loop3A_840 : vector<16xf32>
      %parallel_loop3A_847 = arith.constant 0 : i32
      %parallel_loop3A_848 = arith.index_cast %parallel_loop3A_847 : i32 to index
      %parallel_loop3A_849 = arith.index_cast %parallel_loop3A_730 : i32 to index
      %parallel_loop3A_850 = arith.constant 96 : index
      %parallel_loop3A_851 = tpu.vector_load %arg6[%parallel_loop3A_848, %parallel_loop3A_849, %parallel_loop3A_850] {strides = array<i32>} : memref<2x160x128xf32, #tpu.memory_space<vmem>>, vector<16xf32>,
      %parallel_loop3A_852 = math.exp %parallel_loop3A_851 : vector<16xf32>
      %parallel_loop3A_853 = arith.constant 0 : i32
      %parallel_loop3A_854 = arith.index_cast %parallel_loop3A_853 : i32 to index
      %parallel_loop3A_855 = arith.index_cast %parallel_loop3A_730 : i32 to index
      %parallel_loop3A_856 = arith.constant 96 : index
      %parallel_loop3A_857 = tpu.vector_load %arg7[%parallel_loop3A_854, %parallel_loop3A_855, %parallel_loop3A_856] {strides = array<i32>} : memref<2x160x128xf32, #tpu.memory_space<vmem>>, vector<16xf32>,
      %parallel_loop3A_858 = arith.mulf %parallel_loop3A_852, %parallel_loop3A_857 : vector<16xf32>
      %parallel_loop3A_859 = arith.constant 0 : i32
      %parallel_loop3A_860 = arith.index_cast %parallel_loop3A_859 : i32 to index
      %parallel_loop3A_861 = arith.index_cast %parallel_loop3A_730 : i32 to index
      %parallel_loop3A_862 = arith.constant 96 : index
      %parallel_loop3A_863 = tpu.vector_load %arg8[%parallel_loop3A_860, %parallel_loop3A_861, %parallel_loop3A_862] {strides = array<i32>} : memref<2x160x128xf32, #tpu.memory_space<vmem>>, vector<16xf32>,
      tpu.vector_store %arg8[%parallel_loop3A_860, %parallel_loop3A_861, %parallel_loop3A_862], %parallel_loop3A_858 {strides = array<i32>} : memref<2x160x128xf32, #tpu.memory_space<vmem>>, vector<16xf32>,
      %parallel_loop3A_864 = arith.addf %parallel_loop3A_737, %parallel_loop3A_858 : vector<16xf32>
      %parallel_loop3A_865 = arith.constant 0 : i32
      %parallel_loop3A_866 = arith.index_cast %parallel_loop3A_865 : i32 to index
      %parallel_loop3A_867 = arith.index_cast %parallel_loop3A_730 : i32 to index
      %parallel_loop3A_868 = arith.constant 112 : index
      %parallel_loop3A_869 = tpu.vector_load %arg6[%parallel_loop3A_866, %parallel_loop3A_867, %parallel_loop3A_868] {strides = array<i32>} : memref<2x160x128xf32, #tpu.memory_space<vmem>>, vector<16xf32>,
      %parallel_loop3A_870 = math.exp %parallel_loop3A_869 : vector<16xf32>
      %parallel_loop3A_871 = arith.constant 0 : i32
      %parallel_loop3A_872 = arith.index_cast %parallel_loop3A_871 : i32 to index
      %parallel_loop3A_873 = arith.index_cast %parallel_loop3A_730 : i32 to index
      %parallel_loop3A_874 = arith.constant 112 : index
      %parallel_loop3A_875 = tpu.vector_load %arg7[%parallel_loop3A_872, %parallel_loop3A_873, %parallel_loop3A_874] {strides = array<i32>} : memref<2x160x128xf32, #tpu.memory_space<vmem>>, vector<16xf32>,
      %parallel_loop3A_876 = arith.mulf %parallel_loop3A_870, %parallel_loop3A_875 : vector<16xf32>
      %parallel_loop3A_877 = arith.constant 0 : i32
      %parallel_loop3A_878 = arith.index_cast %parallel_loop3A_877 : i32 to index
      %parallel_loop3A_879 = arith.index_cast %parallel_loop3A_730 : i32 to index
      %parallel_loop3A_880 = arith.constant 112 : index
      %parallel_loop3A_881 = tpu.vector_load %arg8[%parallel_loop3A_878, %parallel_loop3A_879, %parallel_loop3A_880] {strides = array<i32>} : memref<2x160x128xf32, #tpu.memory_space<vmem>>, vector<16xf32>,
      tpu.vector_store %arg8[%parallel_loop3A_878, %parallel_loop3A_879, %parallel_loop3A_880], %parallel_loop3A_876 {strides = array<i32>} : memref<2x160x128xf32, #tpu.memory_space<vmem>>, vector<16xf32>,
      %parallel_loop3A_882 = arith.addf %parallel_loop3A_738, %parallel_loop3A_876 : vector<16xf32>
      scf.yield %parallel_loop3A_756, %parallel_loop3A_774, %parallel_loop3A_792, %parallel_loop3A_810, %parallel_loop3A_828, %parallel_loop3A_846, %parallel_loop3A_864, %parallel_loop3A_882 : vector<16xf32>, vector<16xf32>, vector<16xf32>, vector<16xf32>, vector<16xf32>, vector<16xf32>, vector<16xf32>, vector<16xf32>
    } {sc.loop_unroll_factor = 2 : i64, sc.parallel_access}
    %sub3A_155 = arith.constant 20 : i32
    %sub3A_156 = arith.subi %add3A_4, %sub3A_155 : i32
    %min3A_157 = arith.constant 0 : i32
    %min3A_158 = arith.minsi %min3A_157, %sub3A_156 : i32
    %add3A_159 = arith.addi %add3A_10, %min3A_158 : i32
    %mul3A_160 = arith.constant 8 : i32
    %mul3A_161 = arith.muli %add3A_159, %mul3A_160 : i32
    %multiple_of3A_162 = tpu.assume_multiple %mul3A_161, 8 : i32
    %dma_start3A_163 = arith.constant 0 : i32
    %dma_start3A_164 = arith.constant 0 : i32
    %dma_start3A_165 = arith.constant 0 : i32
    %dma_start3A_166 = arith.constant 0 : i32
    %dma_start3A_167 = tpu.memref_slice %arg8[%dma_start3A_163, %dma_start3A_165, %dma_start3A_166] : memref<2x160x128xf32, #tpu.memory_space<vmem>> -> memref<1x160x128xf32, #tpu.memory_space<vmem>>
    %dma_start3A_168 = tpu.memref_squeeze %dma_start3A_167 : memref<1x160x128xf32, #tpu.memory_space<vmem>> -> memref<160x128xf32, #tpu.memory_space<vmem>>
    %dma_start3A_169 = arith.constant 0 : i32
    %dma_start3A_170 = tpu.memref_slice %arg4[%multiple_of3A_162, %dma_start3A_169] : memref<100000x128xf32, #tpu.memory_space<hbm>> -> memref<160x128xf32, #tpu.memory_space<hbm>>
    %dma_start3A_171 = tpu.memref_slice %arg12[%dma_start3A_164] : memref<2x!tpu.dma_semaphore, #tpu.memory_space<semaphore_mem>> -> memref<1x!tpu.dma_semaphore, #tpu.memory_space<semaphore_mem>>
    %dma_start3A_172 = tpu.memref_squeeze %dma_start3A_171 : memref<1x!tpu.dma_semaphore, #tpu.memory_space<semaphore_mem>> -> memref<!tpu.dma_semaphore, #tpu.memory_space<semaphore_mem>>
    %dma_start3A_173 = arith.constant 0 : i32
    %dma_start3A_174 = tpu.memref_slice %arg4[%multiple_of3A_162, %dma_start3A_173] : memref<100000x128xf32, #tpu.memory_space<hbm>> -> memref<160x128xf32, #tpu.memory_space<hbm>>
    %dma_start3A_175 = arith.constant 0 : i32
    %dma_start3A_176 = arith.constant 0 : i32
    %dma_start3A_177 = tpu.memref_slice %arg8[%dma_start3A_163, %dma_start3A_175, %dma_start3A_176] : memref<2x160x128xf32, #tpu.memory_space<vmem>> -> memref<1x160x128xf32, #tpu.memory_space<vmem>>
    %dma_start3A_178 = tpu.memref_squeeze %dma_start3A_177 : memref<1x160x128xf32, #tpu.memory_space<vmem>> -> memref<160x128xf32, #tpu.memory_space<vmem>>
    tpu.enqueue_dma source(%dma_start3A_178 : memref<160x128xf32, #tpu.memory_space<vmem>>) target(%dma_start3A_174 : memref<160x128xf32, #tpu.memory_space<hbm>>) target_semaphore(%dma_start3A_172 : memref<!tpu.dma_semaphore, #tpu.memory_space<semaphore_mem>>)
    %sub3A_179 = arith.constant 20 : i32
    %sub3A_180 = arith.subi %add3A_4, %sub3A_179 : i32
    %min3A_181 = arith.constant 40 : i32
    %min3A_182 = arith.minsi %min3A_181, %sub3A_180 : i32
    %add3A_183 = arith.addi %add3A_10, %min3A_182 : i32
    %mul3A_184 = arith.constant 8 : i32
    %mul3A_185 = arith.muli %add3A_183, %mul3A_184 : i32
    %multiple_of3A_186 = tpu.assume_multiple %mul3A_185, 8 : i32
    %dma_start3A_187 = arith.constant 0 : i32
    %dma_start3A_188 = arith.constant 0 : i32
    %dma_start3A_189 = arith.constant 0 : i32
    %dma_start3A_190 = arith.constant 0 : i32
    %dma_start3A_191 = tpu.memref_slice %arg6[%dma_start3A_187, %dma_start3A_189, %dma_start3A_190] : memref<2x160x128xf32, #tpu.memory_space<vmem>> -> memref<1x160x128xf32, #tpu.memory_space<vmem>>
    %dma_start3A_192 = tpu.memref_squeeze %dma_start3A_191 : memref<1x160x128xf32, #tpu.memory_space<vmem>> -> memref<160x128xf32, #tpu.memory_space<vmem>>
    %dma_start3A_193 = arith.constant 0 : i32
    %dma_start3A_194 = tpu.memref_slice %arg2[%multiple_of3A_186, %dma_start3A_193] : memref<100000x128xf32, #tpu.memory_space<hbm>> -> memref<160x128xf32, #tpu.memory_space<hbm>>
    %dma_start3A_195 = tpu.memref_slice %arg10[%dma_start3A_188] : memref<2x!tpu.dma_semaphore, #tpu.memory_space<semaphore_mem>> -> memref<1x!tpu.dma_semaphore, #tpu.memory_space<semaphore_mem>>
    %dma_start3A_196 = tpu.memref_squeeze %dma_start3A_195 : memref<1x!tpu.dma_semaphore, #tpu.memory_space<semaphore_mem>> -> memref<!tpu.dma_semaphore, #tpu.memory_space<semaphore_mem>>
    %dma_start3A_197 = arith.constant 0 : i32
    %dma_start3A_198 = arith.constant 0 : i32
    %dma_start3A_199 = tpu.memref_slice %arg6[%dma_start3A_187, %dma_start3A_197, %dma_start3A_198] : memref<2x160x128xf32, #tpu.memory_space<vmem>> -> memref<1x160x128xf32, #tpu.memory_space<vmem>>
    %dma_start3A_200 = tpu.memref_squeeze %dma_start3A_199 : memref<1x160x128xf32, #tpu.memory_space<vmem>> -> memref<160x128xf32, #tpu.memory_space<vmem>>
    %dma_start3A_201 = arith.constant 0 : i32
    %dma_start3A_202 = tpu.memref_slice %arg2[%multiple_of3A_186, %dma_start3A_201] : memref<100000x128xf32, #tpu.memory_space<hbm>> -> memref<160x128xf32, #tpu.memory_space<hbm>>
    tpu.enqueue_dma source(%dma_start3A_202 : memref<160x128xf32, #tpu.memory_space<hbm>>) target(%dma_start3A_200 : memref<160x128xf32, #tpu.memory_space<vmem>>) target_semaphore(%dma_start3A_196 : memref<!tpu.dma_semaphore, #tpu.memory_space<semaphore_mem>>)
    %sub3A_203 = arith.constant 20 : i32
    %sub3A_204 = arith.subi %add3A_4, %sub3A_203 : i32
    %min3A_205 = arith.constant 40 : i32
    %min3A_206 = arith.minsi %min3A_205, %sub3A_204 : i32
    %add3A_207 = arith.addi %add3A_10, %min3A_206 : i32
    %mul3A_208 = arith.constant 8 : i32
    %mul3A_209 = arith.muli %add3A_207, %mul3A_208 : i32
    %multiple_of3A_210 = tpu.assume_multiple %mul3A_209, 8 : i32
    %dma_start3A_211 = arith.constant 0 : i32
    %dma_start3A_212 = arith.constant 0 : i32
    %dma_start3A_213 = arith.constant 0 : i32
    %dma_start3A_214 = arith.constant 0 : i32
    %dma_start3A_215 = tpu.memref_slice %arg7[%dma_start3A_211, %dma_start3A_213, %dma_start3A_214] : memref<2x160x128xf32, #tpu.memory_space<vmem>> -> memref<1x160x128xf32, #tpu.memory_space<vmem>>
    %dma_start3A_216 = tpu.memref_squeeze %dma_start3A_215 : memref<1x160x128xf32, #tpu.memory_space<vmem>> -> memref<160x128xf32, #tpu.memory_space<vmem>>
    %dma_start3A_217 = arith.constant 0 : i32
    %dma_start3A_218 = tpu.memref_slice %arg3[%multiple_of3A_210, %dma_start3A_217] : memref<100000x128xf32, #tpu.memory_space<hbm>> -> memref<160x128xf32, #tpu.memory_space<hbm>>
    %dma_start3A_219 = tpu.memref_slice %arg11[%dma_start3A_212] : memref<2x!tpu.dma_semaphore, #tpu.memory_space<semaphore_mem>> -> memref<1x!tpu.dma_semaphore, #tpu.memory_space<semaphore_mem>>
    %dma_start3A_220 = tpu.memref_squeeze %dma_start3A_219 : memref<1x!tpu.dma_semaphore, #tpu.memory_space<semaphore_mem>> -> memref<!tpu.dma_semaphore, #tpu.memory_space<semaphore_mem>>
    %dma_start3A_221 = arith.constant 0 : i32
    %dma_start3A_222 = arith.constant 0 : i32
    %dma_start3A_223 = tpu.memref_slice %arg7[%dma_start3A_211, %dma_start3A_221, %dma_start3A_222] : memref<2x160x128xf32, #tpu.memory_space<vmem>> -> memref<1x160x128xf32, #tpu.memory_space<vmem>>
    %dma_start3A_224 = tpu.memref_squeeze %dma_start3A_223 : memref<1x160x128xf32, #tpu.memory_space<vmem>> -> memref<160x128xf32, #tpu.memory_space<vmem>>
    %dma_start3A_225 = arith.constant 0 : i32
    %dma_start3A_226 = tpu.memref_slice %arg3[%multiple_of3A_210, %dma_start3A_225] : memref<100000x128xf32, #tpu.memory_space<hbm>> -> memref<160x128xf32, #tpu.memory_space<hbm>>
    tpu.enqueue_dma source(%dma_start3A_226 : memref<160x128xf32, #tpu.memory_space<hbm>>) target(%dma_start3A_224 : memref<160x128xf32, #tpu.memory_space<vmem>>) target_semaphore(%dma_start3A_220 : memref<!tpu.dma_semaphore, #tpu.memory_space<semaphore_mem>>)
    %sub3A_227 = arith.constant 20 : i32
    %sub3A_228 = arith.subi %add3A_4, %sub3A_227 : i32
    %min3A_229 = arith.constant 20 : i32
    %min3A_230 = arith.minsi %min3A_229, %sub3A_228 : i32
    %add3A_231 = arith.addi %add3A_10, %min3A_230 : i32
    %mul3A_232 = arith.constant 8 : i32
    %mul3A_233 = arith.muli %add3A_231, %mul3A_232 : i32
    %multiple_of3A_234 = tpu.assume_multiple %mul3A_233, 8 : i32
    %dma_wait3A_235 = arith.constant 1 : i32
    %dma_wait3A_236 = arith.constant 1 : i32
    %dma_wait3A_237 = arith.constant 0 : i32
    %dma_wait3A_238 = arith.constant 0 : i32
    %dma_wait3A_239 = tpu.memref_slice %arg6[%dma_wait3A_235, %dma_wait3A_237, %dma_wait3A_238] : memref<2x160x128xf32, #tpu.memory_space<vmem>> -> memref<1x160x128xf32, #tpu.memory_space<vmem>>
    %dma_wait3A_240 = tpu.memref_squeeze %dma_wait3A_239 : memref<1x160x128xf32, #tpu.memory_space<vmem>> -> memref<160x128xf32, #tpu.memory_space<vmem>>
    %dma_wait3A_241 = arith.constant 0 : i32
    %dma_wait3A_242 = tpu.memref_slice %arg2[%multiple_of3A_234, %dma_wait3A_241] : memref<100000x128xf32, #tpu.memory_space<hbm>> -> memref<160x128xf32, #tpu.memory_space<hbm>>
    %dma_wait3A_243 = tpu.memref_slice %arg10[%dma_wait3A_236] : memref<2x!tpu.dma_semaphore, #tpu.memory_space<semaphore_mem>> -> memref<1x!tpu.dma_semaphore, #tpu.memory_space<semaphore_mem>>
    %dma_wait3A_244 = tpu.memref_squeeze %dma_wait3A_243 : memref<1x!tpu.dma_semaphore, #tpu.memory_space<semaphore_mem>> -> memref<!tpu.dma_semaphore, #tpu.memory_space<semaphore_mem>>
    %dma_wait3A_245 = arith.constant 0 : i32
    %dma_wait3A_246 = arith.constant 0 : i32
    %dma_wait3A_247 = tpu.memref_slice %arg6[%dma_wait3A_235, %dma_wait3A_245, %dma_wait3A_246] : memref<2x160x128xf32, #tpu.memory_space<vmem>> -> memref<1x160x128xf32, #tpu.memory_space<vmem>>
    %dma_wait3A_248 = tpu.memref_squeeze %dma_wait3A_247 : memref<1x160x128xf32, #tpu.memory_space<vmem>> -> memref<160x128xf32, #tpu.memory_space<vmem>>
    %dma_wait3A_249 = arith.constant 0 : i32
    %dma_wait3A_250 = tpu.memref_slice %arg2[%multiple_of3A_234, %dma_wait3A_249] : memref<100000x128xf32, #tpu.memory_space<hbm>> -> memref<160x128xf32, #tpu.memory_space<hbm>>
    tpu.wait_dma2 semaphore(%dma_wait3A_244 : memref<!tpu.dma_semaphore, #tpu.memory_space<semaphore_mem>>) src(%dma_wait3A_250 : memref<160x128xf32, #tpu.memory_space<hbm>>) dst(%dma_wait3A_248 : memref<160x128xf32, #tpu.memory_space<vmem>>)
    %sub3A_251 = arith.constant 20 : i32
    %sub3A_252 = arith.subi %add3A_4, %sub3A_251 : i32
    %min3A_253 = arith.constant 20 : i32
    %min3A_254 = arith.minsi %min3A_253, %sub3A_252 : i32
    %add3A_255 = arith.addi %add3A_10, %min3A_254 : i32
    %mul3A_256 = arith.constant 8 : i32
    %mul3A_257 = arith.muli %add3A_255, %mul3A_256 : i32
    %multiple_of3A_258 = tpu.assume_multiple %mul3A_257, 8 : i32
    %dma_wait3A_259 = arith.constant 1 : i32
    %dma_wait3A_260 = arith.constant 1 : i32
    %dma_wait3A_261 = arith.constant 0 : i32
    %dma_wait3A_262 = arith.constant 0 : i32
    %dma_wait3A_263 = tpu.memref_slice %arg7[%dma_wait3A_259, %dma_wait3A_261, %dma_wait3A_262] : memref<2x160x128xf32, #tpu.memory_space<vmem>> -> memref<1x160x128xf32, #tpu.memory_space<vmem>>
    %dma_wait3A_264 = tpu.memref_squeeze %dma_wait3A_263 : memref<1x160x128xf32, #tpu.memory_space<vmem>> -> memref<160x128xf32, #tpu.memory_space<vmem>>
    %dma_wait3A_265 = arith.constant 0 : i32
    %dma_wait3A_266 = tpu.memref_slice %arg3[%multiple_of3A_258, %dma_wait3A_265] : memref<100000x128xf32, #tpu.memory_space<hbm>> -> memref<160x128xf32, #tpu.memory_space<hbm>>
    %dma_wait3A_267 = tpu.memref_slice %arg11[%dma_wait3A_260] : memref<2x!tpu.dma_semaphore, #tpu.memory_space<semaphore_mem>> -> memref<1x!tpu.dma_semaphore, #tpu.memory_space<semaphore_mem>>
    %dma_wait3A_268 = tpu.memref_squeeze %dma_wait3A_267 : memref<1x!tpu.dma_semaphore, #tpu.memory_space<semaphore_mem>> -> memref<!tpu.dma_semaphore, #tpu.memory_space<semaphore_mem>>
    %dma_wait3A_269 = arith.constant 0 : i32
    %dma_wait3A_270 = arith.constant 0 : i32
    %dma_wait3A_271 = tpu.memref_slice %arg7[%dma_wait3A_259, %dma_wait3A_269, %dma_wait3A_270] : memref<2x160x128xf32, #tpu.memory_space<vmem>> -> memref<1x160x128xf32, #tpu.memory_space<vmem>>
    %dma_wait3A_272 = tpu.memref_squeeze %dma_wait3A_271 : memref<1x160x128xf32, #tpu.memory_space<vmem>> -> memref<160x128xf32, #tpu.memory_space<vmem>>
    %dma_wait3A_273 = arith.constant 0 : i32
    %dma_wait3A_274 = tpu.memref_slice %arg3[%multiple_of3A_258, %dma_wait3A_273] : memref<100000x128xf32, #tpu.memory_space<hbm>> -> memref<160x128xf32, #tpu.memory_space<hbm>>
    tpu.wait_dma2 semaphore(%dma_wait3A_268 : memref<!tpu.dma_semaphore, #tpu.memory_space<semaphore_mem>>) src(%dma_wait3A_274 : memref<160x128xf32, #tpu.memory_space<hbm>>) dst(%dma_wait3A_272 : memref<160x128xf32, #tpu.memory_space<vmem>>)
    %parallel_loop3A_275 = arith.constant 0 : i32
    %parallel_loop3A_276 = arith.constant 160 : i32
    %parallel_loop3A_277 = arith.constant 1 : i32
    %parallel_loop3A_278:8 = scf.for %parallel_loop3A_730 = %parallel_loop3A_275 to %parallel_loop3A_276 step %parallel_loop3A_277 iter_args(%parallel_loop3A_731 = %parallel_loop3A_154#0, %parallel_loop3A_732 = %parallel_loop3A_154#1, %parallel_loop3A_733 = %parallel_loop3A_154#2, %parallel_loop3A_734 = %parallel_loop3A_154#3, %parallel_loop3A_735 = %parallel_loop3A_154#4, %parallel_loop3A_736 = %parallel_loop3A_154#5, %parallel_loop3A_737 = %parallel_loop3A_154#6, %parallel_loop3A_738 = %parallel_loop3A_154#7) -> (vector<16xf32>, vector<16xf32>, vector<16xf32>, vector<16xf32>, vector<16xf32>, vector<16xf32>, vector<16xf32>, vector<16xf32>)  : i32 {
      %parallel_loop3A_739 = arith.constant 1 : i32
      %parallel_loop3A_740 = arith.index_cast %parallel_loop3A_739 : i32 to index
      %parallel_loop3A_741 = arith.index_cast %parallel_loop3A_730 : i32 to index
      %parallel_loop3A_742 = arith.constant 0 : index
      %parallel_loop3A_743 = tpu.vector_load %arg6[%parallel_loop3A_740, %parallel_loop3A_741, %parallel_loop3A_742] {strides = array<i32>} : memref<2x160x128xf32, #tpu.memory_space<vmem>>, vector<16xf32>,
      %parallel_loop3A_744 = math.exp %parallel_loop3A_743 : vector<16xf32>
      %parallel_loop3A_745 = arith.constant 1 : i32
      %parallel_loop3A_746 = arith.index_cast %parallel_loop3A_745 : i32 to index
      %parallel_loop3A_747 = arith.index_cast %parallel_loop3A_730 : i32 to index
      %parallel_loop3A_748 = arith.constant 0 : index
      %parallel_loop3A_749 = tpu.vector_load %arg7[%parallel_loop3A_746, %parallel_loop3A_747, %parallel_loop3A_748] {strides = array<i32>} : memref<2x160x128xf32, #tpu.memory_space<vmem>>, vector<16xf32>,
      %parallel_loop3A_750 = arith.mulf %parallel_loop3A_744, %parallel_loop3A_749 : vector<16xf32>
      %parallel_loop3A_751 = arith.constant 1 : i32
      %parallel_loop3A_752 = arith.index_cast %parallel_loop3A_751 : i32 to index
      %parallel_loop3A_753 = arith.index_cast %parallel_loop3A_730 : i32 to index
      %parallel_loop3A_754 = arith.constant 0 : index
      %parallel_loop3A_755 = tpu.vector_load %arg8[%parallel_loop3A_752, %parallel_loop3A_753, %parallel_loop3A_754] {strides = array<i32>} : memref<2x160x128xf32, #tpu.memory_space<vmem>>, vector<16xf32>,
      tpu.vector_store %arg8[%parallel_loop3A_752, %parallel_loop3A_753, %parallel_loop3A_754], %parallel_loop3A_750 {strides = array<i32>} : memref<2x160x128xf32, #tpu.memory_space<vmem>>, vector<16xf32>,
      %parallel_loop3A_756 = arith.addf %parallel_loop3A_731, %parallel_loop3A_750 : vector<16xf32>
      %parallel_loop3A_757 = arith.constant 1 : i32
      %parallel_loop3A_758 = arith.index_cast %parallel_loop3A_757 : i32 to index
      %parallel_loop3A_759 = arith.index_cast %parallel_loop3A_730 : i32 to index
      %parallel_loop3A_760 = arith.constant 16 : index
      %parallel_loop3A_761 = tpu.vector_load %arg6[%parallel_loop3A_758, %parallel_loop3A_759, %parallel_loop3A_760] {strides = array<i32>} : memref<2x160x128xf32, #tpu.memory_space<vmem>>, vector<16xf32>,
      %parallel_loop3A_762 = math.exp %parallel_loop3A_761 : vector<16xf32>
      %parallel_loop3A_763 = arith.constant 1 : i32
      %parallel_loop3A_764 = arith.index_cast %parallel_loop3A_763 : i32 to index
      %parallel_loop3A_765 = arith.index_cast %parallel_loop3A_730 : i32 to index
      %parallel_loop3A_766 = arith.constant 16 : index
      %parallel_loop3A_767 = tpu.vector_load %arg7[%parallel_loop3A_764, %parallel_loop3A_765, %parallel_loop3A_766] {strides = array<i32>} : memref<2x160x128xf32, #tpu.memory_space<vmem>>, vector<16xf32>,
      %parallel_loop3A_768 = arith.mulf %parallel_loop3A_762, %parallel_loop3A_767 : vector<16xf32>
      %parallel_loop3A_769 = arith.constant 1 : i32
      %parallel_loop3A_770 = arith.index_cast %parallel_loop3A_769 : i32 to index
      %parallel_loop3A_771 = arith.index_cast %parallel_loop3A_730 : i32 to index
      %parallel_loop3A_772 = arith.constant 16 : index
      %parallel_loop3A_773 = tpu.vector_load %arg8[%parallel_loop3A_770, %parallel_loop3A_771, %parallel_loop3A_772] {strides = array<i32>} : memref<2x160x128xf32, #tpu.memory_space<vmem>>, vector<16xf32>,
      tpu.vector_store %arg8[%parallel_loop3A_770, %parallel_loop3A_771, %parallel_loop3A_772], %parallel_loop3A_768 {strides = array<i32>} : memref<2x160x128xf32, #tpu.memory_space<vmem>>, vector<16xf32>,
      %parallel_loop3A_774 = arith.addf %parallel_loop3A_732, %parallel_loop3A_768 : vector<16xf32>
      %parallel_loop3A_775 = arith.constant 1 : i32
      %parallel_loop3A_776 = arith.index_cast %parallel_loop3A_775 : i32 to index
      %parallel_loop3A_777 = arith.index_cast %parallel_loop3A_730 : i32 to index
      %parallel_loop3A_778 = arith.constant 32 : index
      %parallel_loop3A_779 = tpu.vector_load %arg6[%parallel_loop3A_776, %parallel_loop3A_777, %parallel_loop3A_778] {strides = array<i32>} : memref<2x160x128xf32, #tpu.memory_space<vmem>>, vector<16xf32>,
      %parallel_loop3A_780 = math.exp %parallel_loop3A_779 : vector<16xf32>
      %parallel_loop3A_781 = arith.constant 1 : i32
      %parallel_loop3A_782 = arith.index_cast %parallel_loop3A_781 : i32 to index
      %parallel_loop3A_783 = arith.index_cast %parallel_loop3A_730 : i32 to index
      %parallel_loop3A_784 = arith.constant 32 : index
      %parallel_loop3A_785 = tpu.vector_load %arg7[%parallel_loop3A_782, %parallel_loop3A_783, %parallel_loop3A_784] {strides = array<i32>} : memref<2x160x128xf32, #tpu.memory_space<vmem>>, vector<16xf32>,
      %parallel_loop3A_786 = arith.mulf %parallel_loop3A_780, %parallel_loop3A_785 : vector<16xf32>
      %parallel_loop3A_787 = arith.constant 1 : i32
      %parallel_loop3A_788 = arith.index_cast %parallel_loop3A_787 : i32 to index
      %parallel_loop3A_789 = arith.index_cast %parallel_loop3A_730 : i32 to index
      %parallel_loop3A_790 = arith.constant 32 : index
      %parallel_loop3A_791 = tpu.vector_load %arg8[%parallel_loop3A_788, %parallel_loop3A_789, %parallel_loop3A_790] {strides = array<i32>} : memref<2x160x128xf32, #tpu.memory_space<vmem>>, vector<16xf32>,
      tpu.vector_store %arg8[%parallel_loop3A_788, %parallel_loop3A_789, %parallel_loop3A_790], %parallel_loop3A_786 {strides = array<i32>} : memref<2x160x128xf32, #tpu.memory_space<vmem>>, vector<16xf32>,
      %parallel_loop3A_792 = arith.addf %parallel_loop3A_733, %parallel_loop3A_786 : vector<16xf32>
      %parallel_loop3A_793 = arith.constant 1 : i32
      %parallel_loop3A_794 = arith.index_cast %parallel_loop3A_793 : i32 to index
      %parallel_loop3A_795 = arith.index_cast %parallel_loop3A_730 : i32 to index
      %parallel_loop3A_796 = arith.constant 48 : index
      %parallel_loop3A_797 = tpu.vector_load %arg6[%parallel_loop3A_794, %parallel_loop3A_795, %parallel_loop3A_796] {strides = array<i32>} : memref<2x160x128xf32, #tpu.memory_space<vmem>>, vector<16xf32>,
      %parallel_loop3A_798 = math.exp %parallel_loop3A_797 : vector<16xf32>
      %parallel_loop3A_799 = arith.constant 1 : i32
      %parallel_loop3A_800 = arith.index_cast %parallel_loop3A_799 : i32 to index
      %parallel_loop3A_801 = arith.index_cast %parallel_loop3A_730 : i32 to index
      %parallel_loop3A_802 = arith.constant 48 : index
      %parallel_loop3A_803 = tpu.vector_load %arg7[%parallel_loop3A_800, %parallel_loop3A_801, %parallel_loop3A_802] {strides = array<i32>} : memref<2x160x128xf32, #tpu.memory_space<vmem>>, vector<16xf32>,
      %parallel_loop3A_804 = arith.mulf %parallel_loop3A_798, %parallel_loop3A_803 : vector<16xf32>
      %parallel_loop3A_805 = arith.constant 1 : i32
      %parallel_loop3A_806 = arith.index_cast %parallel_loop3A_805 : i32 to index
      %parallel_loop3A_807 = arith.index_cast %parallel_loop3A_730 : i32 to index
      %parallel_loop3A_808 = arith.constant 48 : index
      %parallel_loop3A_809 = tpu.vector_load %arg8[%parallel_loop3A_806, %parallel_loop3A_807, %parallel_loop3A_808] {strides = array<i32>} : memref<2x160x128xf32, #tpu.memory_space<vmem>>, vector<16xf32>,
      tpu.vector_store %arg8[%parallel_loop3A_806, %parallel_loop3A_807, %parallel_loop3A_808], %parallel_loop3A_804 {strides = array<i32>} : memref<2x160x128xf32, #tpu.memory_space<vmem>>, vector<16xf32>,
      %parallel_loop3A_810 = arith.addf %parallel_loop3A_734, %parallel_loop3A_804 : vector<16xf32>
      %parallel_loop3A_811 = arith.constant 1 : i32
      %parallel_loop3A_812 = arith.index_cast %parallel_loop3A_811 : i32 to index
      %parallel_loop3A_813 = arith.index_cast %parallel_loop3A_730 : i32 to index
      %parallel_loop3A_814 = arith.constant 64 : index
      %parallel_loop3A_815 = tpu.vector_load %arg6[%parallel_loop3A_812, %parallel_loop3A_813, %parallel_loop3A_814] {strides = array<i32>} : memref<2x160x128xf32, #tpu.memory_space<vmem>>, vector<16xf32>,
      %parallel_loop3A_816 = math.exp %parallel_loop3A_815 : vector<16xf32>
      %parallel_loop3A_817 = arith.constant 1 : i32
      %parallel_loop3A_818 = arith.index_cast %parallel_loop3A_817 : i32 to index
      %parallel_loop3A_819 = arith.index_cast %parallel_loop3A_730 : i32 to index
      %parallel_loop3A_820 = arith.constant 64 : index
      %parallel_loop3A_821 = tpu.vector_load %arg7[%parallel_loop3A_818, %parallel_loop3A_819, %parallel_loop3A_820] {strides = array<i32>} : memref<2x160x128xf32, #tpu.memory_space<vmem>>, vector<16xf32>,
      %parallel_loop3A_822 = arith.mulf %parallel_loop3A_816, %parallel_loop3A_821 : vector<16xf32>
      %parallel_loop3A_823 = arith.constant 1 : i32
      %parallel_loop3A_824 = arith.index_cast %parallel_loop3A_823 : i32 to index
      %parallel_loop3A_825 = arith.index_cast %parallel_loop3A_730 : i32 to index
      %parallel_loop3A_826 = arith.constant 64 : index
      %parallel_loop3A_827 = tpu.vector_load %arg8[%parallel_loop3A_824, %parallel_loop3A_825, %parallel_loop3A_826] {strides = array<i32>} : memref<2x160x128xf32, #tpu.memory_space<vmem>>, vector<16xf32>,
      tpu.vector_store %arg8[%parallel_loop3A_824, %parallel_loop3A_825, %parallel_loop3A_826], %parallel_loop3A_822 {strides = array<i32>} : memref<2x160x128xf32, #tpu.memory_space<vmem>>, vector<16xf32>,
      %parallel_loop3A_828 = arith.addf %parallel_loop3A_735, %parallel_loop3A_822 : vector<16xf32>
      %parallel_loop3A_829 = arith.constant 1 : i32
      %parallel_loop3A_830 = arith.index_cast %parallel_loop3A_829 : i32 to index
      %parallel_loop3A_831 = arith.index_cast %parallel_loop3A_730 : i32 to index
      %parallel_loop3A_832 = arith.constant 80 : index
      %parallel_loop3A_833 = tpu.vector_load %arg6[%parallel_loop3A_830, %parallel_loop3A_831, %parallel_loop3A_832] {strides = array<i32>} : memref<2x160x128xf32, #tpu.memory_space<vmem>>, vector<16xf32>,
      %parallel_loop3A_834 = math.exp %parallel_loop3A_833 : vector<16xf32>
      %parallel_loop3A_835 = arith.constant 1 : i32
      %parallel_loop3A_836 = arith.index_cast %parallel_loop3A_835 : i32 to index
      %parallel_loop3A_837 = arith.index_cast %parallel_loop3A_730 : i32 to index
      %parallel_loop3A_838 = arith.constant 80 : index
      %parallel_loop3A_839 = tpu.vector_load %arg7[%parallel_loop3A_836, %parallel_loop3A_837, %parallel_loop3A_838] {strides = array<i32>} : memref<2x160x128xf32, #tpu.memory_space<vmem>>, vector<16xf32>,
      %parallel_loop3A_840 = arith.mulf %parallel_loop3A_834, %parallel_loop3A_839 : vector<16xf32>
      %parallel_loop3A_841 = arith.constant 1 : i32
      %parallel_loop3A_842 = arith.index_cast %parallel_loop3A_841 : i32 to index
      %parallel_loop3A_843 = arith.index_cast %parallel_loop3A_730 : i32 to index
      %parallel_loop3A_844 = arith.constant 80 : index
      %parallel_loop3A_845 = tpu.vector_load %arg8[%parallel_loop3A_842, %parallel_loop3A_843, %parallel_loop3A_844] {strides = array<i32>} : memref<2x160x128xf32, #tpu.memory_space<vmem>>, vector<16xf32>,
      tpu.vector_store %arg8[%parallel_loop3A_842, %parallel_loop3A_843, %parallel_loop3A_844], %parallel_loop3A_840 {strides = array<i32>} : memref<2x160x128xf32, #tpu.memory_space<vmem>>, vector<16xf32>,
      %parallel_loop3A_846 = arith.addf %parallel_loop3A_736, %parallel_loop3A_840 : vector<16xf32>
      %parallel_loop3A_847 = arith.constant 1 : i32
      %parallel_loop3A_848 = arith.index_cast %parallel_loop3A_847 : i32 to index
      %parallel_loop3A_849 = arith.index_cast %parallel_loop3A_730 : i32 to index
      %parallel_loop3A_850 = arith.constant 96 : index
      %parallel_loop3A_851 = tpu.vector_load %arg6[%parallel_loop3A_848, %parallel_loop3A_849, %parallel_loop3A_850] {strides = array<i32>} : memref<2x160x128xf32, #tpu.memory_space<vmem>>, vector<16xf32>,
      %parallel_loop3A_852 = math.exp %parallel_loop3A_851 : vector<16xf32>
      %parallel_loop3A_853 = arith.constant 1 : i32
      %parallel_loop3A_854 = arith.index_cast %parallel_loop3A_853 : i32 to index
      %parallel_loop3A_855 = arith.index_cast %parallel_loop3A_730 : i32 to index
      %parallel_loop3A_856 = arith.constant 96 : index
      %parallel_loop3A_857 = tpu.vector_load %arg7[%parallel_loop3A_854, %parallel_loop3A_855, %parallel_loop3A_856] {strides = array<i32>} : memref<2x160x128xf32, #tpu.memory_space<vmem>>, vector<16xf32>,
      %parallel_loop3A_858 = arith.mulf %parallel_loop3A_852, %parallel_loop3A_857 : vector<16xf32>
      %parallel_loop3A_859 = arith.constant 1 : i32
      %parallel_loop3A_860 = arith.index_cast %parallel_loop3A_859 : i32 to index
      %parallel_loop3A_861 = arith.index_cast %parallel_loop3A_730 : i32 to index
      %parallel_loop3A_862 = arith.constant 96 : index
      %parallel_loop3A_863 = tpu.vector_load %arg8[%parallel_loop3A_860, %parallel_loop3A_861, %parallel_loop3A_862] {strides = array<i32>} : memref<2x160x128xf32, #tpu.memory_space<vmem>>, vector<16xf32>,
      tpu.vector_store %arg8[%parallel_loop3A_860, %parallel_loop3A_861, %parallel_loop3A_862], %parallel_loop3A_858 {strides = array<i32>} : memref<2x160x128xf32, #tpu.memory_space<vmem>>, vector<16xf32>,
      %parallel_loop3A_864 = arith.addf %parallel_loop3A_737, %parallel_loop3A_858 : vector<16xf32>
      %parallel_loop3A_865 = arith.constant 1 : i32
      %parallel_loop3A_866 = arith.index_cast %parallel_loop3A_865 : i32 to index
      %parallel_loop3A_867 = arith.index_cast %parallel_loop3A_730 : i32 to index
      %parallel_loop3A_868 = arith.constant 112 : index
      %parallel_loop3A_869 = tpu.vector_load %arg6[%parallel_loop3A_866, %parallel_loop3A_867, %parallel_loop3A_868] {strides = array<i32>} : memref<2x160x128xf32, #tpu.memory_space<vmem>>, vector<16xf32>,
      %parallel_loop3A_870 = math.exp %parallel_loop3A_869 : vector<16xf32>
      %parallel_loop3A_871 = arith.constant 1 : i32
      %parallel_loop3A_872 = arith.index_cast %parallel_loop3A_871 : i32 to index
      %parallel_loop3A_873 = arith.index_cast %parallel_loop3A_730 : i32 to index
      %parallel_loop3A_874 = arith.constant 112 : index
      %parallel_loop3A_875 = tpu.vector_load %arg7[%parallel_loop3A_872, %parallel_loop3A_873, %parallel_loop3A_874] {strides = array<i32>} : memref<2x160x128xf32, #tpu.memory_space<vmem>>, vector<16xf32>,
      %parallel_loop3A_876 = arith.mulf %parallel_loop3A_870, %parallel_loop3A_875 : vector<16xf32>
      %parallel_loop3A_877 = arith.constant 1 : i32
      %parallel_loop3A_878 = arith.index_cast %parallel_loop3A_877 : i32 to index
      %parallel_loop3A_879 = arith.index_cast %parallel_loop3A_730 : i32 to index
      %parallel_loop3A_880 = arith.constant 112 : index
      %parallel_loop3A_881 = tpu.vector_load %arg8[%parallel_loop3A_878, %parallel_loop3A_879, %parallel_loop3A_880] {strides = array<i32>} : memref<2x160x128xf32, #tpu.memory_space<vmem>>, vector<16xf32>,
      tpu.vector_store %arg8[%parallel_loop3A_878, %parallel_loop3A_879, %parallel_loop3A_880], %parallel_loop3A_876 {strides = array<i32>} : memref<2x160x128xf32, #tpu.memory_space<vmem>>, vector<16xf32>,
      %parallel_loop3A_882 = arith.addf %parallel_loop3A_738, %parallel_loop3A_876 : vector<16xf32>
      scf.yield %parallel_loop3A_756, %parallel_loop3A_774, %parallel_loop3A_792, %parallel_loop3A_810, %parallel_loop3A_828, %parallel_loop3A_846, %parallel_loop3A_864, %parallel_loop3A_882 : vector<16xf32>, vector<16xf32>, vector<16xf32>, vector<16xf32>, vector<16xf32>, vector<16xf32>, vector<16xf32>, vector<16xf32>
    } {sc.loop_unroll_factor = 2 : i64, sc.parallel_access}
    %sub3A_279 = arith.constant 20 : i32
    %sub3A_280 = arith.subi %add3A_4, %sub3A_279 : i32
    %min3A_281 = arith.constant 20 : i32
    %min3A_282 = arith.minsi %min3A_281, %sub3A_280 : i32
    %add3A_283 = arith.addi %add3A_10, %min3A_282 : i32
    %mul3A_284 = arith.constant 8 : i32
    %mul3A_285 = arith.muli %add3A_283, %mul3A_284 : i32
    %multiple_of3A_286 = tpu.assume_multiple %mul3A_285, 8 : i32
    %dma_start3A_287 = arith.constant 1 : i32
    %dma_start3A_288 = arith.constant 1 : i32
    %dma_start3A_289 = arith.constant 0 : i32
    %dma_start3A_290 = arith.constant 0 : i32
    %dma_start3A_291 = tpu.memref_slice %arg8[%dma_start3A_287, %dma_start3A_289, %dma_start3A_290] : memref<2x160x128xf32, #tpu.memory_space<vmem>> -> memref<1x160x128xf32, #tpu.memory_space<vmem>>
    %dma_start3A_292 = tpu.memref_squeeze %dma_start3A_291 : memref<1x160x128xf32, #tpu.memory_space<vmem>> -> memref<160x128xf32, #tpu.memory_space<vmem>>
    %dma_start3A_293 = arith.constant 0 : i32
    %dma_start3A_294 = tpu.memref_slice %arg4[%multiple_of3A_286, %dma_start3A_293] : memref<100000x128xf32, #tpu.memory_space<hbm>> -> memref<160x128xf32, #tpu.memory_space<hbm>>
    %dma_start3A_295 = tpu.memref_slice %arg12[%dma_start3A_288] : memref<2x!tpu.dma_semaphore, #tpu.memory_space<semaphore_mem>> -> memref<1x!tpu.dma_semaphore, #tpu.memory_space<semaphore_mem>>
    %dma_start3A_296 = tpu.memref_squeeze %dma_start3A_295 : memref<1x!tpu.dma_semaphore, #tpu.memory_space<semaphore_mem>> -> memref<!tpu.dma_semaphore, #tpu.memory_space<semaphore_mem>>
    %dma_start3A_297 = arith.constant 0 : i32
    %dma_start3A_298 = tpu.memref_slice %arg4[%multiple_of3A_286, %dma_start3A_297] : memref<100000x128xf32, #tpu.memory_space<hbm>> -> memref<160x128xf32, #tpu.memory_space<hbm>>
    %dma_start3A_299 = arith.constant 0 : i32
    %dma_start3A_300 = arith.constant 0 : i32
    %dma_start3A_301 = tpu.memref_slice %arg8[%dma_start3A_287, %dma_start3A_299, %dma_start3A_300] : memref<2x160x128xf32, #tpu.memory_space<vmem>> -> memref<1x160x128xf32, #tpu.memory_space<vmem>>
    %dma_start3A_302 = tpu.memref_squeeze %dma_start3A_301 : memref<1x160x128xf32, #tpu.memory_space<vmem>> -> memref<160x128xf32, #tpu.memory_space<vmem>>
    tpu.enqueue_dma source(%dma_start3A_302 : memref<160x128xf32, #tpu.memory_space<vmem>>) target(%dma_start3A_298 : memref<160x128xf32, #tpu.memory_space<hbm>>) target_semaphore(%dma_start3A_296 : memref<!tpu.dma_semaphore, #tpu.memory_space<semaphore_mem>>)
    %sub3A_303 = arith.constant 20 : i32
    %sub3A_304 = arith.subi %add3A_4, %sub3A_303 : i32
    %min3A_305 = arith.constant 40 : i32
    %min3A_306 = arith.minsi %min3A_305, %sub3A_304 : i32
    %add3A_307 = arith.addi %add3A_10, %min3A_306 : i32
    %mul3A_308 = arith.constant 8 : i32
    %mul3A_309 = arith.muli %add3A_307, %mul3A_308 : i32
    %multiple_of3A_310 = tpu.assume_multiple %mul3A_309, 8 : i32
    %dma_wait3A_311 = arith.constant 0 : i32
    %dma_wait3A_312 = arith.constant 0 : i32
    %dma_wait3A_313 = arith.constant 0 : i32
    %dma_wait3A_314 = arith.constant 0 : i32
    %dma_wait3A_315 = tpu.memref_slice %arg6[%dma_wait3A_311, %dma_wait3A_313, %dma_wait3A_314] : memref<2x160x128xf32, #tpu.memory_space<vmem>> -> memref<1x160x128xf32, #tpu.memory_space<vmem>>
    %dma_wait3A_316 = tpu.memref_squeeze %dma_wait3A_315 : memref<1x160x128xf32, #tpu.memory_space<vmem>> -> memref<160x128xf32, #tpu.memory_space<vmem>>
    %dma_wait3A_317 = arith.constant 0 : i32
    %dma_wait3A_318 = tpu.memref_slice %arg2[%multiple_of3A_310, %dma_wait3A_317] : memref<100000x128xf32, #tpu.memory_space<hbm>> -> memref<160x128xf32, #tpu.memory_space<hbm>>
    %dma_wait3A_319 = tpu.memref_slice %arg10[%dma_wait3A_312] : memref<2x!tpu.dma_semaphore, #tpu.memory_space<semaphore_mem>> -> memref<1x!tpu.dma_semaphore, #tpu.memory_space<semaphore_mem>>
    %dma_wait3A_320 = tpu.memref_squeeze %dma_wait3A_319 : memref<1x!tpu.dma_semaphore, #tpu.memory_space<semaphore_mem>> -> memref<!tpu.dma_semaphore, #tpu.memory_space<semaphore_mem>>
    %dma_wait3A_321 = arith.constant 0 : i32
    %dma_wait3A_322 = arith.constant 0 : i32
    %dma_wait3A_323 = tpu.memref_slice %arg6[%dma_wait3A_311, %dma_wait3A_321, %dma_wait3A_322] : memref<2x160x128xf32, #tpu.memory_space<vmem>> -> memref<1x160x128xf32, #tpu.memory_space<vmem>>
    %dma_wait3A_324 = tpu.memref_squeeze %dma_wait3A_323 : memref<1x160x128xf32, #tpu.memory_space<vmem>> -> memref<160x128xf32, #tpu.memory_space<vmem>>
    %dma_wait3A_325 = arith.constant 0 : i32
    %dma_wait3A_326 = tpu.memref_slice %arg2[%multiple_of3A_310, %dma_wait3A_325] : memref<100000x128xf32, #tpu.memory_space<hbm>> -> memref<160x128xf32, #tpu.memory_space<hbm>>
    tpu.wait_dma2 semaphore(%dma_wait3A_320 : memref<!tpu.dma_semaphore, #tpu.memory_space<semaphore_mem>>) src(%dma_wait3A_326 : memref<160x128xf32, #tpu.memory_space<hbm>>) dst(%dma_wait3A_324 : memref<160x128xf32, #tpu.memory_space<vmem>>)
    %sub3A_327 = arith.constant 20 : i32
    %sub3A_328 = arith.subi %add3A_4, %sub3A_327 : i32
    %min3A_329 = arith.constant 40 : i32
    %min3A_330 = arith.minsi %min3A_329, %sub3A_328 : i32
    %add3A_331 = arith.addi %add3A_10, %min3A_330 : i32
    %mul3A_332 = arith.constant 8 : i32
    %mul3A_333 = arith.muli %add3A_331, %mul3A_332 : i32
    %multiple_of3A_334 = tpu.assume_multiple %mul3A_333, 8 : i32
    %dma_wait3A_335 = arith.constant 0 : i32
    %dma_wait3A_336 = arith.constant 0 : i32
    %dma_wait3A_337 = arith.constant 0 : i32
    %dma_wait3A_338 = arith.constant 0 : i32
    %dma_wait3A_339 = tpu.memref_slice %arg7[%dma_wait3A_335, %dma_wait3A_337, %dma_wait3A_338] : memref<2x160x128xf32, #tpu.memory_space<vmem>> -> memref<1x160x128xf32, #tpu.memory_space<vmem>>
    %dma_wait3A_340 = tpu.memref_squeeze %dma_wait3A_339 : memref<1x160x128xf32, #tpu.memory_space<vmem>> -> memref<160x128xf32, #tpu.memory_space<vmem>>
    %dma_wait3A_341 = arith.constant 0 : i32
    %dma_wait3A_342 = tpu.memref_slice %arg3[%multiple_of3A_334, %dma_wait3A_341] : memref<100000x128xf32, #tpu.memory_space<hbm>> -> memref<160x128xf32, #tpu.memory_space<hbm>>
    %dma_wait3A_343 = tpu.memref_slice %arg11[%dma_wait3A_336] : memref<2x!tpu.dma_semaphore, #tpu.memory_space<semaphore_mem>> -> memref<1x!tpu.dma_semaphore, #tpu.memory_space<semaphore_mem>>
    %dma_wait3A_344 = tpu.memref_squeeze %dma_wait3A_343 : memref<1x!tpu.dma_semaphore, #tpu.memory_space<semaphore_mem>> -> memref<!tpu.dma_semaphore, #tpu.memory_space<semaphore_mem>>
    %dma_wait3A_345 = arith.constant 0 : i32
    %dma_wait3A_346 = arith.constant 0 : i32
    %dma_wait3A_347 = tpu.memref_slice %arg7[%dma_wait3A_335, %dma_wait3A_345, %dma_wait3A_346] : memref<2x160x128xf32, #tpu.memory_space<vmem>> -> memref<1x160x128xf32, #tpu.memory_space<vmem>>
    %dma_wait3A_348 = tpu.memref_squeeze %dma_wait3A_347 : memref<1x160x128xf32, #tpu.memory_space<vmem>> -> memref<160x128xf32, #tpu.memory_space<vmem>>
    %dma_wait3A_349 = arith.constant 0 : i32
    %dma_wait3A_350 = tpu.memref_slice %arg3[%multiple_of3A_334, %dma_wait3A_349] : memref<100000x128xf32, #tpu.memory_space<hbm>> -> memref<160x128xf32, #tpu.memory_space<hbm>>
    tpu.wait_dma2 semaphore(%dma_wait3A_344 : memref<!tpu.dma_semaphore, #tpu.memory_space<semaphore_mem>>) src(%dma_wait3A_350 : memref<160x128xf32, #tpu.memory_space<hbm>>) dst(%dma_wait3A_348 : memref<160x128xf32, #tpu.memory_space<vmem>>)
    %sub3A_351 = arith.constant 20 : i32
    %sub3A_352 = arith.subi %add3A_4, %sub3A_351 : i32
    %min3A_353 = arith.constant 0 : i32
    %min3A_354 = arith.minsi %min3A_353, %sub3A_352 : i32
    %add3A_355 = arith.addi %add3A_10, %min3A_354 : i32
    %mul3A_356 = arith.constant 8 : i32
    %mul3A_357 = arith.muli %add3A_355, %mul3A_356 : i32
    %multiple_of3A_358 = tpu.assume_multiple %mul3A_357, 8 : i32
    %dma_wait3A_359 = arith.constant 0 : i32
    %dma_wait3A_360 = arith.constant 0 : i32
    %dma_wait3A_361 = arith.constant 0 : i32
    %dma_wait3A_362 = arith.constant 0 : i32
    %dma_wait3A_363 = tpu.memref_slice %arg8[%dma_wait3A_359, %dma_wait3A_361, %dma_wait3A_362] : memref<2x160x128xf32, #tpu.memory_space<vmem>> -> memref<1x160x128xf32, #tpu.memory_space<vmem>>
    %dma_wait3A_364 = tpu.memref_squeeze %dma_wait3A_363 : memref<1x160x128xf32, #tpu.memory_space<vmem>> -> memref<160x128xf32, #tpu.memory_space<vmem>>
    %dma_wait3A_365 = arith.constant 0 : i32
    %dma_wait3A_366 = tpu.memref_slice %arg4[%multiple_of3A_358, %dma_wait3A_365] : memref<100000x128xf32, #tpu.memory_space<hbm>> -> memref<160x128xf32, #tpu.memory_space<hbm>>
    %dma_wait3A_367 = tpu.memref_slice %arg12[%dma_wait3A_360] : memref<2x!tpu.dma_semaphore, #tpu.memory_space<semaphore_mem>> -> memref<1x!tpu.dma_semaphore, #tpu.memory_space<semaphore_mem>>
    %dma_wait3A_368 = tpu.memref_squeeze %dma_wait3A_367 : memref<1x!tpu.dma_semaphore, #tpu.memory_space<semaphore_mem>> -> memref<!tpu.dma_semaphore, #tpu.memory_space<semaphore_mem>>
    %dma_wait3A_369 = arith.constant 0 : i32
    %dma_wait3A_370 = tpu.memref_slice %arg4[%multiple_of3A_358, %dma_wait3A_369] : memref<100000x128xf32, #tpu.memory_space<hbm>> -> memref<160x128xf32, #tpu.memory_space<hbm>>
    %dma_wait3A_371 = arith.constant 0 : i32
    %dma_wait3A_372 = arith.constant 0 : i32
    %dma_wait3A_373 = tpu.memref_slice %arg8[%dma_wait3A_359, %dma_wait3A_371, %dma_wait3A_372] : memref<2x160x128xf32, #tpu.memory_space<vmem>> -> memref<1x160x128xf32, #tpu.memory_space<vmem>>
    %dma_wait3A_374 = tpu.memref_squeeze %dma_wait3A_373 : memref<1x160x128xf32, #tpu.memory_space<vmem>> -> memref<160x128xf32, #tpu.memory_space<vmem>>
    tpu.wait_dma2 semaphore(%dma_wait3A_368 : memref<!tpu.dma_semaphore, #tpu.memory_space<semaphore_mem>>) src(%dma_wait3A_374 : memref<160x128xf32, #tpu.memory_space<vmem>>) dst(%dma_wait3A_370 : memref<160x128xf32, #tpu.memory_space<hbm>>)
    %parallel_loop3A_375 = arith.constant 0 : i32
    %parallel_loop3A_376 = arith.constant 160 : i32
    %parallel_loop3A_377 = arith.constant 1 : i32
    %parallel_loop3A_378:8 = scf.for %parallel_loop3A_730 = %parallel_loop3A_375 to %parallel_loop3A_376 step %parallel_loop3A_377 iter_args(%parallel_loop3A_731 = %parallel_loop3A_278#0, %parallel_loop3A_732 = %parallel_loop3A_278#1, %parallel_loop3A_733 = %parallel_loop3A_278#2, %parallel_loop3A_734 = %parallel_loop3A_278#3, %parallel_loop3A_735 = %parallel_loop3A_278#4, %parallel_loop3A_736 = %parallel_loop3A_278#5, %parallel_loop3A_737 = %parallel_loop3A_278#6, %parallel_loop3A_738 = %parallel_loop3A_278#7) -> (vector<16xf32>, vector<16xf32>, vector<16xf32>, vector<16xf32>, vector<16xf32>, vector<16xf32>, vector<16xf32>, vector<16xf32>)  : i32 {
      %parallel_loop3A_739 = arith.constant 0 : i32
      %parallel_loop3A_740 = arith.index_cast %parallel_loop3A_739 : i32 to index
      %parallel_loop3A_741 = arith.index_cast %parallel_loop3A_730 : i32 to index
      %parallel_loop3A_742 = arith.constant 0 : index
      %parallel_loop3A_743 = tpu.vector_load %arg6[%parallel_loop3A_740, %parallel_loop3A_741, %parallel_loop3A_742] {strides = array<i32>} : memref<2x160x128xf32, #tpu.memory_space<vmem>>, vector<16xf32>,
      %parallel_loop3A_744 = math.exp %parallel_loop3A_743 : vector<16xf32>
      %parallel_loop3A_745 = arith.constant 0 : i32
      %parallel_loop3A_746 = arith.index_cast %parallel_loop3A_745 : i32 to index
      %parallel_loop3A_747 = arith.index_cast %parallel_loop3A_730 : i32 to index
      %parallel_loop3A_748 = arith.constant 0 : index
      %parallel_loop3A_749 = tpu.vector_load %arg7[%parallel_loop3A_746, %parallel_loop3A_747, %parallel_loop3A_748] {strides = array<i32>} : memref<2x160x128xf32, #tpu.memory_space<vmem>>, vector<16xf32>,
      %parallel_loop3A_750 = arith.mulf %parallel_loop3A_744, %parallel_loop3A_749 : vector<16xf32>
      %parallel_loop3A_751 = arith.constant 0 : i32
      %parallel_loop3A_752 = arith.index_cast %parallel_loop3A_751 : i32 to index
      %parallel_loop3A_753 = arith.index_cast %parallel_loop3A_730 : i32 to index
      %parallel_loop3A_754 = arith.constant 0 : index
      %parallel_loop3A_755 = tpu.vector_load %arg8[%parallel_loop3A_752, %parallel_loop3A_753, %parallel_loop3A_754] {strides = array<i32>} : memref<2x160x128xf32, #tpu.memory_space<vmem>>, vector<16xf32>,
      tpu.vector_store %arg8[%parallel_loop3A_752, %parallel_loop3A_753, %parallel_loop3A_754], %parallel_loop3A_750 {strides = array<i32>} : memref<2x160x128xf32, #tpu.memory_space<vmem>>, vector<16xf32>,
      %parallel_loop3A_756 = arith.addf %parallel_loop3A_731, %parallel_loop3A_750 : vector<16xf32>
      %parallel_loop3A_757 = arith.constant 0 : i32
      %parallel_loop3A_758 = arith.index_cast %parallel_loop3A_757 : i32 to index
      %parallel_loop3A_759 = arith.index_cast %parallel_loop3A_730 : i32 to index
      %parallel_loop3A_760 = arith.constant 16 : index
      %parallel_loop3A_761 = tpu.vector_load %arg6[%parallel_loop3A_758, %parallel_loop3A_759, %parallel_loop3A_760] {strides = array<i32>} : memref<2x160x128xf32, #tpu.memory_space<vmem>>, vector<16xf32>,
      %parallel_loop3A_762 = math.exp %parallel_loop3A_761 : vector<16xf32>
      %parallel_loop3A_763 = arith.constant 0 : i32
      %parallel_loop3A_764 = arith.index_cast %parallel_loop3A_763 : i32 to index
      %parallel_loop3A_765 = arith.index_cast %parallel_loop3A_730 : i32 to index
      %parallel_loop3A_766 = arith.constant 16 : index
      %parallel_loop3A_767 = tpu.vector_load %arg7[%parallel_loop3A_764, %parallel_loop3A_765, %parallel_loop3A_766] {strides = array<i32>} : memref<2x160x128xf32, #tpu.memory_space<vmem>>, vector<16xf32>,
      %parallel_loop3A_768 = arith.mulf %parallel_loop3A_762, %parallel_loop3A_767 : vector<16xf32>
      %parallel_loop3A_769 = arith.constant 0 : i32
      %parallel_loop3A_770 = arith.index_cast %parallel_loop3A_769 : i32 to index
      %parallel_loop3A_771 = arith.index_cast %parallel_loop3A_730 : i32 to index
      %parallel_loop3A_772 = arith.constant 16 : index
      %parallel_loop3A_773 = tpu.vector_load %arg8[%parallel_loop3A_770, %parallel_loop3A_771, %parallel_loop3A_772] {strides = array<i32>} : memref<2x160x128xf32, #tpu.memory_space<vmem>>, vector<16xf32>,
      tpu.vector_store %arg8[%parallel_loop3A_770, %parallel_loop3A_771, %parallel_loop3A_772], %parallel_loop3A_768 {strides = array<i32>} : memref<2x160x128xf32, #tpu.memory_space<vmem>>, vector<16xf32>,
      %parallel_loop3A_774 = arith.addf %parallel_loop3A_732, %parallel_loop3A_768 : vector<16xf32>
      %parallel_loop3A_775 = arith.constant 0 : i32
      %parallel_loop3A_776 = arith.index_cast %parallel_loop3A_775 : i32 to index
      %parallel_loop3A_777 = arith.index_cast %parallel_loop3A_730 : i32 to index
      %parallel_loop3A_778 = arith.constant 32 : index
      %parallel_loop3A_779 = tpu.vector_load %arg6[%parallel_loop3A_776, %parallel_loop3A_777, %parallel_loop3A_778] {strides = array<i32>} : memref<2x160x128xf32, #tpu.memory_space<vmem>>, vector<16xf32>,
      %parallel_loop3A_780 = math.exp %parallel_loop3A_779 : vector<16xf32>
      %parallel_loop3A_781 = arith.constant 0 : i32
      %parallel_loop3A_782 = arith.index_cast %parallel_loop3A_781 : i32 to index
      %parallel_loop3A_783 = arith.index_cast %parallel_loop3A_730 : i32 to index
      %parallel_loop3A_784 = arith.constant 32 : index
      %parallel_loop3A_785 = tpu.vector_load %arg7[%parallel_loop3A_782, %parallel_loop3A_783, %parallel_loop3A_784] {strides = array<i32>} : memref<2x160x128xf32, #tpu.memory_space<vmem>>, vector<16xf32>,
      %parallel_loop3A_786 = arith.mulf %parallel_loop3A_780, %parallel_loop3A_785 : vector<16xf32>
      %parallel_loop3A_787 = arith.constant 0 : i32
      %parallel_loop3A_788 = arith.index_cast %parallel_loop3A_787 : i32 to index
      %parallel_loop3A_789 = arith.index_cast %parallel_loop3A_730 : i32 to index
      %parallel_loop3A_790 = arith.constant 32 : index
      %parallel_loop3A_791 = tpu.vector_load %arg8[%parallel_loop3A_788, %parallel_loop3A_789, %parallel_loop3A_790] {strides = array<i32>} : memref<2x160x128xf32, #tpu.memory_space<vmem>>, vector<16xf32>,
      tpu.vector_store %arg8[%parallel_loop3A_788, %parallel_loop3A_789, %parallel_loop3A_790], %parallel_loop3A_786 {strides = array<i32>} : memref<2x160x128xf32, #tpu.memory_space<vmem>>, vector<16xf32>,
      %parallel_loop3A_792 = arith.addf %parallel_loop3A_733, %parallel_loop3A_786 : vector<16xf32>
      %parallel_loop3A_793 = arith.constant 0 : i32
      %parallel_loop3A_794 = arith.index_cast %parallel_loop3A_793 : i32 to index
      %parallel_loop3A_795 = arith.index_cast %parallel_loop3A_730 : i32 to index
      %parallel_loop3A_796 = arith.constant 48 : index
      %parallel_loop3A_797 = tpu.vector_load %arg6[%parallel_loop3A_794, %parallel_loop3A_795, %parallel_loop3A_796] {strides = array<i32>} : memref<2x160x128xf32, #tpu.memory_space<vmem>>, vector<16xf32>,
      %parallel_loop3A_798 = math.exp %parallel_loop3A_797 : vector<16xf32>
      %parallel_loop3A_799 = arith.constant 0 : i32
      %parallel_loop3A_800 = arith.index_cast %parallel_loop3A_799 : i32 to index
      %parallel_loop3A_801 = arith.index_cast %parallel_loop3A_730 : i32 to index
      %parallel_loop3A_802 = arith.constant 48 : index
      %parallel_loop3A_803 = tpu.vector_load %arg7[%parallel_loop3A_800, %parallel_loop3A_801, %parallel_loop3A_802] {strides = array<i32>} : memref<2x160x128xf32, #tpu.memory_space<vmem>>, vector<16xf32>,
      %parallel_loop3A_804 = arith.mulf %parallel_loop3A_798, %parallel_loop3A_803 : vector<16xf32>
      %parallel_loop3A_805 = arith.constant 0 : i32
      %parallel_loop3A_806 = arith.index_cast %parallel_loop3A_805 : i32 to index
      %parallel_loop3A_807 = arith.index_cast %parallel_loop3A_730 : i32 to index
      %parallel_loop3A_808 = arith.constant 48 : index
      %parallel_loop3A_809 = tpu.vector_load %arg8[%parallel_loop3A_806, %parallel_loop3A_807, %parallel_loop3A_808] {strides = array<i32>} : memref<2x160x128xf32, #tpu.memory_space<vmem>>, vector<16xf32>,
      tpu.vector_store %arg8[%parallel_loop3A_806, %parallel_loop3A_807, %parallel_loop3A_808], %parallel_loop3A_804 {strides = array<i32>} : memref<2x160x128xf32, #tpu.memory_space<vmem>>, vector<16xf32>,
      %parallel_loop3A_810 = arith.addf %parallel_loop3A_734, %parallel_loop3A_804 : vector<16xf32>
      %parallel_loop3A_811 = arith.constant 0 : i32
      %parallel_loop3A_812 = arith.index_cast %parallel_loop3A_811 : i32 to index
      %parallel_loop3A_813 = arith.index_cast %parallel_loop3A_730 : i32 to index
      %parallel_loop3A_814 = arith.constant 64 : index
      %parallel_loop3A_815 = tpu.vector_load %arg6[%parallel_loop3A_812, %parallel_loop3A_813, %parallel_loop3A_814] {strides = array<i32>} : memref<2x160x128xf32, #tpu.memory_space<vmem>>, vector<16xf32>,
      %parallel_loop3A_816 = math.exp %parallel_loop3A_815 : vector<16xf32>
      %parallel_loop3A_817 = arith.constant 0 : i32
      %parallel_loop3A_818 = arith.index_cast %parallel_loop3A_817 : i32 to index
      %parallel_loop3A_819 = arith.index_cast %parallel_loop3A_730 : i32 to index
      %parallel_loop3A_820 = arith.constant 64 : index
      %parallel_loop3A_821 = tpu.vector_load %arg7[%parallel_loop3A_818, %parallel_loop3A_819, %parallel_loop3A_820] {strides = array<i32>} : memref<2x160x128xf32, #tpu.memory_space<vmem>>, vector<16xf32>,
      %parallel_loop3A_822 = arith.mulf %parallel_loop3A_816, %parallel_loop3A_821 : vector<16xf32>
      %parallel_loop3A_823 = arith.constant 0 : i32
      %parallel_loop3A_824 = arith.index_cast %parallel_loop3A_823 : i32 to index
      %parallel_loop3A_825 = arith.index_cast %parallel_loop3A_730 : i32 to index
      %parallel_loop3A_826 = arith.constant 64 : index
      %parallel_loop3A_827 = tpu.vector_load %arg8[%parallel_loop3A_824, %parallel_loop3A_825, %parallel_loop3A_826] {strides = array<i32>} : memref<2x160x128xf32, #tpu.memory_space<vmem>>, vector<16xf32>,
      tpu.vector_store %arg8[%parallel_loop3A_824, %parallel_loop3A_825, %parallel_loop3A_826], %parallel_loop3A_822 {strides = array<i32>} : memref<2x160x128xf32, #tpu.memory_space<vmem>>, vector<16xf32>,
      %parallel_loop3A_828 = arith.addf %parallel_loop3A_735, %parallel_loop3A_822 : vector<16xf32>
      %parallel_loop3A_829 = arith.constant 0 : i32
      %parallel_loop3A_830 = arith.index_cast %parallel_loop3A_829 : i32 to index
      %parallel_loop3A_831 = arith.index_cast %parallel_loop3A_730 : i32 to index
      %parallel_loop3A_832 = arith.constant 80 : index
      %parallel_loop3A_833 = tpu.vector_load %arg6[%parallel_loop3A_830, %parallel_loop3A_831, %parallel_loop3A_832] {strides = array<i32>} : memref<2x160x128xf32, #tpu.memory_space<vmem>>, vector<16xf32>,
      %parallel_loop3A_834 = math.exp %parallel_loop3A_833 : vector<16xf32>
      %parallel_loop3A_835 = arith.constant 0 : i32
      %parallel_loop3A_836 = arith.index_cast %parallel_loop3A_835 : i32 to index
      %parallel_loop3A_837 = arith.index_cast %parallel_loop3A_730 : i32 to index
      %parallel_loop3A_838 = arith.constant 80 : index
      %parallel_loop3A_839 = tpu.vector_load %arg7[%parallel_loop3A_836, %parallel_loop3A_837, %parallel_loop3A_838] {strides = array<i32>} : memref<2x160x128xf32, #tpu.memory_space<vmem>>, vector<16xf32>,
      %parallel_loop3A_840 = arith.mulf %parallel_loop3A_834, %parallel_loop3A_839 : vector<16xf32>
      %parallel_loop3A_841 = arith.constant 0 : i32
      %parallel_loop3A_842 = arith.index_cast %parallel_loop3A_841 : i32 to index
      %parallel_loop3A_843 = arith.index_cast %parallel_loop3A_730 : i32 to index
      %parallel_loop3A_844 = arith.constant 80 : index
      %parallel_loop3A_845 = tpu.vector_load %arg8[%parallel_loop3A_842, %parallel_loop3A_843, %parallel_loop3A_844] {strides = array<i32>} : memref<2x160x128xf32, #tpu.memory_space<vmem>>, vector<16xf32>,
      tpu.vector_store %arg8[%parallel_loop3A_842, %parallel_loop3A_843, %parallel_loop3A_844], %parallel_loop3A_840 {strides = array<i32>} : memref<2x160x128xf32, #tpu.memory_space<vmem>>, vector<16xf32>,
      %parallel_loop3A_846 = arith.addf %parallel_loop3A_736, %parallel_loop3A_840 : vector<16xf32>
      %parallel_loop3A_847 = arith.constant 0 : i32
      %parallel_loop3A_848 = arith.index_cast %parallel_loop3A_847 : i32 to index
      %parallel_loop3A_849 = arith.index_cast %parallel_loop3A_730 : i32 to index
      %parallel_loop3A_850 = arith.constant 96 : index
      %parallel_loop3A_851 = tpu.vector_load %arg6[%parallel_loop3A_848, %parallel_loop3A_849, %parallel_loop3A_850] {strides = array<i32>} : memref<2x160x128xf32, #tpu.memory_space<vmem>>, vector<16xf32>,
      %parallel_loop3A_852 = math.exp %parallel_loop3A_851 : vector<16xf32>
      %parallel_loop3A_853 = arith.constant 0 : i32
      %parallel_loop3A_854 = arith.index_cast %parallel_loop3A_853 : i32 to index
      %parallel_loop3A_855 = arith.index_cast %parallel_loop3A_730 : i32 to index
      %parallel_loop3A_856 = arith.constant 96 : index
      %parallel_loop3A_857 = tpu.vector_load %arg7[%parallel_loop3A_854, %parallel_loop3A_855, %parallel_loop3A_856] {strides = array<i32>} : memref<2x160x128xf32, #tpu.memory_space<vmem>>, vector<16xf32>,
      %parallel_loop3A_858 = arith.mulf %parallel_loop3A_852, %parallel_loop3A_857 : vector<16xf32>
      %parallel_loop3A_859 = arith.constant 0 : i32
      %parallel_loop3A_860 = arith.index_cast %parallel_loop3A_859 : i32 to index
      %parallel_loop3A_861 = arith.index_cast %parallel_loop3A_730 : i32 to index
      %parallel_loop3A_862 = arith.constant 96 : index
      %parallel_loop3A_863 = tpu.vector_load %arg8[%parallel_loop3A_860, %parallel_loop3A_861, %parallel_loop3A_862] {strides = array<i32>} : memref<2x160x128xf32, #tpu.memory_space<vmem>>, vector<16xf32>,
      tpu.vector_store %arg8[%parallel_loop3A_860, %parallel_loop3A_861, %parallel_loop3A_862], %parallel_loop3A_858 {strides = array<i32>} : memref<2x160x128xf32, #tpu.memory_space<vmem>>, vector<16xf32>,
      %parallel_loop3A_864 = arith.addf %parallel_loop3A_737, %parallel_loop3A_858 : vector<16xf32>
      %parallel_loop3A_865 = arith.constant 0 : i32
      %parallel_loop3A_866 = arith.index_cast %parallel_loop3A_865 : i32 to index
      %parallel_loop3A_867 = arith.index_cast %parallel_loop3A_730 : i32 to index
      %parallel_loop3A_868 = arith.constant 112 : index
      %parallel_loop3A_869 = tpu.vector_load %arg6[%parallel_loop3A_866, %parallel_loop3A_867, %parallel_loop3A_868] {strides = array<i32>} : memref<2x160x128xf32, #tpu.memory_space<vmem>>, vector<16xf32>,
      %parallel_loop3A_870 = math.exp %parallel_loop3A_869 : vector<16xf32>
      %parallel_loop3A_871 = arith.constant 0 : i32
      %parallel_loop3A_872 = arith.index_cast %parallel_loop3A_871 : i32 to index
      %parallel_loop3A_873 = arith.index_cast %parallel_loop3A_730 : i32 to index
      %parallel_loop3A_874 = arith.constant 112 : index
      %parallel_loop3A_875 = tpu.vector_load %arg7[%parallel_loop3A_872, %parallel_loop3A_873, %parallel_loop3A_874] {strides = array<i32>} : memref<2x160x128xf32, #tpu.memory_space<vmem>>, vector<16xf32>,
      %parallel_loop3A_876 = arith.mulf %parallel_loop3A_870, %parallel_loop3A_875 : vector<16xf32>
      %parallel_loop3A_877 = arith.constant 0 : i32
      %parallel_loop3A_878 = arith.index_cast %parallel_loop3A_877 : i32 to index
      %parallel_loop3A_879 = arith.index_cast %parallel_loop3A_730 : i32 to index
      %parallel_loop3A_880 = arith.constant 112 : index
      %parallel_loop3A_881 = tpu.vector_load %arg8[%parallel_loop3A_878, %parallel_loop3A_879, %parallel_loop3A_880] {strides = array<i32>} : memref<2x160x128xf32, #tpu.memory_space<vmem>>, vector<16xf32>,
      tpu.vector_store %arg8[%parallel_loop3A_878, %parallel_loop3A_879, %parallel_loop3A_880], %parallel_loop3A_876 {strides = array<i32>} : memref<2x160x128xf32, #tpu.memory_space<vmem>>, vector<16xf32>,
      %parallel_loop3A_882 = arith.addf %parallel_loop3A_738, %parallel_loop3A_876 : vector<16xf32>
      scf.yield %parallel_loop3A_756, %parallel_loop3A_774, %parallel_loop3A_792, %parallel_loop3A_810, %parallel_loop3A_828, %parallel_loop3A_846, %parallel_loop3A_864, %parallel_loop3A_882 : vector<16xf32>, vector<16xf32>, vector<16xf32>, vector<16xf32>, vector<16xf32>, vector<16xf32>, vector<16xf32>, vector<16xf32>
    } {sc.loop_unroll_factor = 2 : i64, sc.parallel_access}
    %sub3A_379 = arith.constant 20 : i32
    %sub3A_380 = arith.subi %add3A_4, %sub3A_379 : i32
    %min3A_381 = arith.constant 40 : i32
    %min3A_382 = arith.minsi %min3A_381, %sub3A_380 : i32
    %add3A_383 = arith.addi %add3A_10, %min3A_382 : i32
    %mul3A_384 = arith.constant 8 : i32
    %mul3A_385 = arith.muli %add3A_383, %mul3A_384 : i32
    %multiple_of3A_386 = tpu.assume_multiple %mul3A_385, 8 : i32
    %dma_start3A_387 = arith.constant 0 : i32
    %dma_start3A_388 = arith.constant 0 : i32
    %dma_start3A_389 = arith.constant 0 : i32
    %dma_start3A_390 = arith.constant 0 : i32
    %dma_start3A_391 = tpu.memref_slice %arg8[%dma_start3A_387, %dma_start3A_389, %dma_start3A_390] : memref<2x160x128xf32, #tpu.memory_space<vmem>> -> memref<1x160x128xf32, #tpu.memory_space<vmem>>
    %dma_start3A_392 = tpu.memref_squeeze %dma_start3A_391 : memref<1x160x128xf32, #tpu.memory_space<vmem>> -> memref<160x128xf32, #tpu.memory_space<vmem>>
    %dma_start3A_393 = arith.constant 0 : i32
    %dma_start3A_394 = tpu.memref_slice %arg4[%multiple_of3A_386, %dma_start3A_393] : memref<100000x128xf32, #tpu.memory_space<hbm>> -> memref<160x128xf32, #tpu.memory_space<hbm>>
    %dma_start3A_395 = tpu.memref_slice %arg12[%dma_start3A_388] : memref<2x!tpu.dma_semaphore, #tpu.memory_space<semaphore_mem>> -> memref<1x!tpu.dma_semaphore, #tpu.memory_space<semaphore_mem>>
    %dma_start3A_396 = tpu.memref_squeeze %dma_start3A_395 : memref<1x!tpu.dma_semaphore, #tpu.memory_space<semaphore_mem>> -> memref<!tpu.dma_semaphore, #tpu.memory_space<semaphore_mem>>
    %dma_start3A_397 = arith.constant 0 : i32
    %dma_start3A_398 = tpu.memref_slice %arg4[%multiple_of3A_386, %dma_start3A_397] : memref<100000x128xf32, #tpu.memory_space<hbm>> -> memref<160x128xf32, #tpu.memory_space<hbm>>
    %dma_start3A_399 = arith.constant 0 : i32
    %dma_start3A_400 = arith.constant 0 : i32
    %dma_start3A_401 = tpu.memref_slice %arg8[%dma_start3A_387, %dma_start3A_399, %dma_start3A_400] : memref<2x160x128xf32, #tpu.memory_space<vmem>> -> memref<1x160x128xf32, #tpu.memory_space<vmem>>
    %dma_start3A_402 = tpu.memref_squeeze %dma_start3A_401 : memref<1x160x128xf32, #tpu.memory_space<vmem>> -> memref<160x128xf32, #tpu.memory_space<vmem>>
    tpu.enqueue_dma source(%dma_start3A_402 : memref<160x128xf32, #tpu.memory_space<vmem>>) target(%dma_start3A_398 : memref<160x128xf32, #tpu.memory_space<hbm>>) target_semaphore(%dma_start3A_396 : memref<!tpu.dma_semaphore, #tpu.memory_space<semaphore_mem>>)
    %sub3A_403 = arith.constant 60 : i32
    %sub3A_404 = arith.subi %sub3A_403, %add3A_4 : i32
    %mul3A_405 = arith.constant 8 : i32
    %mul3A_406 = arith.muli %sub3A_404, %mul3A_405 : i32
    %parallel_loop3A_407 = arith.constant 0 : i32
    %parallel_loop3A_408 = arith.constant 40 : i32
    %parallel_loop3A_409 = arith.constant 1 : i32
    %parallel_loop3A_410:8 = scf.for %parallel_loop3A_730 = %parallel_loop3A_407 to %parallel_loop3A_408 step %parallel_loop3A_409 iter_args(%parallel_loop3A_731 = %parallel_loop3A_378#0, %parallel_loop3A_732 = %parallel_loop3A_378#1, %parallel_loop3A_733 = %parallel_loop3A_378#2, %parallel_loop3A_734 = %parallel_loop3A_378#3, %parallel_loop3A_735 = %parallel_loop3A_378#4, %parallel_loop3A_736 = %parallel_loop3A_378#5, %parallel_loop3A_737 = %parallel_loop3A_378#6, %parallel_loop3A_738 = %parallel_loop3A_378#7) -> (vector<16xf32>, vector<16xf32>, vector<16xf32>, vector<16xf32>, vector<16xf32>, vector<16xf32>, vector<16xf32>, vector<16xf32>)  : i32 {
      %parallel_loop3A_739 = arith.cmpi slt, %parallel_loop3A_730, %mul3A_406 : i32
      %parallel_loop3A_740 = arith.extui %parallel_loop3A_739 : i1 to i32
      %parallel_loop3A_741 = arith.sitofp %parallel_loop3A_740 : i32 to f32
      %parallel_loop3A_742 = vector.broadcast %parallel_loop3A_741 : f32 to vector<16xf32>
      %parallel_loop3A_743 = arith.constant 0 : i32
      %parallel_loop3A_744 = arith.index_cast %parallel_loop3A_743 : i32 to index
      %parallel_loop3A_745 = arith.index_cast %parallel_loop3A_730 : i32 to index
      %parallel_loop3A_746 = arith.constant 0 : index
      %parallel_loop3A_747 = tpu.vector_load %arg6[%parallel_loop3A_744, %parallel_loop3A_745, %parallel_loop3A_746] {strides = array<i32>} : memref<2x160x128xf32, #tpu.memory_space<vmem>>, vector<16xf32>,
      %parallel_loop3A_748 = math.exp %parallel_loop3A_747 : vector<16xf32>
      %parallel_loop3A_749 = arith.constant 0 : i32
      %parallel_loop3A_750 = arith.index_cast %parallel_loop3A_749 : i32 to index
      %parallel_loop3A_751 = arith.index_cast %parallel_loop3A_730 : i32 to index
      %parallel_loop3A_752 = arith.constant 0 : index
      %parallel_loop3A_753 = tpu.vector_load %arg7[%parallel_loop3A_750, %parallel_loop3A_751, %parallel_loop3A_752] {strides = array<i32>} : memref<2x160x128xf32, #tpu.memory_space<vmem>>, vector<16xf32>,
      %parallel_loop3A_754 = arith.mulf %parallel_loop3A_748, %parallel_loop3A_753 : vector<16xf32>
      %parallel_loop3A_755 = arith.mulf %parallel_loop3A_754, %parallel_loop3A_742 : vector<16xf32>
      %parallel_loop3A_756 = arith.subf %parallel_loop3A_731, %parallel_loop3A_755 : vector<16xf32>
      %parallel_loop3A_757 = arith.constant 0 : i32
      %parallel_loop3A_758 = arith.index_cast %parallel_loop3A_757 : i32 to index
      %parallel_loop3A_759 = arith.index_cast %parallel_loop3A_730 : i32 to index
      %parallel_loop3A_760 = arith.constant 16 : index
      %parallel_loop3A_761 = tpu.vector_load %arg6[%parallel_loop3A_758, %parallel_loop3A_759, %parallel_loop3A_760] {strides = array<i32>} : memref<2x160x128xf32, #tpu.memory_space<vmem>>, vector<16xf32>,
      %parallel_loop3A_762 = math.exp %parallel_loop3A_761 : vector<16xf32>
      %parallel_loop3A_763 = arith.constant 0 : i32
      %parallel_loop3A_764 = arith.index_cast %parallel_loop3A_763 : i32 to index
      %parallel_loop3A_765 = arith.index_cast %parallel_loop3A_730 : i32 to index
      %parallel_loop3A_766 = arith.constant 16 : index
      %parallel_loop3A_767 = tpu.vector_load %arg7[%parallel_loop3A_764, %parallel_loop3A_765, %parallel_loop3A_766] {strides = array<i32>} : memref<2x160x128xf32, #tpu.memory_space<vmem>>, vector<16xf32>,
      %parallel_loop3A_768 = arith.mulf %parallel_loop3A_762, %parallel_loop3A_767 : vector<16xf32>
      %parallel_loop3A_769 = arith.mulf %parallel_loop3A_768, %parallel_loop3A_742 : vector<16xf32>
      %parallel_loop3A_770 = arith.subf %parallel_loop3A_732, %parallel_loop3A_769 : vector<16xf32>
      %parallel_loop3A_771 = arith.constant 0 : i32
      %parallel_loop3A_772 = arith.index_cast %parallel_loop3A_771 : i32 to index
      %parallel_loop3A_773 = arith.index_cast %parallel_loop3A_730 : i32 to index
      %parallel_loop3A_774 = arith.constant 32 : index
      %parallel_loop3A_775 = tpu.vector_load %arg6[%parallel_loop3A_772, %parallel_loop3A_773, %parallel_loop3A_774] {strides = array<i32>} : memref<2x160x128xf32, #tpu.memory_space<vmem>>, vector<16xf32>,
      %parallel_loop3A_776 = math.exp %parallel_loop3A_775 : vector<16xf32>
      %parallel_loop3A_777 = arith.constant 0 : i32
      %parallel_loop3A_778 = arith.index_cast %parallel_loop3A_777 : i32 to index
      %parallel_loop3A_779 = arith.index_cast %parallel_loop3A_730 : i32 to index
      %parallel_loop3A_780 = arith.constant 32 : index
      %parallel_loop3A_781 = tpu.vector_load %arg7[%parallel_loop3A_778, %parallel_loop3A_779, %parallel_loop3A_780] {strides = array<i32>} : memref<2x160x128xf32, #tpu.memory_space<vmem>>, vector<16xf32>,
      %parallel_loop3A_782 = arith.mulf %parallel_loop3A_776, %parallel_loop3A_781 : vector<16xf32>
      %parallel_loop3A_783 = arith.mulf %parallel_loop3A_782, %parallel_loop3A_742 : vector<16xf32>
      %parallel_loop3A_784 = arith.subf %parallel_loop3A_733, %parallel_loop3A_783 : vector<16xf32>
      %parallel_loop3A_785 = arith.constant 0 : i32
      %parallel_loop3A_786 = arith.index_cast %parallel_loop3A_785 : i32 to index
      %parallel_loop3A_787 = arith.index_cast %parallel_loop3A_730 : i32 to index
      %parallel_loop3A_788 = arith.constant 48 : index
      %parallel_loop3A_789 = tpu.vector_load %arg6[%parallel_loop3A_786, %parallel_loop3A_787, %parallel_loop3A_788] {strides = array<i32>} : memref<2x160x128xf32, #tpu.memory_space<vmem>>, vector<16xf32>,
      %parallel_loop3A_790 = math.exp %parallel_loop3A_789 : vector<16xf32>
      %parallel_loop3A_791 = arith.constant 0 : i32
      %parallel_loop3A_792 = arith.index_cast %parallel_loop3A_791 : i32 to index
      %parallel_loop3A_793 = arith.index_cast %parallel_loop3A_730 : i32 to index
      %parallel_loop3A_794 = arith.constant 48 : index
      %parallel_loop3A_795 = tpu.vector_load %arg7[%parallel_loop3A_792, %parallel_loop3A_793, %parallel_loop3A_794] {strides = array<i32>} : memref<2x160x128xf32, #tpu.memory_space<vmem>>, vector<16xf32>,
      %parallel_loop3A_796 = arith.mulf %parallel_loop3A_790, %parallel_loop3A_795 : vector<16xf32>
      %parallel_loop3A_797 = arith.mulf %parallel_loop3A_796, %parallel_loop3A_742 : vector<16xf32>
      %parallel_loop3A_798 = arith.subf %parallel_loop3A_734, %parallel_loop3A_797 : vector<16xf32>
      %parallel_loop3A_799 = arith.constant 0 : i32
      %parallel_loop3A_800 = arith.index_cast %parallel_loop3A_799 : i32 to index
      %parallel_loop3A_801 = arith.index_cast %parallel_loop3A_730 : i32 to index
      %parallel_loop3A_802 = arith.constant 64 : index
      %parallel_loop3A_803 = tpu.vector_load %arg6[%parallel_loop3A_800, %parallel_loop3A_801, %parallel_loop3A_802] {strides = array<i32>} : memref<2x160x128xf32, #tpu.memory_space<vmem>>, vector<16xf32>,
      %parallel_loop3A_804 = math.exp %parallel_loop3A_803 : vector<16xf32>
      %parallel_loop3A_805 = arith.constant 0 : i32
      %parallel_loop3A_806 = arith.index_cast %parallel_loop3A_805 : i32 to index
      %parallel_loop3A_807 = arith.index_cast %parallel_loop3A_730 : i32 to index
      %parallel_loop3A_808 = arith.constant 64 : index
      %parallel_loop3A_809 = tpu.vector_load %arg7[%parallel_loop3A_806, %parallel_loop3A_807, %parallel_loop3A_808] {strides = array<i32>} : memref<2x160x128xf32, #tpu.memory_space<vmem>>, vector<16xf32>,
      %parallel_loop3A_810 = arith.mulf %parallel_loop3A_804, %parallel_loop3A_809 : vector<16xf32>
      %parallel_loop3A_811 = arith.mulf %parallel_loop3A_810, %parallel_loop3A_742 : vector<16xf32>
      %parallel_loop3A_812 = arith.subf %parallel_loop3A_735, %parallel_loop3A_811 : vector<16xf32>
      %parallel_loop3A_813 = arith.constant 0 : i32
      %parallel_loop3A_814 = arith.index_cast %parallel_loop3A_813 : i32 to index
      %parallel_loop3A_815 = arith.index_cast %parallel_loop3A_730 : i32 to index
      %parallel_loop3A_816 = arith.constant 80 : index
      %parallel_loop3A_817 = tpu.vector_load %arg6[%parallel_loop3A_814, %parallel_loop3A_815, %parallel_loop3A_816] {strides = array<i32>} : memref<2x160x128xf32, #tpu.memory_space<vmem>>, vector<16xf32>,
      %parallel_loop3A_818 = math.exp %parallel_loop3A_817 : vector<16xf32>
      %parallel_loop3A_819 = arith.constant 0 : i32
      %parallel_loop3A_820 = arith.index_cast %parallel_loop3A_819 : i32 to index
      %parallel_loop3A_821 = arith.index_cast %parallel_loop3A_730 : i32 to index
      %parallel_loop3A_822 = arith.constant 80 : index
      %parallel_loop3A_823 = tpu.vector_load %arg7[%parallel_loop3A_820, %parallel_loop3A_821, %parallel_loop3A_822] {strides = array<i32>} : memref<2x160x128xf32, #tpu.memory_space<vmem>>, vector<16xf32>,
      %parallel_loop3A_824 = arith.mulf %parallel_loop3A_818, %parallel_loop3A_823 : vector<16xf32>
      %parallel_loop3A_825 = arith.mulf %parallel_loop3A_824, %parallel_loop3A_742 : vector<16xf32>
      %parallel_loop3A_826 = arith.subf %parallel_loop3A_736, %parallel_loop3A_825 : vector<16xf32>
      %parallel_loop3A_827 = arith.constant 0 : i32
      %parallel_loop3A_828 = arith.index_cast %parallel_loop3A_827 : i32 to index
      %parallel_loop3A_829 = arith.index_cast %parallel_loop3A_730 : i32 to index
      %parallel_loop3A_830 = arith.constant 96 : index
      %parallel_loop3A_831 = tpu.vector_load %arg6[%parallel_loop3A_828, %parallel_loop3A_829, %parallel_loop3A_830] {strides = array<i32>} : memref<2x160x128xf32, #tpu.memory_space<vmem>>, vector<16xf32>,
      %parallel_loop3A_832 = math.exp %parallel_loop3A_831 : vector<16xf32>
      %parallel_loop3A_833 = arith.constant 0 : i32
      %parallel_loop3A_834 = arith.index_cast %parallel_loop3A_833 : i32 to index
      %parallel_loop3A_835 = arith.index_cast %parallel_loop3A_730 : i32 to index
      %parallel_loop3A_836 = arith.constant 96 : index
      %parallel_loop3A_837 = tpu.vector_load %arg7[%parallel_loop3A_834, %parallel_loop3A_835, %parallel_loop3A_836] {strides = array<i32>} : memref<2x160x128xf32, #tpu.memory_space<vmem>>, vector<16xf32>,
      %parallel_loop3A_838 = arith.mulf %parallel_loop3A_832, %parallel_loop3A_837 : vector<16xf32>
      %parallel_loop3A_839 = arith.mulf %parallel_loop3A_838, %parallel_loop3A_742 : vector<16xf32>
      %parallel_loop3A_840 = arith.subf %parallel_loop3A_737, %parallel_loop3A_839 : vector<16xf32>
      %parallel_loop3A_841 = arith.constant 0 : i32
      %parallel_loop3A_842 = arith.index_cast %parallel_loop3A_841 : i32 to index
      %parallel_loop3A_843 = arith.index_cast %parallel_loop3A_730 : i32 to index
      %parallel_loop3A_844 = arith.constant 112 : index
      %parallel_loop3A_845 = tpu.vector_load %arg6[%parallel_loop3A_842, %parallel_loop3A_843, %parallel_loop3A_844] {strides = array<i32>} : memref<2x160x128xf32, #tpu.memory_space<vmem>>, vector<16xf32>,
      %parallel_loop3A_846 = math.exp %parallel_loop3A_845 : vector<16xf32>
      %parallel_loop3A_847 = arith.constant 0 : i32
      %parallel_loop3A_848 = arith.index_cast %parallel_loop3A_847 : i32 to index
      %parallel_loop3A_849 = arith.index_cast %parallel_loop3A_730 : i32 to index
      %parallel_loop3A_850 = arith.constant 112 : index
      %parallel_loop3A_851 = tpu.vector_load %arg7[%parallel_loop3A_848, %parallel_loop3A_849, %parallel_loop3A_850] {strides = array<i32>} : memref<2x160x128xf32, #tpu.memory_space<vmem>>, vector<16xf32>,
      %parallel_loop3A_852 = arith.mulf %parallel_loop3A_846, %parallel_loop3A_851 : vector<16xf32>
      %parallel_loop3A_853 = arith.mulf %parallel_loop3A_852, %parallel_loop3A_742 : vector<16xf32>
      %parallel_loop3A_854 = arith.subf %parallel_loop3A_738, %parallel_loop3A_853 : vector<16xf32>
      scf.yield %parallel_loop3A_756, %parallel_loop3A_770, %parallel_loop3A_784, %parallel_loop3A_798, %parallel_loop3A_812, %parallel_loop3A_826, %parallel_loop3A_840, %parallel_loop3A_854 : vector<16xf32>, vector<16xf32>, vector<16xf32>, vector<16xf32>, vector<16xf32>, vector<16xf32>, vector<16xf32>, vector<16xf32>
    } {sc.loop_unroll_factor = 2 : i64, sc.parallel_access}
    %sub3A_411 = arith.constant 20 : i32
    %sub3A_412 = arith.subi %add3A_4, %sub3A_411 : i32
    %min3A_413 = arith.constant 20 : i32
    %min3A_414 = arith.minsi %min3A_413, %sub3A_412 : i32
    %add3A_415 = arith.addi %add3A_10, %min3A_414 : i32
    %mul3A_416 = arith.constant 8 : i32
    %mul3A_417 = arith.muli %add3A_415, %mul3A_416 : i32
    %multiple_of3A_418 = tpu.assume_multiple %mul3A_417, 8 : i32
    %dma_wait3A_419 = arith.constant 1 : i32
    %dma_wait3A_420 = arith.constant 1 : i32
    %dma_wait3A_421 = arith.constant 0 : i32
    %dma_wait3A_422 = arith.constant 0 : i32
    %dma_wait3A_423 = tpu.memref_slice %arg8[%dma_wait3A_419, %dma_wait3A_421, %dma_wait3A_422] : memref<2x160x128xf32, #tpu.memory_space<vmem>> -> memref<1x160x128xf32, #tpu.memory_space<vmem>>
    %dma_wait3A_424 = tpu.memref_squeeze %dma_wait3A_423 : memref<1x160x128xf32, #tpu.memory_space<vmem>> -> memref<160x128xf32, #tpu.memory_space<vmem>>
    %dma_wait3A_425 = arith.constant 0 : i32
    %dma_wait3A_426 = tpu.memref_slice %arg4[%multiple_of3A_418, %dma_wait3A_425] : memref<100000x128xf32, #tpu.memory_space<hbm>> -> memref<160x128xf32, #tpu.memory_space<hbm>>
    %dma_wait3A_427 = tpu.memref_slice %arg12[%dma_wait3A_420] : memref<2x!tpu.dma_semaphore, #tpu.memory_space<semaphore_mem>> -> memref<1x!tpu.dma_semaphore, #tpu.memory_space<semaphore_mem>>
    %dma_wait3A_428 = tpu.memref_squeeze %dma_wait3A_427 : memref<1x!tpu.dma_semaphore, #tpu.memory_space<semaphore_mem>> -> memref<!tpu.dma_semaphore, #tpu.memory_space<semaphore_mem>>
    %dma_wait3A_429 = arith.constant 0 : i32
    %dma_wait3A_430 = tpu.memref_slice %arg4[%multiple_of3A_418, %dma_wait3A_429] : memref<100000x128xf32, #tpu.memory_space<hbm>> -> memref<160x128xf32, #tpu.memory_space<hbm>>
    %dma_wait3A_431 = arith.constant 0 : i32
    %dma_wait3A_432 = arith.constant 0 : i32
    %dma_wait3A_433 = tpu.memref_slice %arg8[%dma_wait3A_419, %dma_wait3A_431, %dma_wait3A_432] : memref<2x160x128xf32, #tpu.memory_space<vmem>> -> memref<1x160x128xf32, #tpu.memory_space<vmem>>
    %dma_wait3A_434 = tpu.memref_squeeze %dma_wait3A_433 : memref<1x160x128xf32, #tpu.memory_space<vmem>> -> memref<160x128xf32, #tpu.memory_space<vmem>>
    tpu.wait_dma2 semaphore(%dma_wait3A_428 : memref<!tpu.dma_semaphore, #tpu.memory_space<semaphore_mem>>) src(%dma_wait3A_434 : memref<160x128xf32, #tpu.memory_space<vmem>>) dst(%dma_wait3A_430 : memref<160x128xf32, #tpu.memory_space<hbm>>)
    %sub3A_435 = arith.constant 20 : i32
    %sub3A_436 = arith.subi %add3A_4, %sub3A_435 : i32
    %min3A_437 = arith.constant 40 : i32
    %min3A_438 = arith.minsi %min3A_437, %sub3A_436 : i32
    %add3A_439 = arith.addi %add3A_10, %min3A_438 : i32
    %mul3A_440 = arith.constant 8 : i32
    %mul3A_441 = arith.muli %add3A_439, %mul3A_440 : i32
    %multiple_of3A_442 = tpu.assume_multiple %mul3A_441, 8 : i32
    %dma_wait3A_443 = arith.constant 0 : i32
    %dma_wait3A_444 = arith.constant 0 : i32
    %dma_wait3A_445 = arith.constant 0 : i32
    %dma_wait3A_446 = arith.constant 0 : i32
    %dma_wait3A_447 = tpu.memref_slice %arg8[%dma_wait3A_443, %dma_wait3A_445, %dma_wait3A_446] : memref<2x160x128xf32, #tpu.memory_space<vmem>> -> memref<1x160x128xf32, #tpu.memory_space<vmem>>
    %dma_wait3A_448 = tpu.memref_squeeze %dma_wait3A_447 : memref<1x160x128xf32, #tpu.memory_space<vmem>> -> memref<160x128xf32, #tpu.memory_space<vmem>>
    %dma_wait3A_449 = arith.constant 0 : i32
    %dma_wait3A_450 = tpu.memref_slice %arg4[%multiple_of3A_442, %dma_wait3A_449] : memref<100000x128xf32, #tpu.memory_space<hbm>> -> memref<160x128xf32, #tpu.memory_space<hbm>>
    %dma_wait3A_451 = tpu.memref_slice %arg12[%dma_wait3A_444] : memref<2x!tpu.dma_semaphore, #tpu.memory_space<semaphore_mem>> -> memref<1x!tpu.dma_semaphore, #tpu.memory_space<semaphore_mem>>
    %dma_wait3A_452 = tpu.memref_squeeze %dma_wait3A_451 : memref<1x!tpu.dma_semaphore, #tpu.memory_space<semaphore_mem>> -> memref<!tpu.dma_semaphore, #tpu.memory_space<semaphore_mem>>
    %dma_wait3A_453 = arith.constant 0 : i32
    %dma_wait3A_454 = tpu.memref_slice %arg4[%multiple_of3A_442, %dma_wait3A_453] : memref<100000x128xf32, #tpu.memory_space<hbm>> -> memref<160x128xf32, #tpu.memory_space<hbm>>
    %dma_wait3A_455 = arith.constant 0 : i32
    %dma_wait3A_456 = arith.constant 0 : i32
    %dma_wait3A_457 = tpu.memref_slice %arg8[%dma_wait3A_443, %dma_wait3A_455, %dma_wait3A_456] : memref<2x160x128xf32, #tpu.memory_space<vmem>> -> memref<1x160x128xf32, #tpu.memory_space<vmem>>
    %dma_wait3A_458 = tpu.memref_squeeze %dma_wait3A_457 : memref<1x160x128xf32, #tpu.memory_space<vmem>> -> memref<160x128xf32, #tpu.memory_space<vmem>>
    tpu.wait_dma2 semaphore(%dma_wait3A_452 : memref<!tpu.dma_semaphore, #tpu.memory_space<semaphore_mem>>) src(%dma_wait3A_458 : memref<160x128xf32, #tpu.memory_space<vmem>>) dst(%dma_wait3A_454 : memref<160x128xf32, #tpu.memory_space<hbm>>)
    %swap3A = arith.constant 0 : i32
    %swap3A_459 = arith.index_cast %swap3A : i32 to index
    %swap3A_460 = arith.constant 0 : index
    %swap3A_461 = tpu.vector_load %arg9[%swap3A_459, %swap3A_460] {strides = array<i32>} : memref<8x128xf32, #tpu.memory_space<vmem>>, vector<16xf32>,
    tpu.vector_store %arg9[%swap3A_459, %swap3A_460], %parallel_loop3A_410#0 {strides = array<i32>} : memref<8x128xf32, #tpu.memory_space<vmem>>, vector<16xf32>,
    %swap3A_462 = arith.constant 1 : i32
    %swap3A_463 = arith.index_cast %swap3A_462 : i32 to index
    %swap3A_464 = arith.constant 0 : index
    %swap3A_465 = tpu.vector_load %arg9[%swap3A_463, %swap3A_464] {strides = array<i32>} : memref<8x128xf32, #tpu.memory_space<vmem>>, vector<16xf32>,
    tpu.vector_store %arg9[%swap3A_463, %swap3A_464], %broadcast_in_dim3A_104 {strides = array<i32>} : memref<8x128xf32, #tpu.memory_space<vmem>>, vector<16xf32>,
    %swap3A_466 = arith.constant 2 : i32
    %swap3A_467 = arith.index_cast %swap3A_466 : i32 to index
    %swap3A_468 = arith.constant 0 : index
    %swap3A_469 = tpu.vector_load %arg9[%swap3A_467, %swap3A_468] {strides = array<i32>} : memref<8x128xf32, #tpu.memory_space<vmem>>, vector<16xf32>,
    tpu.vector_store %arg9[%swap3A_467, %swap3A_468], %broadcast_in_dim3A_104 {strides = array<i32>} : memref<8x128xf32, #tpu.memory_space<vmem>>, vector<16xf32>,
    %swap3A_470 = arith.constant 3 : i32
    %swap3A_471 = arith.index_cast %swap3A_470 : i32 to index
    %swap3A_472 = arith.constant 0 : index
    %swap3A_473 = tpu.vector_load %arg9[%swap3A_471, %swap3A_472] {strides = array<i32>} : memref<8x128xf32, #tpu.memory_space<vmem>>, vector<16xf32>,
    tpu.vector_store %arg9[%swap3A_471, %swap3A_472], %broadcast_in_dim3A_104 {strides = array<i32>} : memref<8x128xf32, #tpu.memory_space<vmem>>, vector<16xf32>,
    %swap3A_474 = arith.constant 4 : i32
    %swap3A_475 = arith.index_cast %swap3A_474 : i32 to index
    %swap3A_476 = arith.constant 0 : index
    %swap3A_477 = tpu.vector_load %arg9[%swap3A_475, %swap3A_476] {strides = array<i32>} : memref<8x128xf32, #tpu.memory_space<vmem>>, vector<16xf32>,
    tpu.vector_store %arg9[%swap3A_475, %swap3A_476], %broadcast_in_dim3A_104 {strides = array<i32>} : memref<8x128xf32, #tpu.memory_space<vmem>>, vector<16xf32>,
    %swap3A_478 = arith.constant 5 : i32
    %swap3A_479 = arith.index_cast %swap3A_478 : i32 to index
    %swap3A_480 = arith.constant 0 : index
    %swap3A_481 = tpu.vector_load %arg9[%swap3A_479, %swap3A_480] {strides = array<i32>} : memref<8x128xf32, #tpu.memory_space<vmem>>, vector<16xf32>,
    tpu.vector_store %arg9[%swap3A_479, %swap3A_480], %broadcast_in_dim3A_104 {strides = array<i32>} : memref<8x128xf32, #tpu.memory_space<vmem>>, vector<16xf32>,
    %swap3A_482 = arith.constant 6 : i32
    %swap3A_483 = arith.index_cast %swap3A_482 : i32 to index
    %swap3A_484 = arith.constant 0 : index
    %swap3A_485 = tpu.vector_load %arg9[%swap3A_483, %swap3A_484] {strides = array<i32>} : memref<8x128xf32, #tpu.memory_space<vmem>>, vector<16xf32>,
    tpu.vector_store %arg9[%swap3A_483, %swap3A_484], %broadcast_in_dim3A_104 {strides = array<i32>} : memref<8x128xf32, #tpu.memory_space<vmem>>, vector<16xf32>,
    %swap3A_486 = arith.constant 7 : i32
    %swap3A_487 = arith.index_cast %swap3A_486 : i32 to index
    %swap3A_488 = arith.constant 0 : index
    %swap3A_489 = tpu.vector_load %arg9[%swap3A_487, %swap3A_488] {strides = array<i32>} : memref<8x128xf32, #tpu.memory_space<vmem>>, vector<16xf32>,
    tpu.vector_store %arg9[%swap3A_487, %swap3A_488], %broadcast_in_dim3A_104 {strides = array<i32>} : memref<8x128xf32, #tpu.memory_space<vmem>>, vector<16xf32>,
    %swap3A_490 = arith.constant 0 : i32
    %swap3A_491 = arith.index_cast %swap3A_490 : i32 to index
    %swap3A_492 = arith.constant 16 : index
    %swap3A_493 = tpu.vector_load %arg9[%swap3A_491, %swap3A_492] {strides = array<i32>} : memref<8x128xf32, #tpu.memory_space<vmem>>, vector<16xf32>,
    tpu.vector_store %arg9[%swap3A_491, %swap3A_492], %parallel_loop3A_410#1 {strides = array<i32>} : memref<8x128xf32, #tpu.memory_space<vmem>>, vector<16xf32>,
    %swap3A_494 = arith.constant 1 : i32
    %swap3A_495 = arith.index_cast %swap3A_494 : i32 to index
    %swap3A_496 = arith.constant 16 : index
    %swap3A_497 = tpu.vector_load %arg9[%swap3A_495, %swap3A_496] {strides = array<i32>} : memref<8x128xf32, #tpu.memory_space<vmem>>, vector<16xf32>,
    tpu.vector_store %arg9[%swap3A_495, %swap3A_496], %broadcast_in_dim3A_104 {strides = array<i32>} : memref<8x128xf32, #tpu.memory_space<vmem>>, vector<16xf32>,
    %swap3A_498 = arith.constant 2 : i32
    %swap3A_499 = arith.index_cast %swap3A_498 : i32 to index
    %swap3A_500 = arith.constant 16 : index
    %swap3A_501 = tpu.vector_load %arg9[%swap3A_499, %swap3A_500] {strides = array<i32>} : memref<8x128xf32, #tpu.memory_space<vmem>>, vector<16xf32>,
    tpu.vector_store %arg9[%swap3A_499, %swap3A_500], %broadcast_in_dim3A_104 {strides = array<i32>} : memref<8x128xf32, #tpu.memory_space<vmem>>, vector<16xf32>,
    %swap3A_502 = arith.constant 3 : i32
    %swap3A_503 = arith.index_cast %swap3A_502 : i32 to index
    %swap3A_504 = arith.constant 16 : index
    %swap3A_505 = tpu.vector_load %arg9[%swap3A_503, %swap3A_504] {strides = array<i32>} : memref<8x128xf32, #tpu.memory_space<vmem>>, vector<16xf32>,
    tpu.vector_store %arg9[%swap3A_503, %swap3A_504], %broadcast_in_dim3A_104 {strides = array<i32>} : memref<8x128xf32, #tpu.memory_space<vmem>>, vector<16xf32>,
    %swap3A_506 = arith.constant 4 : i32
    %swap3A_507 = arith.index_cast %swap3A_506 : i32 to index
    %swap3A_508 = arith.constant 16 : index
    %swap3A_509 = tpu.vector_load %arg9[%swap3A_507, %swap3A_508] {strides = array<i32>} : memref<8x128xf32, #tpu.memory_space<vmem>>, vector<16xf32>,
    tpu.vector_store %arg9[%swap3A_507, %swap3A_508], %broadcast_in_dim3A_104 {strides = array<i32>} : memref<8x128xf32, #tpu.memory_space<vmem>>, vector<16xf32>,
    %swap3A_510 = arith.constant 5 : i32
    %swap3A_511 = arith.index_cast %swap3A_510 : i32 to index
    %swap3A_512 = arith.constant 16 : index
    %swap3A_513 = tpu.vector_load %arg9[%swap3A_511, %swap3A_512] {strides = array<i32>} : memref<8x128xf32, #tpu.memory_space<vmem>>, vector<16xf32>,
    tpu.vector_store %arg9[%swap3A_511, %swap3A_512], %broadcast_in_dim3A_104 {strides = array<i32>} : memref<8x128xf32, #tpu.memory_space<vmem>>, vector<16xf32>,
    %swap3A_514 = arith.constant 6 : i32
    %swap3A_515 = arith.index_cast %swap3A_514 : i32 to index
    %swap3A_516 = arith.constant 16 : index
    %swap3A_517 = tpu.vector_load %arg9[%swap3A_515, %swap3A_516] {strides = array<i32>} : memref<8x128xf32, #tpu.memory_space<vmem>>, vector<16xf32>,
    tpu.vector_store %arg9[%swap3A_515, %swap3A_516], %broadcast_in_dim3A_104 {strides = array<i32>} : memref<8x128xf32, #tpu.memory_space<vmem>>, vector<16xf32>,
    %swap3A_518 = arith.constant 7 : i32
    %swap3A_519 = arith.index_cast %swap3A_518 : i32 to index
    %swap3A_520 = arith.constant 16 : index
    %swap3A_521 = tpu.vector_load %arg9[%swap3A_519, %swap3A_520] {strides = array<i32>} : memref<8x128xf32, #tpu.memory_space<vmem>>, vector<16xf32>,
    tpu.vector_store %arg9[%swap3A_519, %swap3A_520], %broadcast_in_dim3A_104 {strides = array<i32>} : memref<8x128xf32, #tpu.memory_space<vmem>>, vector<16xf32>,
    %swap3A_522 = arith.constant 0 : i32
    %swap3A_523 = arith.index_cast %swap3A_522 : i32 to index
    %swap3A_524 = arith.constant 32 : index
    %swap3A_525 = tpu.vector_load %arg9[%swap3A_523, %swap3A_524] {strides = array<i32>} : memref<8x128xf32, #tpu.memory_space<vmem>>, vector<16xf32>,
    tpu.vector_store %arg9[%swap3A_523, %swap3A_524], %parallel_loop3A_410#2 {strides = array<i32>} : memref<8x128xf32, #tpu.memory_space<vmem>>, vector<16xf32>,
    %swap3A_526 = arith.constant 1 : i32
    %swap3A_527 = arith.index_cast %swap3A_526 : i32 to index
    %swap3A_528 = arith.constant 32 : index
    %swap3A_529 = tpu.vector_load %arg9[%swap3A_527, %swap3A_528] {strides = array<i32>} : memref<8x128xf32, #tpu.memory_space<vmem>>, vector<16xf32>,
    tpu.vector_store %arg9[%swap3A_527, %swap3A_528], %broadcast_in_dim3A_104 {strides = array<i32>} : memref<8x128xf32, #tpu.memory_space<vmem>>, vector<16xf32>,
    %swap3A_530 = arith.constant 2 : i32
    %swap3A_531 = arith.index_cast %swap3A_530 : i32 to index
    %swap3A_532 = arith.constant 32 : index
    %swap3A_533 = tpu.vector_load %arg9[%swap3A_531, %swap3A_532] {strides = array<i32>} : memref<8x128xf32, #tpu.memory_space<vmem>>, vector<16xf32>,
    tpu.vector_store %arg9[%swap3A_531, %swap3A_532], %broadcast_in_dim3A_104 {strides = array<i32>} : memref<8x128xf32, #tpu.memory_space<vmem>>, vector<16xf32>,
    %swap3A_534 = arith.constant 3 : i32
    %swap3A_535 = arith.index_cast %swap3A_534 : i32 to index
    %swap3A_536 = arith.constant 32 : index
    %swap3A_537 = tpu.vector_load %arg9[%swap3A_535, %swap3A_536] {strides = array<i32>} : memref<8x128xf32, #tpu.memory_space<vmem>>, vector<16xf32>,
    tpu.vector_store %arg9[%swap3A_535, %swap3A_536], %broadcast_in_dim3A_104 {strides = array<i32>} : memref<8x128xf32, #tpu.memory_space<vmem>>, vector<16xf32>,
    %swap3A_538 = arith.constant 4 : i32
    %swap3A_539 = arith.index_cast %swap3A_538 : i32 to index
    %swap3A_540 = arith.constant 32 : index
    %swap3A_541 = tpu.vector_load %arg9[%swap3A_539, %swap3A_540] {strides = array<i32>} : memref<8x128xf32, #tpu.memory_space<vmem>>, vector<16xf32>,
    tpu.vector_store %arg9[%swap3A_539, %swap3A_540], %broadcast_in_dim3A_104 {strides = array<i32>} : memref<8x128xf32, #tpu.memory_space<vmem>>, vector<16xf32>,
    %swap3A_542 = arith.constant 5 : i32
    %swap3A_543 = arith.index_cast %swap3A_542 : i32 to index
    %swap3A_544 = arith.constant 32 : index
    %swap3A_545 = tpu.vector_load %arg9[%swap3A_543, %swap3A_544] {strides = array<i32>} : memref<8x128xf32, #tpu.memory_space<vmem>>, vector<16xf32>,
    tpu.vector_store %arg9[%swap3A_543, %swap3A_544], %broadcast_in_dim3A_104 {strides = array<i32>} : memref<8x128xf32, #tpu.memory_space<vmem>>, vector<16xf32>,
    %swap3A_546 = arith.constant 6 : i32
    %swap3A_547 = arith.index_cast %swap3A_546 : i32 to index
    %swap3A_548 = arith.constant 32 : index
    %swap3A_549 = tpu.vector_load %arg9[%swap3A_547, %swap3A_548] {strides = array<i32>} : memref<8x128xf32, #tpu.memory_space<vmem>>, vector<16xf32>,
    tpu.vector_store %arg9[%swap3A_547, %swap3A_548], %broadcast_in_dim3A_104 {strides = array<i32>} : memref<8x128xf32, #tpu.memory_space<vmem>>, vector<16xf32>,
    %swap3A_550 = arith.constant 7 : i32
    %swap3A_551 = arith.index_cast %swap3A_550 : i32 to index
    %swap3A_552 = arith.constant 32 : index
    %swap3A_553 = tpu.vector_load %arg9[%swap3A_551, %swap3A_552] {strides = array<i32>} : memref<8x128xf32, #tpu.memory_space<vmem>>, vector<16xf32>,
    tpu.vector_store %arg9[%swap3A_551, %swap3A_552], %broadcast_in_dim3A_104 {strides = array<i32>} : memref<8x128xf32, #tpu.memory_space<vmem>>, vector<16xf32>,
    %swap3A_554 = arith.constant 0 : i32
    %swap3A_555 = arith.index_cast %swap3A_554 : i32 to index
    %swap3A_556 = arith.constant 48 : index
    %swap3A_557 = tpu.vector_load %arg9[%swap3A_555, %swap3A_556] {strides = array<i32>} : memref<8x128xf32, #tpu.memory_space<vmem>>, vector<16xf32>,
    tpu.vector_store %arg9[%swap3A_555, %swap3A_556], %parallel_loop3A_410#3 {strides = array<i32>} : memref<8x128xf32, #tpu.memory_space<vmem>>, vector<16xf32>,
    %swap3A_558 = arith.constant 1 : i32
    %swap3A_559 = arith.index_cast %swap3A_558 : i32 to index
    %swap3A_560 = arith.constant 48 : index
    %swap3A_561 = tpu.vector_load %arg9[%swap3A_559, %swap3A_560] {strides = array<i32>} : memref<8x128xf32, #tpu.memory_space<vmem>>, vector<16xf32>,
    tpu.vector_store %arg9[%swap3A_559, %swap3A_560], %broadcast_in_dim3A_104 {strides = array<i32>} : memref<8x128xf32, #tpu.memory_space<vmem>>, vector<16xf32>,
    %swap3A_562 = arith.constant 2 : i32
    %swap3A_563 = arith.index_cast %swap3A_562 : i32 to index
    %swap3A_564 = arith.constant 48 : index
    %swap3A_565 = tpu.vector_load %arg9[%swap3A_563, %swap3A_564] {strides = array<i32>} : memref<8x128xf32, #tpu.memory_space<vmem>>, vector<16xf32>,
    tpu.vector_store %arg9[%swap3A_563, %swap3A_564], %broadcast_in_dim3A_104 {strides = array<i32>} : memref<8x128xf32, #tpu.memory_space<vmem>>, vector<16xf32>,
    %swap3A_566 = arith.constant 3 : i32
    %swap3A_567 = arith.index_cast %swap3A_566 : i32 to index
    %swap3A_568 = arith.constant 48 : index
    %swap3A_569 = tpu.vector_load %arg9[%swap3A_567, %swap3A_568] {strides = array<i32>} : memref<8x128xf32, #tpu.memory_space<vmem>>, vector<16xf32>,
    tpu.vector_store %arg9[%swap3A_567, %swap3A_568], %broadcast_in_dim3A_104 {strides = array<i32>} : memref<8x128xf32, #tpu.memory_space<vmem>>, vector<16xf32>,
    %swap3A_570 = arith.constant 4 : i32
    %swap3A_571 = arith.index_cast %swap3A_570 : i32 to index
    %swap3A_572 = arith.constant 48 : index
    %swap3A_573 = tpu.vector_load %arg9[%swap3A_571, %swap3A_572] {strides = array<i32>} : memref<8x128xf32, #tpu.memory_space<vmem>>, vector<16xf32>,
    tpu.vector_store %arg9[%swap3A_571, %swap3A_572], %broadcast_in_dim3A_104 {strides = array<i32>} : memref<8x128xf32, #tpu.memory_space<vmem>>, vector<16xf32>,
    %swap3A_574 = arith.constant 5 : i32
    %swap3A_575 = arith.index_cast %swap3A_574 : i32 to index
    %swap3A_576 = arith.constant 48 : index
    %swap3A_577 = tpu.vector_load %arg9[%swap3A_575, %swap3A_576] {strides = array<i32>} : memref<8x128xf32, #tpu.memory_space<vmem>>, vector<16xf32>,
    tpu.vector_store %arg9[%swap3A_575, %swap3A_576], %broadcast_in_dim3A_104 {strides = array<i32>} : memref<8x128xf32, #tpu.memory_space<vmem>>, vector<16xf32>,
    %swap3A_578 = arith.constant 6 : i32
    %swap3A_579 = arith.index_cast %swap3A_578 : i32 to index
    %swap3A_580 = arith.constant 48 : index
    %swap3A_581 = tpu.vector_load %arg9[%swap3A_579, %swap3A_580] {strides = array<i32>} : memref<8x128xf32, #tpu.memory_space<vmem>>, vector<16xf32>,
    tpu.vector_store %arg9[%swap3A_579, %swap3A_580], %broadcast_in_dim3A_104 {strides = array<i32>} : memref<8x128xf32, #tpu.memory_space<vmem>>, vector<16xf32>,
    %swap3A_582 = arith.constant 7 : i32
    %swap3A_583 = arith.index_cast %swap3A_582 : i32 to index
    %swap3A_584 = arith.constant 48 : index
    %swap3A_585 = tpu.vector_load %arg9[%swap3A_583, %swap3A_584] {strides = array<i32>} : memref<8x128xf32, #tpu.memory_space<vmem>>, vector<16xf32>,
    tpu.vector_store %arg9[%swap3A_583, %swap3A_584], %broadcast_in_dim3A_104 {strides = array<i32>} : memref<8x128xf32, #tpu.memory_space<vmem>>, vector<16xf32>,
    %swap3A_586 = arith.constant 0 : i32
    %swap3A_587 = arith.index_cast %swap3A_586 : i32 to index
    %swap3A_588 = arith.constant 64 : index
    %swap3A_589 = tpu.vector_load %arg9[%swap3A_587, %swap3A_588] {strides = array<i32>} : memref<8x128xf32, #tpu.memory_space<vmem>>, vector<16xf32>,
    tpu.vector_store %arg9[%swap3A_587, %swap3A_588], %parallel_loop3A_410#4 {strides = array<i32>} : memref<8x128xf32, #tpu.memory_space<vmem>>, vector<16xf32>,
    %swap3A_590 = arith.constant 1 : i32
    %swap3A_591 = arith.index_cast %swap3A_590 : i32 to index
    %swap3A_592 = arith.constant 64 : index
    %swap3A_593 = tpu.vector_load %arg9[%swap3A_591, %swap3A_592] {strides = array<i32>} : memref<8x128xf32, #tpu.memory_space<vmem>>, vector<16xf32>,
    tpu.vector_store %arg9[%swap3A_591, %swap3A_592], %broadcast_in_dim3A_104 {strides = array<i32>} : memref<8x128xf32, #tpu.memory_space<vmem>>, vector<16xf32>,
    %swap3A_594 = arith.constant 2 : i32
    %swap3A_595 = arith.index_cast %swap3A_594 : i32 to index
    %swap3A_596 = arith.constant 64 : index
    %swap3A_597 = tpu.vector_load %arg9[%swap3A_595, %swap3A_596] {strides = array<i32>} : memref<8x128xf32, #tpu.memory_space<vmem>>, vector<16xf32>,
    tpu.vector_store %arg9[%swap3A_595, %swap3A_596], %broadcast_in_dim3A_104 {strides = array<i32>} : memref<8x128xf32, #tpu.memory_space<vmem>>, vector<16xf32>,
    %swap3A_598 = arith.constant 3 : i32
    %swap3A_599 = arith.index_cast %swap3A_598 : i32 to index
    %swap3A_600 = arith.constant 64 : index
    %swap3A_601 = tpu.vector_load %arg9[%swap3A_599, %swap3A_600] {strides = array<i32>} : memref<8x128xf32, #tpu.memory_space<vmem>>, vector<16xf32>,
    tpu.vector_store %arg9[%swap3A_599, %swap3A_600], %broadcast_in_dim3A_104 {strides = array<i32>} : memref<8x128xf32, #tpu.memory_space<vmem>>, vector<16xf32>,
    %swap3A_602 = arith.constant 4 : i32
    %swap3A_603 = arith.index_cast %swap3A_602 : i32 to index
    %swap3A_604 = arith.constant 64 : index
    %swap3A_605 = tpu.vector_load %arg9[%swap3A_603, %swap3A_604] {strides = array<i32>} : memref<8x128xf32, #tpu.memory_space<vmem>>, vector<16xf32>,
    tpu.vector_store %arg9[%swap3A_603, %swap3A_604], %broadcast_in_dim3A_104 {strides = array<i32>} : memref<8x128xf32, #tpu.memory_space<vmem>>, vector<16xf32>,
    %swap3A_606 = arith.constant 5 : i32
    %swap3A_607 = arith.index_cast %swap3A_606 : i32 to index
    %swap3A_608 = arith.constant 64 : index
    %swap3A_609 = tpu.vector_load %arg9[%swap3A_607, %swap3A_608] {strides = array<i32>} : memref<8x128xf32, #tpu.memory_space<vmem>>, vector<16xf32>,
    tpu.vector_store %arg9[%swap3A_607, %swap3A_608], %broadcast_in_dim3A_104 {strides = array<i32>} : memref<8x128xf32, #tpu.memory_space<vmem>>, vector<16xf32>,
    %swap3A_610 = arith.constant 6 : i32
    %swap3A_611 = arith.index_cast %swap3A_610 : i32 to index
    %swap3A_612 = arith.constant 64 : index
    %swap3A_613 = tpu.vector_load %arg9[%swap3A_611, %swap3A_612] {strides = array<i32>} : memref<8x128xf32, #tpu.memory_space<vmem>>, vector<16xf32>,
    tpu.vector_store %arg9[%swap3A_611, %swap3A_612], %broadcast_in_dim3A_104 {strides = array<i32>} : memref<8x128xf32, #tpu.memory_space<vmem>>, vector<16xf32>,
    %swap3A_614 = arith.constant 7 : i32
    %swap3A_615 = arith.index_cast %swap3A_614 : i32 to index
    %swap3A_616 = arith.constant 64 : index
    %swap3A_617 = tpu.vector_load %arg9[%swap3A_615, %swap3A_616] {strides = array<i32>} : memref<8x128xf32, #tpu.memory_space<vmem>>, vector<16xf32>,
    tpu.vector_store %arg9[%swap3A_615, %swap3A_616], %broadcast_in_dim3A_104 {strides = array<i32>} : memref<8x128xf32, #tpu.memory_space<vmem>>, vector<16xf32>,
    %swap3A_618 = arith.constant 0 : i32
    %swap3A_619 = arith.index_cast %swap3A_618 : i32 to index
    %swap3A_620 = arith.constant 80 : index
    %swap3A_621 = tpu.vector_load %arg9[%swap3A_619, %swap3A_620] {strides = array<i32>} : memref<8x128xf32, #tpu.memory_space<vmem>>, vector<16xf32>,
    tpu.vector_store %arg9[%swap3A_619, %swap3A_620], %parallel_loop3A_410#5 {strides = array<i32>} : memref<8x128xf32, #tpu.memory_space<vmem>>, vector<16xf32>,
    %swap3A_622 = arith.constant 1 : i32
    %swap3A_623 = arith.index_cast %swap3A_622 : i32 to index
    %swap3A_624 = arith.constant 80 : index
    %swap3A_625 = tpu.vector_load %arg9[%swap3A_623, %swap3A_624] {strides = array<i32>} : memref<8x128xf32, #tpu.memory_space<vmem>>, vector<16xf32>,
    tpu.vector_store %arg9[%swap3A_623, %swap3A_624], %broadcast_in_dim3A_104 {strides = array<i32>} : memref<8x128xf32, #tpu.memory_space<vmem>>, vector<16xf32>,
    %swap3A_626 = arith.constant 2 : i32
    %swap3A_627 = arith.index_cast %swap3A_626 : i32 to index
    %swap3A_628 = arith.constant 80 : index
    %swap3A_629 = tpu.vector_load %arg9[%swap3A_627, %swap3A_628] {strides = array<i32>} : memref<8x128xf32, #tpu.memory_space<vmem>>, vector<16xf32>,
    tpu.vector_store %arg9[%swap3A_627, %swap3A_628], %broadcast_in_dim3A_104 {strides = array<i32>} : memref<8x128xf32, #tpu.memory_space<vmem>>, vector<16xf32>,
    %swap3A_630 = arith.constant 3 : i32
    %swap3A_631 = arith.index_cast %swap3A_630 : i32 to index
    %swap3A_632 = arith.constant 80 : index
    %swap3A_633 = tpu.vector_load %arg9[%swap3A_631, %swap3A_632] {strides = array<i32>} : memref<8x128xf32, #tpu.memory_space<vmem>>, vector<16xf32>,
    tpu.vector_store %arg9[%swap3A_631, %swap3A_632], %broadcast_in_dim3A_104 {strides = array<i32>} : memref<8x128xf32, #tpu.memory_space<vmem>>, vector<16xf32>,
    %swap3A_634 = arith.constant 4 : i32
    %swap3A_635 = arith.index_cast %swap3A_634 : i32 to index
    %swap3A_636 = arith.constant 80 : index
    %swap3A_637 = tpu.vector_load %arg9[%swap3A_635, %swap3A_636] {strides = array<i32>} : memref<8x128xf32, #tpu.memory_space<vmem>>, vector<16xf32>,
    tpu.vector_store %arg9[%swap3A_635, %swap3A_636], %broadcast_in_dim3A_104 {strides = array<i32>} : memref<8x128xf32, #tpu.memory_space<vmem>>, vector<16xf32>,
    %swap3A_638 = arith.constant 5 : i32
    %swap3A_639 = arith.index_cast %swap3A_638 : i32 to index
    %swap3A_640 = arith.constant 80 : index
    %swap3A_641 = tpu.vector_load %arg9[%swap3A_639, %swap3A_640] {strides = array<i32>} : memref<8x128xf32, #tpu.memory_space<vmem>>, vector<16xf32>,
    tpu.vector_store %arg9[%swap3A_639, %swap3A_640], %broadcast_in_dim3A_104 {strides = array<i32>} : memref<8x128xf32, #tpu.memory_space<vmem>>, vector<16xf32>,
    %swap3A_642 = arith.constant 6 : i32
    %swap3A_643 = arith.index_cast %swap3A_642 : i32 to index
    %swap3A_644 = arith.constant 80 : index
    %swap3A_645 = tpu.vector_load %arg9[%swap3A_643, %swap3A_644] {strides = array<i32>} : memref<8x128xf32, #tpu.memory_space<vmem>>, vector<16xf32>,
    tpu.vector_store %arg9[%swap3A_643, %swap3A_644], %broadcast_in_dim3A_104 {strides = array<i32>} : memref<8x128xf32, #tpu.memory_space<vmem>>, vector<16xf32>,
    %swap3A_646 = arith.constant 7 : i32
    %swap3A_647 = arith.index_cast %swap3A_646 : i32 to index
    %swap3A_648 = arith.constant 80 : index
    %swap3A_649 = tpu.vector_load %arg9[%swap3A_647, %swap3A_648] {strides = array<i32>} : memref<8x128xf32, #tpu.memory_space<vmem>>, vector<16xf32>,
    tpu.vector_store %arg9[%swap3A_647, %swap3A_648], %broadcast_in_dim3A_104 {strides = array<i32>} : memref<8x128xf32, #tpu.memory_space<vmem>>, vector<16xf32>,
    %swap3A_650 = arith.constant 0 : i32
    %swap3A_651 = arith.index_cast %swap3A_650 : i32 to index
    %swap3A_652 = arith.constant 96 : index
    %swap3A_653 = tpu.vector_load %arg9[%swap3A_651, %swap3A_652] {strides = array<i32>} : memref<8x128xf32, #tpu.memory_space<vmem>>, vector<16xf32>,
    tpu.vector_store %arg9[%swap3A_651, %swap3A_652], %parallel_loop3A_410#6 {strides = array<i32>} : memref<8x128xf32, #tpu.memory_space<vmem>>, vector<16xf32>,
    %swap3A_654 = arith.constant 1 : i32
    %swap3A_655 = arith.index_cast %swap3A_654 : i32 to index
    %swap3A_656 = arith.constant 96 : index
    %swap3A_657 = tpu.vector_load %arg9[%swap3A_655, %swap3A_656] {strides = array<i32>} : memref<8x128xf32, #tpu.memory_space<vmem>>, vector<16xf32>,
    tpu.vector_store %arg9[%swap3A_655, %swap3A_656], %broadcast_in_dim3A_104 {strides = array<i32>} : memref<8x128xf32, #tpu.memory_space<vmem>>, vector<16xf32>,
    %swap3A_658 = arith.constant 2 : i32
    %swap3A_659 = arith.index_cast %swap3A_658 : i32 to index
    %swap3A_660 = arith.constant 96 : index
    %swap3A_661 = tpu.vector_load %arg9[%swap3A_659, %swap3A_660] {strides = array<i32>} : memref<8x128xf32, #tpu.memory_space<vmem>>, vector<16xf32>,
    tpu.vector_store %arg9[%swap3A_659, %swap3A_660], %broadcast_in_dim3A_104 {strides = array<i32>} : memref<8x128xf32, #tpu.memory_space<vmem>>, vector<16xf32>,
    %swap3A_662 = arith.constant 3 : i32
    %swap3A_663 = arith.index_cast %swap3A_662 : i32 to index
    %swap3A_664 = arith.constant 96 : index
    %swap3A_665 = tpu.vector_load %arg9[%swap3A_663, %swap3A_664] {strides = array<i32>} : memref<8x128xf32, #tpu.memory_space<vmem>>, vector<16xf32>,
    tpu.vector_store %arg9[%swap3A_663, %swap3A_664], %broadcast_in_dim3A_104 {strides = array<i32>} : memref<8x128xf32, #tpu.memory_space<vmem>>, vector<16xf32>,
    %swap3A_666 = arith.constant 4 : i32
    %swap3A_667 = arith.index_cast %swap3A_666 : i32 to index
    %swap3A_668 = arith.constant 96 : index
    %swap3A_669 = tpu.vector_load %arg9[%swap3A_667, %swap3A_668] {strides = array<i32>} : memref<8x128xf32, #tpu.memory_space<vmem>>, vector<16xf32>,
    tpu.vector_store %arg9[%swap3A_667, %swap3A_668], %broadcast_in_dim3A_104 {strides = array<i32>} : memref<8x128xf32, #tpu.memory_space<vmem>>, vector<16xf32>,
    %swap3A_670 = arith.constant 5 : i32
    %swap3A_671 = arith.index_cast %swap3A_670 : i32 to index
    %swap3A_672 = arith.constant 96 : index
    %swap3A_673 = tpu.vector_load %arg9[%swap3A_671, %swap3A_672] {strides = array<i32>} : memref<8x128xf32, #tpu.memory_space<vmem>>, vector<16xf32>,
    tpu.vector_store %arg9[%swap3A_671, %swap3A_672], %broadcast_in_dim3A_104 {strides = array<i32>} : memref<8x128xf32, #tpu.memory_space<vmem>>, vector<16xf32>,
    %swap3A_674 = arith.constant 6 : i32
    %swap3A_675 = arith.index_cast %swap3A_674 : i32 to index
    %swap3A_676 = arith.constant 96 : index
    %swap3A_677 = tpu.vector_load %arg9[%swap3A_675, %swap3A_676] {strides = array<i32>} : memref<8x128xf32, #tpu.memory_space<vmem>>, vector<16xf32>,
    tpu.vector_store %arg9[%swap3A_675, %swap3A_676], %broadcast_in_dim3A_104 {strides = array<i32>} : memref<8x128xf32, #tpu.memory_space<vmem>>, vector<16xf32>,
    %swap3A_678 = arith.constant 7 : i32
    %swap3A_679 = arith.index_cast %swap3A_678 : i32 to index
    %swap3A_680 = arith.constant 96 : index
    %swap3A_681 = tpu.vector_load %arg9[%swap3A_679, %swap3A_680] {strides = array<i32>} : memref<8x128xf32, #tpu.memory_space<vmem>>, vector<16xf32>,
    tpu.vector_store %arg9[%swap3A_679, %swap3A_680], %broadcast_in_dim3A_104 {strides = array<i32>} : memref<8x128xf32, #tpu.memory_space<vmem>>, vector<16xf32>,
    %swap3A_682 = arith.constant 0 : i32
    %swap3A_683 = arith.index_cast %swap3A_682 : i32 to index
    %swap3A_684 = arith.constant 112 : index
    %swap3A_685 = tpu.vector_load %arg9[%swap3A_683, %swap3A_684] {strides = array<i32>} : memref<8x128xf32, #tpu.memory_space<vmem>>, vector<16xf32>,
    tpu.vector_store %arg9[%swap3A_683, %swap3A_684], %parallel_loop3A_410#7 {strides = array<i32>} : memref<8x128xf32, #tpu.memory_space<vmem>>, vector<16xf32>,
    %swap3A_686 = arith.constant 1 : i32
    %swap3A_687 = arith.index_cast %swap3A_686 : i32 to index
    %swap3A_688 = arith.constant 112 : index
    %swap3A_689 = tpu.vector_load %arg9[%swap3A_687, %swap3A_688] {strides = array<i32>} : memref<8x128xf32, #tpu.memory_space<vmem>>, vector<16xf32>,
    tpu.vector_store %arg9[%swap3A_687, %swap3A_688], %broadcast_in_dim3A_104 {strides = array<i32>} : memref<8x128xf32, #tpu.memory_space<vmem>>, vector<16xf32>,
    %swap3A_690 = arith.constant 2 : i32
    %swap3A_691 = arith.index_cast %swap3A_690 : i32 to index
    %swap3A_692 = arith.constant 112 : index
    %swap3A_693 = tpu.vector_load %arg9[%swap3A_691, %swap3A_692] {strides = array<i32>} : memref<8x128xf32, #tpu.memory_space<vmem>>, vector<16xf32>,
    tpu.vector_store %arg9[%swap3A_691, %swap3A_692], %broadcast_in_dim3A_104 {strides = array<i32>} : memref<8x128xf32, #tpu.memory_space<vmem>>, vector<16xf32>,
    %swap3A_694 = arith.constant 3 : i32
    %swap3A_695 = arith.index_cast %swap3A_694 : i32 to index
    %swap3A_696 = arith.constant 112 : index
    %swap3A_697 = tpu.vector_load %arg9[%swap3A_695, %swap3A_696] {strides = array<i32>} : memref<8x128xf32, #tpu.memory_space<vmem>>, vector<16xf32>,
    tpu.vector_store %arg9[%swap3A_695, %swap3A_696], %broadcast_in_dim3A_104 {strides = array<i32>} : memref<8x128xf32, #tpu.memory_space<vmem>>, vector<16xf32>,
    %swap3A_698 = arith.constant 4 : i32
    %swap3A_699 = arith.index_cast %swap3A_698 : i32 to index
    %swap3A_700 = arith.constant 112 : index
    %swap3A_701 = tpu.vector_load %arg9[%swap3A_699, %swap3A_700] {strides = array<i32>} : memref<8x128xf32, #tpu.memory_space<vmem>>, vector<16xf32>,
    tpu.vector_store %arg9[%swap3A_699, %swap3A_700], %broadcast_in_dim3A_104 {strides = array<i32>} : memref<8x128xf32, #tpu.memory_space<vmem>>, vector<16xf32>,
    %swap3A_702 = arith.constant 5 : i32
    %swap3A_703 = arith.index_cast %swap3A_702 : i32 to index
    %swap3A_704 = arith.constant 112 : index
    %swap3A_705 = tpu.vector_load %arg9[%swap3A_703, %swap3A_704] {strides = array<i32>} : memref<8x128xf32, #tpu.memory_space<vmem>>, vector<16xf32>,
    tpu.vector_store %arg9[%swap3A_703, %swap3A_704], %broadcast_in_dim3A_104 {strides = array<i32>} : memref<8x128xf32, #tpu.memory_space<vmem>>, vector<16xf32>,
    %swap3A_706 = arith.constant 6 : i32
    %swap3A_707 = arith.index_cast %swap3A_706 : i32 to index
    %swap3A_708 = arith.constant 112 : index
    %swap3A_709 = tpu.vector_load %arg9[%swap3A_707, %swap3A_708] {strides = array<i32>} : memref<8x128xf32, #tpu.memory_space<vmem>>, vector<16xf32>,
    tpu.vector_store %arg9[%swap3A_707, %swap3A_708], %broadcast_in_dim3A_104 {strides = array<i32>} : memref<8x128xf32, #tpu.memory_space<vmem>>, vector<16xf32>,
    %swap3A_710 = arith.constant 7 : i32
    %swap3A_711 = arith.index_cast %swap3A_710 : i32 to index
    %swap3A_712 = arith.constant 112 : index
    %swap3A_713 = tpu.vector_load %arg9[%swap3A_711, %swap3A_712] {strides = array<i32>} : memref<8x128xf32, #tpu.memory_space<vmem>>, vector<16xf32>,
    tpu.vector_store %arg9[%swap3A_711, %swap3A_712], %broadcast_in_dim3A_104 {strides = array<i32>} : memref<8x128xf32, #tpu.memory_space<vmem>>, vector<16xf32>,
    %dma_start3A_714 = arith.constant 0 : i32
    %dma_start3A_715 = arith.constant 0 : i32
    %dma_start3A_716 = tpu.memref_slice %arg5[%add3A, %dma_start3A_714, %dma_start3A_715] : memref<32x8x128xf32, #tpu.memory_space<hbm>> -> memref<1x8x128xf32, #tpu.memory_space<hbm>>
    %dma_start3A_717 = tpu.memref_squeeze %dma_start3A_716 : memref<1x8x128xf32, #tpu.memory_space<hbm>> -> memref<8x128xf32, #tpu.memory_space<hbm>>
    %dma_start3A_718 = arith.constant 0 : i32
    %dma_start3A_719 = arith.constant 0 : i32
    %dma_start3A_720 = tpu.memref_slice %arg5[%add3A, %dma_start3A_718, %dma_start3A_719] : memref<32x8x128xf32, #tpu.memory_space<hbm>> -> memref<1x8x128xf32, #tpu.memory_space<hbm>>
    %dma_start3A_721 = tpu.memref_squeeze %dma_start3A_720 : memref<1x8x128xf32, #tpu.memory_space<hbm>> -> memref<8x128xf32, #tpu.memory_space<hbm>>
    tpu.enqueue_dma source(%arg9 : memref<8x128xf32, #tpu.memory_space<vmem>>) target(%dma_start3A_721 : memref<8x128xf32, #tpu.memory_space<hbm>>) target_semaphore(%arg13 : memref<!tpu.dma_semaphore, #tpu.memory_space<semaphore_mem>>)
    %dma_wait3A_722 = arith.constant 0 : i32
    %dma_wait3A_723 = arith.constant 0 : i32
    %dma_wait3A_724 = tpu.memref_slice %arg5[%add3A, %dma_wait3A_722, %dma_wait3A_723] : memref<32x8x128xf32, #tpu.memory_space<hbm>> -> memref<1x8x128xf32, #tpu.memory_space<hbm>>
    %dma_wait3A_725 = tpu.memref_squeeze %dma_wait3A_724 : memref<1x8x128xf32, #tpu.memory_space<hbm>> -> memref<8x128xf32, #tpu.memory_space<hbm>>
    %dma_wait3A_726 = arith.constant 0 : i32
    %dma_wait3A_727 = arith.constant 0 : i32
    %dma_wait3A_728 = tpu.memref_slice %arg5[%add3A, %dma_wait3A_726, %dma_wait3A_727] : memref<32x8x128xf32, #tpu.memory_space<hbm>> -> memref<1x8x128xf32, #tpu.memory_space<hbm>>
    %dma_wait3A_729 = tpu.memref_squeeze %dma_wait3A_728 : memref<1x8x128xf32, #tpu.memory_space<hbm>> -> memref<8x128xf32, #tpu.memory_space<hbm>>
    tpu.wait_dma2 semaphore(%arg13 : memref<!tpu.dma_semaphore, #tpu.memory_space<semaphore_mem>>) src(%arg9 : memref<8x128xf32, #tpu.memory_space<vmem>>) dst(%dma_wait3A_729 : memref<8x128xf32, #tpu.memory_space<hbm>>)
    return
  }
}

module attributes {stable_mosaic.version = 14 : i64} {
  func.func @_k2a(%arg0: i32, %arg1: memref<5000x128xbf16, #tpu.memory_space<vmem>>, %arg2: memref<8x128xf32, #tpu.memory_space<vmem>>, %arg3: memref<32x8x128xf32, #tpu.memory_space<vmem>>, %arg4: memref<5000x128xf32, #tpu.memory_space<vmem>>) attributes {dimension_semantics = [#tpu.dimension_semantics<arbitrary>], iteration_bounds = array<i64: 17>, scalar_prefetch = 0 : i64, scratch_operands = 0 : i64, tpu.core_type = #tpu.core_type<tc>, window_params = [{transform_indices = @transform_0, window_bounds = array<i64: 5000, 128>}, {pipeline_mode = #tpu.pipeline_mode<synchronous>, transform_indices = @transform_1, window_bounds = array<i64: 8, 128>}, {pipeline_mode = #tpu.pipeline_mode<synchronous>, transform_indices = @transform_2, window_bounds = array<i64: 32, 8, 128>}, {transform_indices = @transform_3, window_bounds = array<i64: 5000, 128>}]} {
    %get3A = arith.constant 0 : index
    %get3A_0 = arith.constant 0 : index
    %get3A_1 = vector.load %arg1[%get3A, %get3A_0] : memref<5000x128xbf16, #tpu.memory_space<vmem>>, vector<5000x128xbf16>
    %convert_element_type3A = arith.extf %get3A_1 : vector<5000x128xbf16> to vector<5000x128xf32>
    %get3A_2 = arith.constant 0 : index
    %get3A_3 = arith.constant 0 : index
    %get3A_4 = vector.load %arg2[%get3A_2, %get3A_3] : memref<8x128xf32, #tpu.memory_space<vmem>>, vector<1x128xf32>
    %get3A_5 = arith.constant 0 : index
    %get3A_6 = arith.constant 0 : index
    %get3A_7 = arith.constant 0 : index
    %get3A_8 = vector.load %arg3[%get3A_5, %get3A_6, %get3A_7] : memref<32x8x128xf32, #tpu.memory_space<vmem>>, vector<32x1x128xf32>
    %get3A_9 = vector.shape_cast %get3A_8 : vector<32x1x128xf32> to vector<32x128xf32>
    %reduce_sum3A = arith.constant dense<0.000000e+00> : vector<128xf32>
    %reduce_sum3A_10 = vector.multi_reduction <add>, %get3A_9, %reduce_sum3A [0] : vector<32x128xf32> to vector<128xf32>
    %broadcast_in_dim3A = vector.shape_cast %reduce_sum3A_10 : vector<128xf32> to vector<1x128xf32>
    %add3A = arith.addf %get3A_4, %broadcast_in_dim3A : vector<1x128xf32>
    %div3A = arith.constant 1.000000e+00 : f32
    %div3A_11 = vector.broadcast %div3A : f32 to vector<1x128xf32>
    %div3A_12 = arith.divf %div3A_11, %add3A : vector<1x128xf32>
    %mul3A = vector.broadcast %div3A_12 : vector<1x128xf32> to vector<5000x128xf32>
    %mul3A_13 = arith.mulf %convert_element_type3A, %mul3A : vector<5000x128xf32>
    %swap3A = arith.constant 0 : index
    %swap3A_14 = arith.constant 0 : index
    %swap3A_15 = vector.load %arg4[%swap3A, %swap3A_14] : memref<5000x128xf32, #tpu.memory_space<vmem>>, vector<5000x128xf32>
    tpu.vector_store %arg4[%swap3A, %swap3A_14], %mul3A_13 {strides = array<i32>} : memref<5000x128xf32, #tpu.memory_space<vmem>>, vector<5000x128xf32>,
    return
  }
  func.func @transform_0(%arg0: i32) -> (i32, i32) {
    %c0_i32 = arith.constant 0 : i32
    %c0_i32_0 = arith.constant 0 : i32
    return %arg0, %c0_i32 : i32, i32
  }
  func.func @transform_1(%arg0: i32) -> (i32, i32) {
    %c0_i32 = arith.constant 0 : i32
    %c0_i32_0 = arith.constant 0 : i32
    %c0_i32_1 = arith.constant 0 : i32
    return %c0_i32, %c0_i32_0 : i32, i32
  }
  func.func @transform_2(%arg0: i32) -> (i32, i32, i32) {
    %c0_i32 = arith.constant 0 : i32
    %c0_i32_0 = arith.constant 0 : i32
    %c0_i32_1 = arith.constant 0 : i32
    %c0_i32_2 = arith.constant 0 : i32
    return %c0_i32, %c0_i32_0, %c0_i32_1 : i32, i32, i32
  }
  func.func @transform_3(%arg0: i32) -> (i32, i32) {
    %c0_i32 = arith.constant 0 : i32
    %c0_i32_0 = arith.constant 0 : i32
    return %arg0, %c0_i32 : i32, i32
  }
}

module attributes {stable_mosaic.version = 14 : i64} {
  func.func @_k2b(%arg0: i32, %arg1: memref<100000x128xf32, #tpu.memory_space<hbm>>, %arg2: memref<5000x128xf32, #tpu.memory_space<vmem>>, %arg3: memref<8x128xf32, #tpu.memory_space<vmem>>, %arg4: memref<32x8x128xf32, #tpu.memory_space<vmem>>, %arg5: memref<5000x128xf32, #tpu.memory_space<vmem>>) attributes {dimension_semantics = [#tpu.dimension_semantics<arbitrary>], iteration_bounds = array<i64: 3>, scalar_prefetch = 0 : i64, scratch_operands = 0 : i64, tpu.core_type = #tpu.core_type<tc>, window_params = [{}, {transform_indices = @transform_1, window_bounds = array<i64: 5000, 128>}, {pipeline_mode = #tpu.pipeline_mode<synchronous>, transform_indices = @transform_2, window_bounds = array<i64: 8, 128>}, {pipeline_mode = #tpu.pipeline_mode<synchronous>, transform_indices = @transform_3, window_bounds = array<i64: 32, 8, 128>}, {transform_indices = @transform_4, window_bounds = array<i64: 5000, 128>}]} {
    %get3A = arith.constant 0 : index
    %get3A_0 = arith.constant 0 : index
    %get3A_1 = vector.load %arg2[%get3A, %get3A_0] : memref<5000x128xf32, #tpu.memory_space<vmem>>, vector<5000x128xf32>
    %get3A_2 = arith.constant 0 : index
    %get3A_3 = arith.constant 0 : index
    %get3A_4 = vector.load %arg3[%get3A_2, %get3A_3] : memref<8x128xf32, #tpu.memory_space<vmem>>, vector<1x128xf32>
    %get3A_5 = arith.constant 0 : index
    %get3A_6 = arith.constant 0 : index
    %get3A_7 = arith.constant 0 : index
    %get3A_8 = vector.load %arg4[%get3A_5, %get3A_6, %get3A_7] : memref<32x8x128xf32, #tpu.memory_space<vmem>>, vector<32x1x128xf32>
    %get3A_9 = vector.shape_cast %get3A_8 : vector<32x1x128xf32> to vector<32x128xf32>
    %reduce_sum3A = arith.constant dense<0.000000e+00> : vector<128xf32>
    %reduce_sum3A_10 = vector.multi_reduction <add>, %get3A_9, %reduce_sum3A [0] : vector<32x128xf32> to vector<128xf32>
    %broadcast_in_dim3A = vector.shape_cast %reduce_sum3A_10 : vector<128xf32> to vector<1x128xf32>
    %add3A = arith.addf %get3A_4, %broadcast_in_dim3A : vector<1x128xf32>
    %div3A = arith.constant 1.000000e+00 : f32
    %div3A_11 = vector.broadcast %div3A : f32 to vector<1x128xf32>
    %div3A_12 = arith.divf %div3A_11, %add3A : vector<1x128xf32>
    %mul3A = vector.broadcast %div3A_12 : vector<1x128xf32> to vector<5000x128xf32>
    %mul3A_13 = arith.mulf %get3A_1, %mul3A : vector<5000x128xf32>
    %swap3A = arith.constant 0 : index
    %swap3A_14 = arith.constant 0 : index
    %swap3A_15 = vector.load %arg5[%swap3A, %swap3A_14] : memref<5000x128xf32, #tpu.memory_space<vmem>>, vector<5000x128xf32>
    tpu.vector_store %arg5[%swap3A, %swap3A_14], %mul3A_13 {strides = array<i32>} : memref<5000x128xf32, #tpu.memory_space<vmem>>, vector<5000x128xf32>,
    return
  }
  func.func @transform_1(%arg0: i32) -> (i32, i32) {
    %add3A = arith.constant 17 : i32
    %add3A_0 = arith.addi %add3A, %arg0 : i32
    %c0_i32 = arith.constant 0 : i32
    %c0_i32_1 = arith.constant 0 : i32
    return %add3A_0, %c0_i32 : i32, i32
  }
  func.func @transform_2(%arg0: i32) -> (i32, i32) {
    %c0_i32 = arith.constant 0 : i32
    %c0_i32_0 = arith.constant 0 : i32
    %c0_i32_1 = arith.constant 0 : i32
    return %c0_i32, %c0_i32_0 : i32, i32
  }
  func.func @transform_3(%arg0: i32) -> (i32, i32, i32) {
    %c0_i32 = arith.constant 0 : i32
    %c0_i32_0 = arith.constant 0 : i32
    %c0_i32_1 = arith.constant 0 : i32
    %c0_i32_2 = arith.constant 0 : i32
    return %c0_i32, %c0_i32_0, %c0_i32_1 : i32, i32, i32
  }
  func.func @transform_4(%arg0: i32) -> (i32, i32) {
    %add3A = arith.constant 17 : i32
    %add3A_0 = arith.addi %add3A, %arg0 : i32
    %c0_i32 = arith.constant 0 : i32
    %c0_i32_1 = arith.constant 0 : i32
    return %add3A_0, %c0_i32 : i32, i32
  }
}

module attributes {stable_mosaic.version = 14 : i64} {
  func.func @_k1_tc(%arg0: i32, %arg1: memref<5000x128xf32, #tpu.memory_space<vmem>>, %arg2: memref<5000x128xf32, #tpu.memory_space<vmem>>, %arg3: memref<5000x128xbf16, #tpu.memory_space<vmem>>, %arg4: memref<8x128xf32, #tpu.memory_space<vmem>>, %arg5: memref<8x128xf32, #tpu.memory_space<vmem>>) attributes {dimension_semantics = [#tpu.dimension_semantics<arbitrary>], iteration_bounds = array<i64: 17>, scalar_prefetch = 0 : i64, scratch_operands = 1 : i64, tpu.core_type = #tpu.core_type<tc>, window_params = [{transform_indices = @transform_0, window_bounds = array<i64: 5000, 128>}, {transform_indices = @transform_1, window_bounds = array<i64: 5000, 128>}, {transform_indices = @transform_2, window_bounds = array<i64: 5000, 128>}, {pipeline_mode = #tpu.pipeline_mode<synchronous>, transform_indices = @transform_3, window_bounds = array<i64: 8, 128>}]} {
    %eq3A = arith.constant 0 : i32
    %eq3A_0 = arith.cmpi eq, %arg0, %eq3A : i32
    %convert_element_type3A = arith.extui %eq3A_0 : i1 to i32
    %cond3A = arith.constant 0 : i32
    %cond3A_1 = arith.cmpi ne, %convert_element_type3A, %cond3A : i32
    scf.if %cond3A_1 {
      %broadcast_in_dim3A_23 = arith.constant 0.000000e+00 : f32
      %broadcast_in_dim3A_24 = vector.broadcast %broadcast_in_dim3A_23 : f32 to vector<8x128xf32>
      %swap3A_25 = arith.constant 0 : index
      %swap3A_26 = arith.constant 0 : index
      %swap3A_27 = vector.load %arg5[%swap3A_25, %swap3A_26] : memref<8x128xf32, #tpu.memory_space<vmem>>, vector<8x128xf32>
      tpu.vector_store %arg5[%swap3A_25, %swap3A_26], %broadcast_in_dim3A_24 {strides = array<i32>} : memref<8x128xf32, #tpu.memory_space<vmem>>, vector<8x128xf32>,
    } else {
    }
    %get3A = arith.constant 0 : index
    %get3A_2 = arith.constant 0 : index
    %get3A_3 = vector.load %arg1[%get3A, %get3A_2] : memref<5000x128xf32, #tpu.memory_space<vmem>>, vector<5000x128xf32>
    %exp3A = math.exp %get3A_3 : vector<5000x128xf32>
    %get3A_4 = arith.constant 0 : index
    %get3A_5 = arith.constant 0 : index
    %get3A_6 = vector.load %arg2[%get3A_4, %get3A_5] : memref<5000x128xf32, #tpu.memory_space<vmem>>, vector<5000x128xf32>
    %mul3A = arith.mulf %exp3A, %get3A_6 : vector<5000x128xf32>
    %convert_element_type3A_7 = arith.truncf %mul3A : vector<5000x128xf32> to vector<5000x128xbf16>
    %swap3A = arith.constant 0 : index
    %swap3A_8 = arith.constant 0 : index
    %swap3A_9 = vector.load %arg3[%swap3A, %swap3A_8] : memref<5000x128xbf16, #tpu.memory_space<vmem>>, vector<5000x128xbf16>
    tpu.vector_store %arg3[%swap3A, %swap3A_8], %convert_element_type3A_7 {strides = array<i32>} : memref<5000x128xbf16, #tpu.memory_space<vmem>>, vector<5000x128xbf16>,
    %get3A_10 = arith.constant 0 : index
    %get3A_11 = arith.constant 0 : index
    %get3A_12 = vector.load %arg5[%get3A_10, %get3A_11] : memref<8x128xf32, #tpu.memory_space<vmem>>, vector<1x128xf32>
    %reduce_sum3A = arith.constant dense<0.000000e+00> : vector<128xf32>
    %reduce_sum3A_13 = vector.multi_reduction <add>, %mul3A, %reduce_sum3A [0] : vector<5000x128xf32> to vector<128xf32>
    %broadcast_in_dim3A = vector.shape_cast %reduce_sum3A_13 : vector<128xf32> to vector<1x128xf32>
    %add3A = arith.addf %get3A_12, %broadcast_in_dim3A : vector<1x128xf32>
    %swap3A_14 = arith.constant 0 : index
    %swap3A_15 = arith.constant 0 : index
    %swap3A_16 = vector.load %arg5[%swap3A_14, %swap3A_15] : memref<8x128xf32, #tpu.memory_space<vmem>>, vector<1x128xf32>
    tpu.vector_store %arg5[%swap3A_14, %swap3A_15], %add3A {strides = array<i32>} : memref<8x128xf32, #tpu.memory_space<vmem>>, vector<1x128xf32>,
    %get3A_17 = arith.constant 0 : index
    %get3A_18 = arith.constant 0 : index
    %get3A_19 = vector.load %arg5[%get3A_17, %get3A_18] : memref<8x128xf32, #tpu.memory_space<vmem>>, vector<8x128xf32>
    %swap3A_20 = arith.constant 0 : index
    %swap3A_21 = arith.constant 0 : index
    %swap3A_22 = vector.load %arg4[%swap3A_20, %swap3A_21] : memref<8x128xf32, #tpu.memory_space<vmem>>, vector<8x128xf32>
    tpu.vector_store %arg4[%swap3A_20, %swap3A_21], %get3A_19 {strides = array<i32>} : memref<8x128xf32, #tpu.memory_space<vmem>>, vector<8x128xf32>,
    return
  }
  func.func @transform_0(%arg0: i32) -> (i32, i32) {
    %c0_i32 = arith.constant 0 : i32
    %c0_i32_0 = arith.constant 0 : i32
    return %arg0, %c0_i32 : i32, i32
  }
  func.func @transform_1(%arg0: i32) -> (i32, i32) {
    %c0_i32 = arith.constant 0 : i32
    %c0_i32_0 = arith.constant 0 : i32
    return %arg0, %c0_i32 : i32, i32
  }
  func.func @transform_2(%arg0: i32) -> (i32, i32) {
    %c0_i32 = arith.constant 0 : i32
    %c0_i32_0 = arith.constant 0 : i32
    return %arg0, %c0_i32 : i32, i32
  }
  func.func @transform_3(%arg0: i32) -> (i32, i32) {
    %c0_i32 = arith.constant 0 : i32
    %c0_i32_0 = arith.constant 0 : i32
    %c0_i32_1 = arith.constant 0 : i32
    return %c0_i32, %c0_i32_0 : i32, i32
  }
}

</mosaic_0001>

<sc_bundles>
// kernel: kernel.6.cloned.1.call-start
scs
__scs_entry_jumppad:
0x0: {  	(pc) =	sbr.rel $0x88, $3  }
0x1: {  	(tag) =	ssettag $0x0;
	lr =	simm.s32 $0x1  }
0x2: {  	[smem:$0x3F9F] =	sst lr;
	_ =	strace $0xD0000000  }
0x3: {  	_ = 	snop  }
0x4: {  	_ = 	snop  }
0x5: {  	_ = 	snop  }
0x6: {  	_ = 	snop  }
0x7: {  	_ = 	snop  }
__scs_overlays_trampoline_lowered:
0x8: {  	[smem:$0x3FAE] =	sst s0  }
0x9: {  	[smem:$0x3FAF] =	sst s1  }
0xa: {  	[smem:$0x3FB0] =	sst s2  }
0xb: {  	[smem:$0x3FB1] =	sst s3  }
0xc: {  	[smem:$0x3FB2] =	sst s4  }
0xd: {  	[smem:$0x3FB3] =	sst s5  }
0xe: {  	[smem:$0x3FB4] =	sst s6  }
0xf: {  	[smem:$0x3FB5] =	sst s7  }
0x10: {  	[smem:$0x3FB6] =	sst s8  }
0x11: {  	[smem:$0x3FB7] =	sst s9;
	s0 =	simm.s32 @!p0 $0x0  }
0x12: {  	s1 =	sld [smem:$0x3F9D];
	s0 =	simm.s32 @p0 $0x1  }
0x13: {  	[smem:$0x3FB8] =	sst s0;
	s0 =	simm.s32 @!p1 $0x0  }
0x14: {  	s2 =	sld [smem:$0x3F9C];
	s0 =	simm.s32 @p1 $0x1  }
0x15: {  	[smem:$0x3FB9] =	sst s0;
	s0 =	simm.s32 @!p2 $0x0  }
0x16: {  	s3 =	sld [smem:$0x3FDB];
	s0 =	simm.s32 @p2 $0x1  }
0x17: {  	s4 =	simm.s32 $0x1BF5;
	[smem:$0x3FBB] =	sst s0  }
0x18: {  	s0 =	sld [smem:$0x3F9E];
	_ =	swait.ge [sflag:s4], $0x0  }
0x19: {  	s7 =	sld [smem:$0x3F9F]  }
0x1a: {  	s8 =	sadd.s32 $0xFFFFE003, lr  }
0x1b: {  	s9 =	sadd.s32 $0xFFFFFEF7, lr;
	s5 =	simm.s32 $0xFFFFFFFF;
	p2 =	slt.u32 s8, $0xFFFFF086  }
0x1c: {  	p1 =	slt.u32 s9, $0xF7A;
	s5 =	simm.s32 @!p2 $0x0  }
0x1d: {  	s5 =	simm.s32 @p1 $0x1;
	p0 =	seq.s32 s7, s2  }
0x1e: {  	s7 =	smul.u32 @!p0 $0xF7A, s2;
	p2 =	seq.s32 @!p0 s5, $0x0  }
0x1f: {  	s9 =	smul.u32 $0xF7A, s1;
	s8 =	simm.s32 @!p0 $0x1BF5;
	p2 =	por !p2, p0  }
0x20: {  	[sflag:s8] =	ssyncset.s32 @!p0 $0xFFFFF086;
	s6 =	sadd.s32 @!p0 s3, s7;
	s7 =	simm.s32 @!p0 $0x108  }
0x21: {  	s3 =	sadd.s32 s3, s9;
	s6 =	sadd.s32 @!p0 $0x88, s6;
	s7 =	simm.s32 @p2 $0x1082  }
0x22: {  	[simem:s7], [sflag:s8] =	dma.local @!p0 [hbm:s6], $0xF7A  }
0x23: {  	s9 =	sor.u32 $0xD0000000, s2;
	s6 =	simm.s32 $0x108;
	_ =	swait.ge @!p0 [sflag:s8], $0x0  }
0x24: {  	s3 =	sadd.s32 $0x88, s3;
	s6 =	simm.s32 @!p1 $0x1082;
	[sflag:s4] =	ssyncset.s32 $0xFFFFF086  }
0x25: {  	[simem:s6], [sflag:s4] =	dma.local [hbm:s3], $0xF7A  }
0x26: {  	[smem:$0x3F9F] =	sst s1;
	(tag) =	ssettag s2;
	_ =	strace s9  }
0x27: {  	s1 =	sld [smem:$0x3FAF]  }
0x28: {  	s2 =	sld [smem:$0x3FB0]  }
0x29: {  	s4 =	sld [smem:$0x3FB2]  }
0x2a: {  	p0 =	seq.s32 s5, $0x0;
	s5 =	sld [smem:$0x3FB3]  }
0x2b: {  	s6 =	sld [smem:$0x3FB4]  }
0x2c: {  	s7 =	sld [smem:$0x3FB5]  }
0x2d: {  	s3 =	simm.s32 $0x108;
	s8 =	sld [smem:$0x3FB6]  }
0x2e: {  	s3 =	simm.s32 @!p0 $0x1082;
	s9 =	sld [smem:$0x3FB7]  }
0x2f: {  	lr =	sadd.s32 s0, s3;
	s0 =	sld [smem:$0x3FAE]  }
0x30: {  	s3 =	sld [smem:$0x3FB1]  }
0x31: {  	[smem:$0x3FBA] =	sst s10  }
0x32: {  	s10 =	sld [smem:$0x3FB8];
	_ =	sdelay $0x3  }
0x33: {  	p0 =	seq.s32 s10, $0x1;
	s10 =	sld [smem:$0x3FBA];
	_ =	sdelay $0x3  }
0x34: {  	[smem:$0x3FBA] =	sst s10  }
0x35: {  	s10 =	sld [smem:$0x3FB9];
	_ =	sdelay $0x3  }
0x36: {  	p1 =	seq.s32 s10, $0x1;
	s10 =	sld [smem:$0x3FBA];
	_ =	sdelay $0x3  }
0x37: {  	[smem:$0x3FBA] =	sst s10  }
0x38: {  	s10 =	sld [smem:$0x3FBB]  }
0x39: {  	_ = 	snop;
	(pc) =	sbr.ind lr, $3  }
0x3a: {  	_ = 	snop  }
0x3b: {  	_ = 	snop  }
0x3c: {  	p2 =	seq.s32 s10, $0x1;
	s10 =	sld [smem:$0x3FBA]  }
0x3d: {  	_ =	shalt  }
0x3e: {  	_ =	shalt  }
0x3f: {  	_ =	shalt  }
0x40: {  	_ =	shalt  }
0x41: {  	_ =	shalt  }
0x42: {  	_ =	shalt  }
0x43: {  	_ =	shalt  }
0x44: {  	_ =	shalt  }
0x45: {  	_ =	shalt  }
0x46: {  	_ =	shalt  }
0x47: {  	_ =	shalt  }
0x48: {  	_ =	shalt  }
0x49: {  	_ =	shalt  }
0x4a: {  	_ =	shalt  }
0x4b: {  	_ =	shalt  }
0x4c: {  	_ =	shalt  }
0x4d: {  	_ =	shalt  }
0x4e: {  	_ =	shalt  }
0x4f: {  	_ =	shalt  }
0x50: {  	_ =	shalt  }
0x51: {  	_ =	shalt  }
0x52: {  	_ =	shalt  }
0x53: {  	_ =	shalt  }
0x54: {  	_ =	shalt  }
0x55: {  	_ =	shalt  }
0x56: {  	_ =	shalt  }
0x57: {  	_ =	shalt  }
0x58: {  	_ =	shalt  }
0x59: {  	_ =	shalt  }
0x5a: {  	_ =	shalt  }
0x5b: {  	_ =	shalt  }
0x5c: {  	_ =	shalt  }
0x5d: {  	_ =	shalt  }
0x5e: {  	_ =	shalt  }
0x5f: {  	_ =	shalt  }
0x60: {  	_ =	shalt  }
0x61: {  	_ =	shalt  }
0x62: {  	_ =	shalt  }
0x63: {  	_ =	shalt  }
0x64: {  	_ =	shalt  }
0x65: {  	_ =	shalt  }
0x66: {  	_ =	shalt  }
0x67: {  	_ =	shalt  }
0x68: {  	_ =	shalt  }
0x69: {  	_ =	shalt  }
0x6a: {  	_ =	shalt  }
0x6b: {  	_ =	shalt  }
0x6c: {  	_ =	shalt  }
0x6d: {  	_ =	shalt  }
0x6e: {  	_ =	shalt  }
0x6f: {  	_ =	shalt  }
0x70: {  	_ =	shalt  }
0x71: {  	_ =	shalt  }
0x72: {  	_ =	shalt  }
0x73: {  	_ =	shalt  }
0x74: {  	_ =	shalt  }
0x75: {  	_ =	shalt  }
0x76: {  	_ =	shalt  }
0x77: {  	_ =	shalt  }
0x78: {  	_ =	shalt  }
0x79: {  	_ =	shalt  }
0x7a: {  	_ =	shalt  }
0x7b: {  	_ =	shalt  }
0x7c: {  	_ =	shalt  }
0x7d: {  	_ =	shalt  }
0x7e: {  	_ =	shalt  }
0x7f: {  	_ =	shalt  }
0x80: {  	_ =	shalt  }
0x81: {  	_ =	shalt  }
0x82: {  	_ =	shalt  }
0x83: {  	_ =	shalt  }
0x84: {  	_ =	shalt  }
0x85: {  	_ =	shalt  }
0x86: {  	_ =	shalt  }
0x87: {  	_ =	shalt  }
.Lfunc_end0:
.L_simem_size_0:
called_computation_lowered:
.L_overlay_start_0:
0x88: {  	s2 =	sld [smem:$0x3FD9]  }
0x89: {  	s3 =	sld [smem:$0x3FFE];
	_ =	sdelay $0x1  }
0x8a: {  	s1 =	srdreg.scid  }
0x8b: {  	s0 =	sand.u32 $0x1, s1  }
0x8c: {  	s17 =	sshll.u32 s0, $0xA;
	s2 =	sadd.s32 s3, s2  }
0x8d: {  	s2 =	sadd.s32 s2, s17  }
0x8e: {  	[smem:$0x3FC6] =	sst s2  }
0x8f: {  	_ = 	snop  }
0x90: {  	s2 =	sld [smem:$0x3FC9]  }
0x91: {  	s18 =	sld [smem:$0x3FC8];
	(tm) =	ssettm $0x1  }
0x92: {  	s4 =	sld [smem:$0x3FFB];
	_ =	sdelay $0x3  }
0x93: {  	_ =	strace s4  }
0x94: {  	s4 =	sld [smem:$0x3FFC];
	_ =	sdelay $0x3  }
0x95: {  	_ =	strace s4  }
0x96: {  	s4 =	sld [smem:$0x3FFD];
	_ =	sdelay $0x3  }
0x97: {  	_ =	strace s4  }
0x98: {  	_ =	strace $0x8FFFFFFF  }
0x99: {  	s19 =	sld [smem:$0x3FDB];
	_ =	sdelay $0x1  }
0x9a: {  	s5 =	simm.s32 $_scs_section_size  }
0x9b: {  	s6 =	simm.s32 $_size__tile_overlayer_lowered;
	s7 =	simm.s32 $_tile_overlayer_lowered  }
0x9c: {  	s22 =	simm.s32 $0x1BFF;
	s21 =	sshll.u32 s7, $0x1;
	s4 =	sadd.s32 s5, s19  }
0x9d: {  	s8 =	simm.s32 $0x0;
	s20 =	sshll.u32 s6, $0x1;
	s6 =	sadd.s32 s21, s4  }
0x9e: {  	[timem:s8], [sflag:s22] =	dma.local [hbm:s6], s20  }
0x9f: {  	_ =	swait.ge [sflag:s22], s20  }
0xa0: {  	s5 =	ssub.s32 $0x0, s20;
	[sflag:s22] =	ssyncset.done $0x0  }
0xa1: {  	[sflag:s22] =	ssyncadd.s32 s5;
	_ =	sdelay $0x1  }
0xa2: {  	s23 =	simm.s32 $0x1B8B  }
0xa3: {  	_ =	swait.ge [sflag:s23], $0x1  }
0xa4: {  	[sflag:s23] =	ssyncset.done $0x0  }
0xa5: {  	s25 =	simm.s32 $0x1B8E;
	s24 =	sld [smem:$0x3FFE];
	[sflag:s23] =	ssyncadd.s32 $0xFFFFFFFF  }
0xa6: {  	s26 =	simm.s32 $execute0_lowered;
	[smem:$0x3FD2] =	sst s25  }
0xa7: {  	s6 =	sshll.u32 s26, $0x1;
	_ =	strace $0x80000046;
	[dreg:$0x1] =	wrdreg $0xFFFFFFFF  }
0xa8: {  	s28 =	simm.s32 $_size_execute0_lowered;
	s4 =	sadd.s32 s4, s6;
	[dreg:$0x0] =	wrdreg $0x0  }
0xa9: {  	s6 =	sshll.u32 s28, $0x1;
	[dreg:$0x2] =	wrdreg s4  }
0xaa: {  	[dreg:$0x3] =	wrdreg s6  }
0xab: {  	[dreg:$0x4] =	wrdreg $0xC0  }
0xac: {  	_ =	task [dreg:s8], $0x5FFFF  }
0xad: {  	[dreg:$0x1] =	wrdreg $0xFFFFFFFF  }
0xae: {  	[dreg:$0x0] =	wrdreg $0x60  }
0xaf: {  	[dreg:$0x2] =	wrdreg s2  }
0xb0: {  	[dreg:$0x3] =	wrdreg s18  }
0xb1: {  	[dreg:$0x4] =	wrdreg s24  }
0xb2: {  	[dreg:$0x5] =	wrdreg $0x9  }
0xb3: {  	_ =	task.clear_ibuf [dreg:s8], $0x6FFFF;
	_ =	strace $0x90000046  }
0xb4: {  	s29 =	simm.s32 $0x9;
	_ =	strace $0x80000048  }
0xb5: {  	_ =	swait.ge [sflag:s29], $0x1  }
0xb6: {  	[sflag:s29] =	ssyncadd.s32 $0xFFFFFFFF  }
0xb7: {  	_ =	strace $0x90000048  }
0xb8: {  	_ =	sfence  }
0xb9: {  	s30 =	sld [smem:$0x0];
	_ =	sdelay $0x2  }
0xba: {  	s31 =	sshll.u32 s1, $0xD;
	s1 =	sshrl.u32 s1, $0x2  }
0xbb: {  	s3 =	sand.u32 $0x4000, s31;
	s1 =	sadd.s32 s1, s30  }
0xbc: {  	s0 =	sor.u32 s3, s0;
	s1 =	sshll.u32 s1, $0x11  }
0xbd: {  	s0 =	sor.u32 s1, s0  }
0xbe: {  	s0 =	sadd.s32 $0x8F2B, s0  }
0xbf: {  	[sflag:s0] =	ssyncadd.remote.s32 $0x1  }
0xc0: {  	_ =	sfence.sel $0xFFFF  }
0xc1: {  	[dreg:$0x0] =	wrdreg $0xFFFFFFFF;
	(pc) =	sbr.abs _section_cstart, $3  }
0xc2: {  	[dreg:$0x1] =	wrdreg $0xFFFFFFFF  }
0xc3: {  	_ =	task.clear_ibuf [dreg:s8], $0x2FFFF;
	_ =	strace $0x9FFFFFFF  }
0xc4: {  	(tm) =	ssettm $0x7FFFFFFF  }
0xc5: {  	_ =	shalt  }
tec
execute0_lowered:
.L_overlay_start_1:
0x0: {  	(tag) =	ssettag $0x1  }
0x1: {  	s0 =	rddreg [dreg:$0x0]  }
0x2: {  	s1 =	rddreg [dreg:$0x1]  }
0x3: {  	s3 =	rddreg [dreg:$0x2]  }
0x4: {  	s2 =	srdreg.scid;
	s6 =	stileid.u32;
	s11 =	simm.s32 $0x8  }
0x5: {  	s18 =	simm.s32 $0x1;
	s19 =	simm.s32 $0x3;
	s28 =	simm.s32 $0x7  }
0x6: {  	s29 =	simm.s32 $0x0;
	s4 =	sand.u32 $0x1, s2;
	s2 =	simm.s32 $0x0  }
0x7: {  	s7 =	sadd.s32 $0x2000, s3;
	s5 =	sshll.u32 s4, $0x4;
	[smem:$0x7FF] =	sst s2  }
0x8: {  	s4 =	ssub.s32 $0x2, s4;
	s5 =	sor.u32 s6, s5;
	_ =	strace $0x80000047  }
0x9: {  	s21 =	sshrl.u32 s4, $0x1;
	s6 =	smul.u32 $0x3A, s5;
	s8 =	sshll.u32 s5, $0x7  }
0xa: {  	s9 =	smin.u32 s5, $0x13;
	p0 =	slt.u32 s5, $0x13;
	s4 =	ssub.s32 s4, s21  }
0xb: {  	s21 =	simm.s32 $0x2;
	s3 =	sadd.s32 s8, s3;
	s6 =	sadd.s32 s9, s6  }
0xc: {  	s11 =	simm.s32 @!p0 $0x10;
	s20 =	sadd.s32 $0x2981, s6;
	s6 =	simm.s32 $0x27  }
0xd: {  	s14 =	smax.u32 s4, $0x1;
	s6 =	simm.s32 @!p0 $0x26;
	s22 =	sshll.u32 s20, $0x7  }
0xe: {  	s13 =	sadd.s32 $0x1000, s3;
	s23 =	sand.u32 $0x1FFFFF80, s22;
	s5 =	sadd.s32 s6, s20  }
0xf: {  	s25 =	sadd.s32 $0xA00, s22;
	s22 =	simm.s32 $0x4;
	s24 =	sadd.s32 s0, s23  }
0x10: {  	s5 =	sshll.u32 s5, $0x7;
	s26 =	sadd.s32 s1, s23;
	[dreg:$0x4] =	wrdreg s24  }
0x11: {  	s30 =	sadd.s32 s0, s25;
	s31 =	sadd.s32 s1, s25;
	[dreg:$0x5] =	wrdreg s26  }
0x12: {  	s8 =	sadd.s32 s7, s23;
	s10 =	sadd.s32 s7, s25;
	[dreg:$0x6] =	wrdreg s30  }
0x13: {  	s25 =	simm.s32 $0x6;
	s5 =	sand.u32 $0x1FFFFF80, s5;
	[dreg:$0x7] =	wrdreg s31  }
0x14: {  	[dreg:$0x8] =	wrdreg s8;
	s24 =	simm.s32 $0x5;
	s0 =	sadd.s32 s0, s5  }
0x15: {  	v40 =	vimm.f32 $0.0e+00;
	s9 =	sadd.s32 s1, s5;
	s12 =	sadd.s32 s7, s5;
	[dreg:$0x9] =	wrdreg s0  }
.LBB2_1:
0x16: {  	s0 =	rddreg [dreg:$0x4]  }
0x17: {  	[tilespmem:s2], [sflag:$0x1] =	stream.linear.gather [hbm4b:s0+s2], $0x5000, $0x38;
	[tilespmem:$0x1E400] =	vst v63  }
0x18: {  	s16 =	rddreg [dreg:$0x5];
	s1 =	simm.s32 $0xA000  }
0x19: {  	[tilespmem:s1], [sflag:$0x3] =	stream.linear.gather [hbm4b:s16+s2], $0x5000, $0x38;
	[tilespmem:$0x1E400] =	vst v63  }
0x1a: {  	s17 =	rddreg [dreg:$0x6];
	s20 =	simm.s32 $0x5000  }
0x1b: {  	[tilespmem:s20], [sflag:$0x2] =	stream.linear.gather [hbm4b:s17+s2], $0x5000, $0x38;
	[tilespmem:$0x1E400] =	vst v63  }
0x1c: {  	s23 =	rddreg [dreg:$0x7];
	s26 =	simm.s32 $0xF000  }
0x1d: {  	[tilespmem:s26], [sflag:$0x4] =	stream.linear.gather [hbm4b:s23+s2], $0x5000, $0x38;
	[tilespmem:$0x1E400] =	vst v63  }
0x1e: {  	_ =	swait.ge [sflag:s18], $0x5000  }
0x1f: {  	[sflag:s18] =	ssyncset.done $0x0  }
0x20: {  	[sflag:s18] =	ssyncadd.s32 $0xFFFFB000  }
0x21: {  	_ =	swait.ge [sflag:s19], $0x5000  }
0x22: {  	[sflag:s19] =	ssyncset.done $0x0  }
0x23: {  	s5 =	simm.s32 $0x80;
	[sflag:s19] =	ssyncadd.s32 $0xFFFFB000  }
0x24: {  	v1 =	vld [tilespmem:s5+$0xFFFFFF80];
	_ =	sdelay $0x2  }
0x25: {  	v2 =	vld [tilespmem:s5+$0x0];
	_ =	sdelay $0x1  }
0x26: {  	v1 =	vmul.f32 $1.442695020e+00, v1;
	_ =	sdelay $0x1  }
0x27: {  	(erf) = vpow2.f32 v1  }
0x28: {  	v2 =	vmul.f32 $1.442695020e+00, v2;
	_ =	sdelay $0x1  }
0x29: {  	(erf) = vpow2.f32 v2  }
0x2a: {  	s6 =	simm.s32 $0xA080  }
0x2b: {  	v1 =	vld [tilespmem:s6+$0xFFFFFF80];
	_ =	sdelay $0x2  }
0x2c: {  	v3 =	vld [tilespmem:s6+$0x0]  }
0x2d: {  	v2 =	vpop (erf)  }
0x2e: {  	v2 =	vmul.f32 v2, v1  }
0x2f: {  	s30 =	simm.s32 $0x14080  }
0x30: {  	v1 =	vpop (erf);
	[tilespmem:s30+$0xFFFFFF80] =	vst v2  }
0x31: {  	v1 =	vmul.f32 v1, v3;
	v3 =	vld [tilespmem:s5+$0xFFFFFF90];
	_ =	sdelay $0x1  }
0x32: {  	[tilespmem:s30+$0x0] =	vst v1  }
0x33: {  	v4 =	vld [tilespmem:s5+$0x10];
	_ =	sdelay $0x1  }
0x34: {  	v3 =	vmul.f32 $1.442695020e+00, v3;
	_ =	sdelay $0x1  }
0x35: {  	(erf) = vpow2.f32 v3  }
0x36: {  	v4 =	vmul.f32 $1.442695020e+00, v4;
	_ =	sdelay $0x1  }
0x37: {  	(erf) = vpow2.f32 v4;
	_ =	sdelay $0x1  }
0x38: {  	s3 =	simm.s32 $0x180;
	v4 =	vld [tilespmem:s6+$0xFFFFFF90]  }
0x39: {  	v3 =	vld [tilespmem:s3+$0xFFFFFF80];
	_ =	sdelay $0x1  }
0x3a: {  	v6 =	vld [tilespmem:s6+$0x10]  }
0x3b: {  	v5 =	vld [tilespmem:s3+$0x0];
	v7 =	vpop (erf)  }
0x3c: {  	v4 =	vmul.f32 v7, v4  }
0x3d: {  	v3 =	vmul.f32 $1.442695020e+00, v3  }
0x3e: {  	v7 =	vpop (erf);
	[tilespmem:s30+$0xFFFFFF90] =	vst v4  }
0x3f: {  	(erf) = vpow2.f32 v3;
	v3 =	vmul.f32 v7, v6;
	v6 =	vld [tilespmem:s5+$0xFFFFFFA0]  }
0x40: {  	v5 =	vmul.f32 $1.442695020e+00, v5;
	_ =	sdelay $0x1  }
0x41: {  	(erf) = vpow2.f32 v5  }
0x42: {  	s31 =	simm.s32 $0xA180  }
0x43: {  	v7 =	vld [tilespmem:s31+$0xFFFFFF80];
	[tilespmem:s30+$0x10] =	vst v3;
	v6 =	vmul.f32 $1.442695020e+00, v6  }
0x44: {  	v5 =	vld [tilespmem:s5+$0x20];
	_ =	sdelay $0x1  }
0x45: {  	v8 =	vld [tilespmem:s31+$0x0]  }
0x46: {  	(erf) = vpow2.f32 v6;
	v6 =	vpop (erf)  }
0x47: {  	v7 =	vmul.f32 v6, v7  }
0x48: {  	s0 =	simm.s32 $0x14180;
	v5 =	vmul.f32 $1.442695020e+00, v5  }
0x49: {  	v6 =	vpop (erf);
	[tilespmem:s0+$0xFFFFFF80] =	vst v7  }
0x4a: {  	(erf) = vpow2.f32 v5;
	v5 =	vmul.f32 v6, v8;
	v6 =	vld [tilespmem:s3+$0xFFFFFF90];
	_ =	sdelay $0x1  }
0x4b: {  	v8 =	vld [tilespmem:s6+$0xFFFFFFA0];
	_ =	sdelay $0x2  }
0x4c: {  	v10 =	vld [tilespmem:s6+$0x20];
	[tilespmem:s0+$0x0] =	vst v5;
	v6 =	vmul.f32 $1.442695020e+00, v6  }
0x4d: {  	v9 =	vld [tilespmem:s3+$0x10];
	v11 =	vpop (erf)  }
0x4e: {  	v8 =	vmul.f32 v11, v8;
	_ =	sdelay $0x1  }
0x4f: {  	[tilespmem:s30+$0xFFFFFFA0] =	vst v8;
	(erf) = vpow2.f32 v6;
	v6 =	vpop (erf)  }
0x50: {  	v6 =	vmul.f32 v6, v10;
	v10 =	vld [tilespmem:s5+$0xFFFFFFB0]  }
0x51: {  	v9 =	vmul.f32 $1.442695020e+00, v9;
	_ =	sdelay $0x1  }
0x52: {  	(erf) = vpow2.f32 v9  }
0x53: {  	v9 =	vld [tilespmem:s31+$0xFFFFFF90];
	[tilespmem:s30+$0x20] =	vst v6  }
0x54: {  	s20 =	simm.s32 $0x280;
	v11 =	vld [tilespmem:s5+$0x30];
	v10 =	vmul.f32 $1.442695020e+00, v10  }
0x55: {  	v12 =	vld [tilespmem:s20+$0xFFFFFF80]  }
0x56: {  	v13 =	vld [tilespmem:s20+$0x0]  }
0x57: {  	v14 =	vld [tilespmem:s31+$0x10];
	(erf) = vpow2.f32 v10  }
0x58: {  	v10 =	vpop (erf)  }
0x59: {  	v11 =	vmul.f32 $1.442695020e+00, v11;
	v10 =	vmul.f32 v10, v9  }
0x5a: {  	v12 =	vmul.f32 $1.442695020e+00, v12  }
0x5b: {  	(erf) = vpow2.f32 v11;
	v9 =	vpop (erf);
	v11 =	vmul.f32 $1.442695020e+00, v13;
	v13 =	vld [tilespmem:s6+$0xFFFFFFB0];
	[tilespmem:s0+$0xFFFFFF90] =	vst v10  }
0x5c: {  	(erf) = vpow2.f32 v12;
	v9 =	vmul.f32 v9, v14;
	v12 =	vld [tilespmem:s3+$0xFFFFFFA0];
	_ =	sdelay $0x1  }
0x5d: {  	[tilespmem:s0+$0x10] =	vst v9  }
0x5e: {  	(erf) = vpow2.f32 v11;
	v15 =	vld [tilespmem:s3+$0x20]  }
0x5f: {  	v14 =	vpop (erf)  }
0x60: {  	s16 =	simm.s32 $0xA280;
	v11 =	vld [tilespmem:s6+$0x30];
	v14 =	vmul.f32 v14, v13;
	v12 =	vmul.f32 $1.442695020e+00, v12  }
0x61: {  	v16 =	vld [tilespmem:s16+$0xFFFFFF80]  }
0x62: {  	v17 =	vld [tilespmem:s16+$0x0];
	[tilespmem:s30+$0xFFFFFFB0] =	vst v14  }
0x63: {  	v15 =	vmul.f32 $1.442695020e+00, v15;
	(erf) = vpow2.f32 v12;
	v19 =	vld [tilespmem:s5+$0xFFFFFFC0]  }
0x64: {  	v12 =	vpop (erf)  }
0x65: {  	(erf) = vpow2.f32 v15;
	v18 =	vpop (erf);
	v13 =	vmul.f32 v12, v11  }
0x66: {  	v12 =	vmul.f32 v18, v16  }
0x67: {  	s1 =	simm.s32 $0x14280;
	v16 =	vld [tilespmem:s31+$0xFFFFFFA0];
	v11 =	vpop (erf);
	[tilespmem:s30+$0x30] =	vst v13  }
0x68: {  	v11 =	vmul.f32 v11, v17;
	v18 =	vmul.f32 $1.442695020e+00, v19;
	[tilespmem:s1+$0xFFFFFF80] =	vst v12;
	v15 =	vld [tilespmem:s5+$0x40]  }
0x69: {  	v17 =	vld [tilespmem:s20+$0xFFFFFF90]  }
0x6a: {  	v20 =	vld [tilespmem:s31+$0x20];
	[tilespmem:s1+$0x0] =	vst v11  }
0x6b: {  	v19 =	vld [tilespmem:s20+$0x10]  }
0x6c: {  	(erf) = vpow2.f32 v18;
	v18 =	vpop (erf)  }
0x6d: {  	v21 =	vmul.f32 $1.442695020e+00, v15;
	v15 =	vmul.f32 v18, v16  }
0x6e: {  	v16 =	vpop (erf);
	v17 =	vmul.f32 $1.442695020e+00, v17  }
0x6f: {  	v16 =	vmul.f32 v16, v20;
	(erf) = vpow2.f32 v21;
	[tilespmem:s0+$0xFFFFFFA0] =	vst v15  }
0x70: {  	(erf) = vpow2.f32 v17;
	v17 =	vmul.f32 $1.442695020e+00, v19;
	v18 =	vld [tilespmem:s3+$0xFFFFFFB0]  }
0x71: {  	v19 =	vld [tilespmem:s6+$0xFFFFFFC0];
	[tilespmem:s0+$0x20] =	vst v16  }
0x72: {  	s15 =	simm.s32 $0x380;
	(erf) = vpow2.f32 v17;
	v17 =	vld [tilespmem:s3+$0x30]  }
0x73: {  	v22 =	vld [tilespmem:s15+$0xFFFFFF80]  }
0x74: {  	v37 =	vld [tilespmem:s6+$0x40]  }
0x75: {  	v20 =	vld [tilespmem:s16+$0xFFFFFF90]  }
0x76: {  	v23 =	vpop (erf);
	v24 =	vmul.f32 $1.442695020e+00, v18  }
0x77: {  	v38 =	vld [tilespmem:s15+$0x0];
	v18 =	vmul.f32 v23, v19;
	v26 =	vmul.f32 $1.442695020e+00, v17  }
0x78: {  	v22 =	vmul.f32 $1.442695020e+00, v22;
	v25 =	vld [tilespmem:s16+$0x10];
	(erf) = vpow2.f32 v24;
	v19 =	vpop (erf)  }
0x79: {  	[tilespmem:s30+$0xFFFFFFC0] =	vst v18;
	v39 =	vpop (erf);
	v17 =	vmul.f32 v19, v37;
	(erf) = vpow2.f32 v26  }
0x7a: {  	v41 =	vld [tilespmem:s5+$0xFFFFFFD0];
	v19 =	vmul.f32 v39, v20;
	(erf) = vpow2.f32 v22  }
0x7b: {  	v42 =	vld [tilespmem:s31+$0xFFFFFFB0];
	[tilespmem:s30+$0x40] =	vst v17  }
0x7c: {  	v20 =	vpop (erf);
	[tilespmem:s1+$0xFFFFFF90] =	vst v19;
	v43 =	vld [tilespmem:s5+$0x50]  }
0x7d: {  	v23 =	vmul.f32 $1.442695020e+00, v38;
	v20 =	vmul.f32 v20, v25;
	v44 =	vld [tilespmem:s20+$0xFFFFFFA0]  }
0x7e: {  	s17 =	simm.s32 $0xA380;
	v45 =	vld [tilespmem:s31+$0x30]  }
0x7f: {  	v27 =	vld [tilespmem:s17+$0xFFFFFF80];
	(erf) = vpow2.f32 v23;
	v21 =	vmul.f32 $1.442695020e+00, v41;
	[tilespmem:s1+$0x10] =	vst v20  }
0x80: {  	v46 =	vld [tilespmem:s20+$0x20]  }
0x81: {  	(erf) = vpow2.f32 v21;
	v28 =	vpop (erf);
	v29 =	vmul.f32 $1.442695020e+00, v43  }
0x82: {  	v22 =	vmul.f32 v28, v42;
	v47 =	vmul.f32 $1.442695020e+00, v44;
	v50 =	vpop (erf)  }
0x83: {  	v48 =	vld [tilespmem:s17+$0x0];
	(erf) = vpow2.f32 v29;
	v51 =	vpop (erf);
	v23 =	vmul.f32 v50, v45  }
0x84: {  	v49 =	vld [tilespmem:s6+$0xFFFFFFD0];
	[tilespmem:s0+$0xFFFFFFB0] =	vst v22;
	(erf) = vpow2.f32 v47;
	v24 =	vmul.f32 v51, v27  }
0x85: {  	s23 =	simm.s32 $0x14380;
	v2 =	vadd.f32 v2, v40;
	v25 =	vmul.f32 $1.442695020e+00, v46;
	v52 =	vld [tilespmem:s3+$0xFFFFFFC0];
	[tilespmem:s0+$0x30] =	vst v23  }
0x86: {  	[tilespmem:s23+$0xFFFFFF80] =	vst v24;
	v55 =	vld [tilespmem:s3+$0x40]  }
0x87: {  	v1 =	vadd.f32 v1, v2;
	(erf) = vpow2.f32 v25;
	v56 =	vld [tilespmem:s15+$0xFFFFFF90]  }
0x88: {  	v30 =	vld [tilespmem:s6+$0x50];
	v54 =	vpop (erf)  }
0x89: {  	s26 =	simm.s32 $0xA480;
	v1 =	vadd.f32 v7, v1;
	v53 =	vld [tilespmem:s16+$0xFFFFFFA0];
	v21 =	vmul.f32 v54, v48  }
0x8a: {  	v31 =	vld [tilespmem:s26+$0x0];
	v32 =	vpop (erf);
	v29 =	vmul.f32 $1.442695020e+00, v52  }
0x8b: {  	v1 =	vadd.f32 v5, v1;
	v57 =	vld [tilespmem:s16+$0x20];
	[tilespmem:s23+$0x0] =	vst v21;
	v28 =	vmul.f32 v32, v49;
	v25 =	vmul.f32 $1.442695020e+00, v55  }
0x8c: {  	v33 =	vld [tilespmem:s15+$0x10];
	(erf) = vpow2.f32 v29;
	v58 =	vpop (erf);
	v26 =	vmul.f32 $1.442695020e+00, v56  }
0x8d: {  	v1 =	vadd.f32 v12, v1;
	v12 =	vld [tilespmem:s26+$0xFFFFFF80];
	[tilespmem:s30+$0xFFFFFFD0] =	vst v28;
	v34 =	vpop (erf);
	v29 =	vmul.f32 v58, v30;
	(erf) = vpow2.f32 v25  }
0x8e: {  	v59 =	vld [tilespmem:s5+$0xFFFFFFE0];
	v27 =	vmul.f32 v34, v53;
	(erf) = vpow2.f32 v26  }
0x8f: {  	v60 =	vld [tilespmem:s31+$0xFFFFFFC0];
	[tilespmem:s30+$0x50] =	vst v29  }
0x90: {  	v61 =	vpop (erf);
	[tilespmem:s1+$0xFFFFFFA0] =	vst v27;
	v62 =	vld [tilespmem:s5+$0x60]  }
0x91: {  	v33 =	vmul.f32 $1.442695020e+00, v33;
	v25 =	vmul.f32 v61, v57;
	v36 =	vld [tilespmem:s20+$0xFFFFFFB0]  }
0x92: {  	v35 =	vld [tilespmem:s31+$0x40]  }
0x93: {  	v42 =	vld [tilespmem:s17+$0xFFFFFF90];
	(erf) = vpow2.f32 v33;
	v30 =	vmul.f32 $1.442695020e+00, v59;
	[tilespmem:s1+$0x20] =	vst v25  }
0x94: {  	s4 =	simm.s32 $0x480;
	v37 =	vld [tilespmem:s20+$0x30]  }
0x95: {  	v38 =	vld [tilespmem:s4+$0xFFFFFF80];
	(erf) = vpow2.f32 v30;
	v39 =	vpop (erf);
	v26 =	vmul.f32 $1.442695020e+00, v62  }
0x96: {  	v45 =	vld [tilespmem:s4+$0x0];
	v34 =	vmul.f32 v39, v60;
	v43 =	vmul.f32 $1.442695020e+00, v36;
	v47 =	vpop (erf)  }
0x97: {  	v46 =	vld [tilespmem:s17+$0x10];
	(erf) = vpow2.f32 v26;
	v2 =	vpop (erf);
	v30 =	vmul.f32 v47, v35  }
0x98: {  	v4 =	vadd.f32 v4, v40;
	v44 =	vld [tilespmem:s6+$0xFFFFFFE0];
	[tilespmem:s0+$0xFFFFFFC0] =	vst v34;
	(erf) = vpow2.f32 v43;
	v2 =	vmul.f32 v2, v42  }
0x99: {  	v37 =	vmul.f32 $1.442695020e+00, v37;
	v48 =	vld [tilespmem:s3+$0xFFFFFFD0];
	[tilespmem:s0+$0x40] =	vst v30  }
0x9a: {  	v38 =	vmul.f32 $1.442695020e+00, v38;
	[tilespmem:s23+$0xFFFFFF90] =	vst v2;
	v51 =	vld [tilespmem:s3+$0x50]  }
0x9b: {  	v3 =	vadd.f32 v3, v4;
	v5 =	vadd.f32 v8, v40;
	(erf) = vpow2.f32 v37;
	v8 =	vld [tilespmem:s15+$0xFFFFFFA0]  }
0x9c: {  	v50 =	vmul.f32 $1.442695020e+00, v45;
	v63 =	vld [tilespmem:s6+$0x60];
	v4 =	vpop (erf);
	(erf) = vpow2.f32 v38  }
0x9d: {  	v3 =	vadd.f32 v10, v3;
	v7 =	vld [tilespmem:s16+$0xFFFFFFB0];
	v4 =	vmul.f32 v4, v46  }
0x9e: {  	v5 =	vadd.f32 v6, v5;
	v10 =	vadd.f32 v14, v40;
	v53 =	vld [tilespmem:s16+$0x30];
	(erf) = vpow2.f32 v50;
	v52 =	vpop (erf)  }
0x9f: {  	v3 =	vadd.f32 v9, v3;
	v49 =	vld [tilespmem:s31+$0xFFFFFFD0];
	[tilespmem:s23+$0x10] =	vst v4;
	v6 =	vmul.f32 v52, v44;
	v35 =	vmul.f32 $1.442695020e+00, v48  }
0xa0: {  	v9 =	vadd.f32 v13, v10;
	v10 =	vld [tilespmem:s15+$0x20];
	v55 =	vmul.f32 $1.442695020e+00, v51;
	v13 =	vpop (erf);
	v8 =	vmul.f32 $1.442695020e+00, v8  }
0xa1: {  	v1 =	vadd.f32 v11, v1;
	v5 =	vadd.f32 v15, v5;
	v14 =	vld [tilespmem:s31+$0x50];
	[tilespmem:s30+$0xFFFFFFE0] =	vst v6;
	(erf) = vpow2.f32 v35;
	v54 =	vpop (erf)  }
0xa2: {  	v11 =	vadd.f32 v18, v40;
	v15 =	vld [tilespmem:s5+$0xFFFFFFF0];
	(erf) = vpow2.f32 v55;
	v7 =	vmul.f32 v54, v7  }
0xa3: {  	v5 =	vadd.f32 v16, v5;
	v3 =	vadd.f32 v19, v3;
	v16 =	vld [tilespmem:s17+$0xFFFFFFA0]  }
0xa4: {  	v11 =	vadd.f32 v17, v11;
	v60 =	vld [tilespmem:s17+$0x20];
	v13 =	vmul.f32 v13, v63;
	(erf) = vpow2.f32 v8;
	[tilespmem:s1+$0xFFFFFFB0] =	vst v7;
	v8 =	vpop (erf)  }
0xa5: {  	v3 =	vadd.f32 v20, v3;
	v10 =	vmul.f32 $1.442695020e+00, v10;
	v18 =	vpop (erf);
	v26 =	vmul.f32 v8, v53;
	v57 =	vld [tilespmem:s20+$0xFFFFFFC0]  }
0xa6: {  	v9 =	vadd.f32 v22, v9;
	v1 =	vadd.f32 v24, v1;
	v56 =	vld [tilespmem:s6+$0xFFFFFFF0];
	[tilespmem:s30+$0x60] =	vst v13;
	v12 =	vmul.f32 v18, v12  }
0xa7: {  	v20 =	vadd.f32 v28, v40;
	v17 =	vld [tilespmem:s5+$0x70];
	s5 =	simm.s32 $0x14480;
	(erf) = vpow2.f32 v10;
	v10 =	vmul.f32 $1.442695020e+00, v15;
	v18 =	vpop (erf);
	[tilespmem:s1+$0x30] =	vst v26  }
0xa8: {  	v9 =	vadd.f32 v23, v9;
	v15 =	vmul.f32 v18, v31;
	[tilespmem:s5+$0xFFFFFF80] =	vst v12;
	v18 =	vld [tilespmem:s20+$0x40]  }
0xa9: {  	v21 =	vadd.f32 v21, v1;
	v20 =	vadd.f32 v29, v20;
	(erf) = vpow2.f32 v10;
	v10 =	vld [tilespmem:s4+$0xFFFFFF90]  }
0xaa: {  	v5 =	vadd.f32 v27, v5;
	v1 =	vadd.f32 v34, v11;
	v8 =	vld [tilespmem:s6+$0x70];
	[tilespmem:s5+$0x0] =	vst v15;
	v58 =	vpop (erf);
	v11 =	vmul.f32 $1.442695020e+00, v57  }
0xab: {  	v2 =	vadd.f32 v2, v3;
	v6 =	vadd.f32 v6, v40;
	s6 =	simm.s32 $0xA580;
	v22 =	vmul.f32 v58, v49;
	v59 =	vld [tilespmem:s4+$0x10];
	v3 =	vpop (erf)  }
0xac: {  	v7 =	vadd.f32 v7, v9;
	v19 =	vld [tilespmem:s6+$0x0];
	v14 =	vmul.f32 v3, v14;
	(erf) = vpow2.f32 v11  }
0xad: {  	v9 =	vpop (erf);
	v3 =	vadd.f32 v4, v2;
	v2 =	vadd.f32 v13, v6;
	v11 =	vld [tilespmem:s16+$0x40];
	[tilespmem:s0+$0xFFFFFFD0] =	vst v22;
	v18 =	vmul.f32 $1.442695020e+00, v18  }
0xae: {  	v4 =	vadd.f32 v26, v7;
	v9 =	vmul.f32 v9, v16;
	v16 =	vld [tilespmem:s3+$0xFFFFFFE0];
	v6 =	vmul.f32 $1.442695020e+00, v10  }
0xaf: {  	v7 =	vadd.f32 v12, v21;
	v12 =	vmul.f32 $1.442695020e+00, v17;
	[tilespmem:s0+$0x50] =	vst v14;
	v10 =	vld [tilespmem:s16+$0xFFFFFFC0];
	(erf) = vpow2.f32 v18  }
0xb0: {  	v5 =	vadd.f32 v25, v5;
	v13 =	vpop (erf);
	[tilespmem:s23+$0xFFFFFFA0] =	vst v9;
	v18 =	vld [tilespmem:s3+$0x60];
	v62 =	vmul.f32 $1.442695020e+00, v59;
	(erf) = vpow2.f32 v6  }
0xb1: {  	v1 =	vadd.f32 v30, v1;
	v61 =	vmul.f32 v13, v60;
	v13 =	vld [tilespmem:s15+$0xFFFFFFB0];
	(erf) = vpow2.f32 v12  }
0xb2: {  	v20 =	vadd.f32 v22, v20;
	v5 =	vadd.f32 v9, v5;
	v17 =	vld [tilespmem:s31+$0x60];
	v6 =	vpop (erf);
	(erf) = vpow2.f32 v62  }
0xb3: {  	v7 =	vadd.f32 v15, v7;
	[tilespmem:s23+$0x20] =	vst v61;
	v12 =	vld [tilespmem:s26+$0xFFFFFF90];
	v9 =	vmul.f32 $1.442695020e+00, v16;
	v63 =	vmul.f32 v6, v56  }
0xb4: {  	s7 =	simm.s32 $0x580;
	v5 =	vadd.f32 v61, v5;
	v15 =	vld [tilespmem:s15+$0x30];
	v6 =	vadd.f32 v14, v20  }
0xb5: {  	s8 =	simm.s32 $0xA;
	v14 =	vld [tilespmem:s7+$0xFFFFFF80];
	v18 =	vmul.f32 $1.442695020e+00, v18;
	(erf) = vpow2.f32 v9;
	v16 =	vpop (erf);
	[tilespmem:s30+$0xFFFFFFF0] =	vst v63;
	v9 =	vadd.f32 v63, v40  }
.LBB2_2:
0xb6: {  	s8 =	sadd.s32 $0x2, s8;
	v0 =	vmul.f32 $1.442695020e+00, v13;
	v10 =	vmul.f32 v16, v10;
	v16 =	vld [tilespmem:s31+$0xFFFFFFE0]  }
0xb7: {  	p0 =	slt.u32 s8, $0x9E;
	v20 =	vld [tilespmem:s7+$0x0];
	(erf) = vpow2.f32 v18  }
0xb8: {  	v18 =	vld [tilespmem:s26+$0x10];
	(erf) = vpow2.f32 v0;
	[tilespmem:s1+$0xFFFFFFC0] =	vst v10;
	v13 =	vpop (erf)  }
0xb9: {  	v1 =	vadd.f32 v10, v1;
	v21 =	vpop (erf);
	v15 =	vmul.f32 $1.442695020e+00, v15;
	v10 =	vld [tilespmem:s20+$0xFFFFFFD0];
	v11 =	vmul.f32 v13, v11  }
0xba: {  	v13 =	vmul.f32 $1.442695020e+00, v14;
	v12 =	vmul.f32 v21, v12;
	v14 =	vld [tilespmem:s16+$0xFFFFFFD0];
	v21 =	vpop (erf)  }
0xbb: {  	v22 =	vpop (erf);
	v23 =	vld [tilespmem:s17+$0xFFFFFFB0];
	(erf) = vpow2.f32 v15;
	[tilespmem:s1+$0x40] =	vst v11;
	v1 =	vadd.f32 v11, v1;
	v0 =	vmul.f32 v21, v8  }
0xbc: {  	v11 =	vmul.f32 $1.442695020e+00, v20;
	(erf) = vpow2.f32 v13;
	[tilespmem:s5+$0xFFFFFF90] =	vst v12;
	v13 =	vld [tilespmem:s20+$0x50]  }
0xbd: {  	v3 =	vadd.f32 v12, v3;
	v12 =	vld [tilespmem:s4+$0xFFFFFFA0];
	v15 =	vmul.f32 v22, v18;
	[tilespmem:s30+$0x70] =	vst v0;
	v9 =	vadd.f32 v0, v9;
	s30 =	smov.u32 s0;
	s0 =	smov.u32 s1;
	s1 =	smov.u32 s23  }
0xbe: {  	s23 =	smov.u32 s5;
	(erf) = vpow2.f32 v11;
	v18 =	vld [tilespmem:s16+$0x50];
	v8 =	vpop (erf)  }
0xbf: {  	v10 =	vmul.f32 $1.442695020e+00, v10;
	[tilespmem:s5+$0x10] =	vst v15;
	v3 =	vadd.f32 v15, v3;
	v11 =	vld [tilespmem:s17+$0x30];
	v8 =	vmul.f32 v8, v16  }
0xc0: {  	v15 =	vld [tilespmem:s4+$0x20];
	v16 =	vpop (erf)  }
0xc1: {  	v20 =	vld [tilespmem:s6+$0xFFFFFF80];
	v21 =	vpop (erf);
	v13 =	vmul.f32 $1.442695020e+00, v13;
	(erf) = vpow2.f32 v10;
	[tilespmem:s30+$0xFFFFFFE0] =	vst v8  }
0xc2: {  	v0 =	vmul.f32 $1.442695020e+00, v12;
	v23 =	vmul.f32 v21, v23;
	v21 =	vld [tilespmem:s3+$0xFFFFFFF0]  }
0xc3: {  	v2 =	vadd.f32 v8, v2;
	v8 =	vmul.f32 v16, v17;
	(erf) = vpow2.f32 v13;
	v22 =	vld [tilespmem:s31+$0xFFFFFFF0]  }
0xc4: {  	v13 =	vld [tilespmem:s26+$0xFFFFFFA0];
	(erf) = vpow2.f32 v0;
	[tilespmem:s1+$0xFFFFFFB0] =	vst v23;
	v4 =	vadd.f32 v23, v4;
	v10 =	vpop (erf)  }
0xc5: {  	v2 =	vadd.f32 v8, v2;
	v12 =	vpop (erf);
	v15 =	vmul.f32 $1.442695020e+00, v15;
	v16 =	vld [tilespmem:s15+$0xFFFFFFC0];
	v10 =	vmul.f32 v10, v11;
	[tilespmem:s30+$0x60] =	vst v8  }
0xc6: {  	v11 =	vmul.f32 v12, v20;
	v12 =	vld [tilespmem:s3+$0x70];
	s3 =	smov.u32 s20;
	s20 =	smov.u32 s15;
	s15 =	smov.u32 s4  }
0xc7: {  	s5 =	sadd.s32 $0x100, s5;
	v17 =	vpop (erf);
	(erf) = vpow2.f32 v15;
	[tilespmem:s1+$0x30] =	vst v10;
	v4 =	vadd.f32 v10, v4;
	v10 =	vmul.f32 $1.442695020e+00, v21;
	v8 =	vld [tilespmem:s31+$0x70];
	s31 =	smov.u32 s16;
	s16 =	smov.u32 s17  }
0xc8: {  	s4 =	smov.u32 s7;
	s17 =	smov.u32 s26;
	s26 =	smov.u32 s6;
	[tilespmem:s5+$0xFFFFFF80] =	vst v11;
	v7 =	vadd.f32 v11, v7;
	v0 =	vmul.f32 v17, v19;
	v15 =	vld [tilespmem:s20+$0x40]  }
0xc9: {  	s6 =	sadd.s32 $0x100, s6;
	v17 =	vld [tilespmem:s7+$0xFFFFFF90];
	(erf) = vpow2.f32 v10  }
0xca: {  	v19 =	vld [tilespmem:s6+$0x0];
	[tilespmem:s5+$0x0] =	vst v0;
	v7 =	vadd.f32 v0, v7;
	v0 =	vmul.f32 $1.442695020e+00, v16;
	v11 =	vpop (erf)  }
0xcb: {  	v16 =	vld [tilespmem:s7+$0x10];
	v14 =	vmul.f32 v11, v14;
	v12 =	vmul.f32 $1.442695020e+00, v12  }
0xcc: {  	v20 =	vld [tilespmem:s17+$0x20];
	(erf) = vpow2.f32 v0;
	v10 =	vpop (erf)  }
0xcd: {  	v21 =	vpop (erf);
	v0 =	vmul.f32 $1.442695020e+00, v15;
	v11 =	vld [tilespmem:s16+$0x40];
	[tilespmem:s0+$0xFFFFFFD0] =	vst v14;
	v6 =	vadd.f32 v14, v6;
	v14 =	vmul.f32 v10, v18  }
0xce: {  	v17 =	vmul.f32 $1.442695020e+00, v17;
	v13 =	vmul.f32 v21, v13;
	v18 =	vld [tilespmem:s3+$0xFFFFFFE0]  }
0xcf: {  	v10 =	vld [tilespmem:s16+$0xFFFFFFC0];
	(erf) = vpow2.f32 v0;
	[tilespmem:s0+$0x50] =	vst v14;
	v6 =	vadd.f32 v14, v6  }
0xd0: {  	v0 =	vmul.f32 $1.442695020e+00, v16;
	(erf) = vpow2.f32 v17;
	[tilespmem:s23+$0xFFFFFFA0] =	vst v13;
	v15 =	vpop (erf);
	v21 =	vld [tilespmem:s3+$0x60]  }
.Ltmp0:
0xd1: {  	v5 =	vadd.f32 v13, v5;
	v13 =	vld [tilespmem:s15+$0xFFFFFFB0];
	v15 =	vmul.f32 v15, v20;
	(erf) = vpow2.f32 v12;
	(pc) =	sbr.rel @p0 .LBB2_2-.Ltmp0, $4  }
0xd2: {  	(erf) = vpow2.f32 v0;
	v17 =	vld [tilespmem:s31+$0x60];
	v14 =	vpop (erf)  }
0xd3: {  	v12 =	vld [tilespmem:s26+$0xFFFFFF90];
	[tilespmem:s23+$0x20] =	vst v15;
	v5 =	vadd.f32 v15, v5;
	v20 =	vmul.f32 $1.442695020e+00, v18;
	v22 =	vmul.f32 v14, v22  }
0xd4: {  	s7 =	sadd.s32 $0x100, s7;
	v15 =	vld [tilespmem:s15+$0x30]  }
0xd5: {  	v14 =	vld [tilespmem:s7+$0xFFFFFF80];
	v16 =	vpop (erf);
	v18 =	vmul.f32 $1.442695020e+00, v21;
	(erf) = vpow2.f32 v20;
	[tilespmem:s30+$0xFFFFFFF0] =	vst v22;
	v9 =	vadd.f32 v22, v9  }
0xd6: {  	_ = 	snop  }
0xd7: {  	v20 =	vld [tilespmem:s7+$0x0]  }
0xd8: {  	v13 =	vmul.f32 $1.442695020e+00, v13;
	v0 =	vmul.f32 v16, v10  }
0xd9: {  	(erf) = vpow2.f32 v18;
	v15 =	vmul.f32 $1.442695020e+00, v15  }
0xda: {  	(erf) = vpow2.f32 v13;
	v13 =	vmul.f32 $1.442695020e+00, v14  }
0xdb: {  	[tilespmem:$0x1FFF0] =	vst v0;
	(erf) = vpow2.f32 v15  }
0xdc: {  	v22 =	vld [tilespmem:s17+$0x30];
	v15 =	vmul.f32 $1.442695020e+00, v20;
	(erf) = vpow2.f32 v13  }
0xdd: {  	v16 =	vpop (erf);
	v13 =	vld [tilespmem:s26+$0x10]  }
0xde: {  	v18 =	vpop (erf);
	v14 =	vld [tilespmem:s31+$0xFFFFFFE0];
	(erf) = vpow2.f32 v15  }
0xdf: {  	v11 =	vmul.f32 v16, v11;
	v20 =	vpop (erf);
	v15 =	vld [tilespmem:s17+$0xFFFFFFB0]  }
0xe0: {  	[tilespmem:s1+$0xFFFFFFC0] =	vst v0;
	v23 =	vld [tilespmem:s6+$0xFFFFFF80];
	v16 =	vpop (erf)  }
0xe1: {  	v21 =	vld [tilespmem:s20+$0xFFFFFFD0];
	v12 =	vmul.f32 v18, v12;
	[tilespmem:s1+$0x40] =	vst v11;
	v18 =	vpop (erf)  }
0xe2: {  	v24 =	vld [tilespmem:s20+$0x50];
	v25 =	vpop (erf);
	v13 =	vmul.f32 v16, v13  }
0xe3: {  	[tilespmem:s5+$0xFFFFFF90] =	vst v12;
	v14 =	vmul.f32 v18, v14;
	v16 =	vpop (erf)  }
0xe4: {  	v26 =	vld [tilespmem:s4+$0xFFFFFFA0];
	v16 =	vmul.f32 v16, v15;
	[tilespmem:s5+$0x10] =	vst v13;
	v15 =	vpop (erf)  }
0xe5: {  	[tilespmem:s0+$0xFFFFFFE0] =	vst v14;
	v27 =	vld [tilespmem:s4+$0x20];
	v18 =	vpop (erf);
	v15 =	vmul.f32 v15, v22  }
0xe6: {  	v21 =	vmul.f32 $1.442695020e+00, v21;
	[tilespmem:s23+$0xFFFFFFB0] =	vst v16;
	v22 =	vld [tilespmem:s3+$0xFFFFFFF0];
	v18 =	vmul.f32 v18, v23  }
0xe7: {  	s8 =	sadd.s32 $0x100, s5;
	v17 =	vmul.f32 v25, v17;
	v23 =	vmul.f32 $1.442695020e+00, v24;
	v24 =	vld [tilespmem:s15+$0xFFFFFFC0];
	v25 =	vpop (erf);
	[tilespmem:s23+$0x30] =	vst v15  }
0xe8: {  	(erf) = vpow2.f32 v21;
	v19 =	vmul.f32 v25, v19;
	[tilespmem:s8+$0xFFFFFF80] =	vst v18;
	v21 =	vld [tilespmem:s15+$0x40]  }
0xe9: {  	[tilespmem:s0+$0x60] =	vst v17;
	v25 =	vmul.f32 $1.442695020e+00, v26;
	v26 =	vld [tilespmem:s7+$0xFFFFFF90]  }
0xea: {  	v28 =	vld [tilespmem:s3+$0x70];
	(erf) = vpow2.f32 v23;
	v23 =	vmul.f32 $1.442695020e+00, v27;
	[tilespmem:s8+$0x0] =	vst v19  }
0xeb: {  	(erf) = vpow2.f32 v25;
	v22 =	vmul.f32 $1.442695020e+00, v22;
	v25 =	vld [tilespmem:s7+$0x10]  }
0xec: {  	(erf) = vpow2.f32 v23;
	v23 =	vmul.f32 $1.442695020e+00, v24  }
0xed: {  	(erf) = vpow2.f32 v22;
	v21 =	vmul.f32 $1.442695020e+00, v21  }
0xee: {  	(erf) = vpow2.f32 v23;
	v22 =	vmul.f32 $1.442695020e+00, v26  }
0xef: {  	v24 =	vld [tilespmem:s16+$0xFFFFFFD0];
	v23 =	vmul.f32 $1.442695020e+00, v28;
	(erf) = vpow2.f32 v21  }
0xf0: {  	v26 =	vld [tilespmem:s16+$0x50];
	v25 =	vmul.f32 $1.442695020e+00, v25;
	(erf) = vpow2.f32 v22  }
0xf1: {  	v27 =	vld [tilespmem:s26+$0xFFFFFFA0];
	(erf) = vpow2.f32 v23  }
0xf2: {  	v21 =	vpop (erf);
	v23 =	vld [tilespmem:s26+$0x20];
	(erf) = vpow2.f32 v25  }
0xf3: {  	v30 =	vld [tilespmem:s6+$0x10];
	v22 =	vpop (erf)  }
0xf4: {  	v28 =	vld [tilespmem:s17+$0xFFFFFFC0];
	v21 =	vmul.f32 v21, v24;
	v24 =	vpop (erf)  }
0xf5: {  	v25 =	vld [tilespmem:s17+$0x40];
	v22 =	vmul.f32 v22, v26;
	v26 =	vpop (erf)  }
0xf6: {  	[tilespmem:s1+$0xFFFFFFD0] =	vst v21;
	v24 =	vmul.f32 v24, v27;
	v27 =	vld [tilespmem:s6+$0xFFFFFF90];
	v36 =	vpop (erf)  }
0xf7: {  	v29 =	vld [tilespmem:s20+$0xFFFFFFE0];
	[tilespmem:s1+$0x50] =	vst v22;
	v23 =	vmul.f32 v26, v23;
	v26 =	vpop (erf)  }
0xf8: {  	[tilespmem:s5+$0xFFFFFFA0] =	vst v24;
	v31 =	vld [tilespmem:s20+$0x60];
	v32 =	vpop (erf)  }
0xf9: {  	v33 =	vld [tilespmem:s4+$0xFFFFFFB0];
	v26 =	vmul.f32 v26, v28;
	[tilespmem:s5+$0x20] =	vst v23;
	v28 =	vpop (erf)  }
0xfa: {  	v34 =	vld [tilespmem:s4+$0x30];
	v25 =	vmul.f32 v32, v25;
	v39 =	vpop (erf)  }
0xfb: {  	[tilespmem:s23+$0xFFFFFFC0] =	vst v26;
	v27 =	vmul.f32 v28, v27;
	v28 =	vpop (erf)  }
0xfc: {  	v29 =	vmul.f32 $1.442695020e+00, v29;
	v40 =	vld [tilespmem:s15+$0xFFFFFFD0];
	[tilespmem:s23+$0x40] =	vst v25;
	v28 =	vmul.f32 v28, v30  }
0xfd: {  	v41 =	vmul.f32 $1.442695020e+00, v31;
	[tilespmem:s8+$0xFFFFFF90] =	vst v27;
	v42 =	vld [tilespmem:s15+$0x50]  }
0xfe: {  	(erf) = vpow2.f32 v29;
	v29 =	vmul.f32 $1.442695020e+00, v33;
	v43 =	vld [tilespmem:s7+$0xFFFFFFA0];
	[tilespmem:s8+$0x10] =	vst v28  }
0xff: {  	(erf) = vpow2.f32 v41;
	v44 =	vmul.f32 $1.442695020e+00, v34;
	v45 =	vld [tilespmem:s7+$0x20]  }
0x100: {  	(erf) = vpow2.f32 v29  }
0x101: {  	v29 =	vmul.f32 $1.442695020e+00, v40;
	(erf) = vpow2.f32 v44  }
0x102: {  	v46 =	vmul.f32 $1.442695020e+00, v42  }
0x103: {  	(erf) = vpow2.f32 v29;
	v29 =	vmul.f32 $1.442695020e+00, v43  }
0x104: {  	v47 =	vld [tilespmem:s16+$0xFFFFFFE0];
	(erf) = vpow2.f32 v46;
	v48 =	vmul.f32 $1.442695020e+00, v45  }
0x105: {  	v49 =	vld [tilespmem:s26+$0xFFFFFFB0];
	(erf) = vpow2.f32 v29  }
0x106: {  	v29 =	vld [tilespmem:s26+$0x30];
	(erf) = vpow2.f32 v48  }
0x107: {  	v50 =	vld [tilespmem:s16+$0x60];
	v51 =	vpop (erf)  }
0x108: {  	v52 =	vld [tilespmem:s17+$0xFFFFFFD0];
	v35 =	vpop (erf)  }
0x109: {  	v37 =	vld [tilespmem:s17+$0x50];
	v30 =	vmul.f32 v51, v47;
	v53 =	vpop (erf)  }
0x10a: {  	v38 =	vld [tilespmem:s6+$0xFFFFFFA0];
	v31 =	vmul.f32 v53, v49;
	v54 =	vpop (erf)  }
0x10b: {  	v40 =	vld [tilespmem:s6+$0x20];
	[tilespmem:s1+$0xFFFFFFE0] =	vst v30;
	v29 =	vmul.f32 v54, v29  }
0x10c: {  	v32 =	vmul.f32 v35, v50;
	v41 =	vld [tilespmem:s20+$0xFFFFFFF0];
	[tilespmem:s5+$0xFFFFFFB0] =	vst v31;
	v55 =	vpop (erf)  }
0x10d: {  	v42 =	vld [tilespmem:s4+$0xFFFFFFC0];
	v34 =	vmul.f32 v55, v52;
	[tilespmem:s5+$0x30] =	vst v29;
	v56 =	vpop (erf)  }
0x10e: {  	[tilespmem:s1+$0x60] =	vst v32;
	v43 =	vld [tilespmem:s4+$0x40];
	v57 =	vpop (erf);
	v33 =	vmul.f32 v56, v37  }
0x10f: {  	v44 =	vld [tilespmem:s20+$0x70];
	[tilespmem:s23+$0xFFFFFFD0] =	vst v34;
	v37 =	vmul.f32 v57, v38;
	v58 =	vpop (erf)  }
0x110: {  	v59 =	vld [tilespmem:s15+$0xFFFFFFE0];
	[tilespmem:s23+$0x50] =	vst v33;
	v35 =	vmul.f32 v58, v40  }
0x111: {  	v60 =	vmul.f32 $1.442695020e+00, v41;
	[tilespmem:s8+$0xFFFFFFA0] =	vst v37;
	v61 =	vld [tilespmem:s15+$0x60]  }
0x112: {  	v42 =	vmul.f32 $1.442695020e+00, v42;
	v45 =	vld [tilespmem:s7+$0xFFFFFFB0];
	[tilespmem:s8+$0x20] =	vst v35  }
0x113: {  	(erf) = vpow2.f32 v60;
	v62 =	vmul.f32 $1.442695020e+00, v43;
	v63 =	vld [tilespmem:s7+$0x30]  }
0x114: {  	v44 =	vmul.f32 $1.442695020e+00, v44;
	(erf) = vpow2.f32 v42  }
0x115: {  	v38 =	vmul.f32 $1.442695020e+00, v59;
	(erf) = vpow2.f32 v62  }
0x116: {  	(erf) = vpow2.f32 v44;
	v46 =	vmul.f32 $1.442695020e+00, v61  }
0x117: {  	(erf) = vpow2.f32 v38;
	v47 =	vmul.f32 $1.442695020e+00, v45  }
0x118: {  	(erf) = vpow2.f32 v46;
	v48 =	vmul.f32 $1.442695020e+00, v63  }
0x119: {  	(erf) = vpow2.f32 v47  }
0x11a: {  	(erf) = vpow2.f32 v48  }
0x11b: {  	v49 =	vld [tilespmem:s26+$0xFFFFFFC0]  }
0x11c: {  	v50 =	vld [tilespmem:s26+$0x40];
	v55 =	vpop (erf)  }
0x11d: {  	v52 =	vld [tilespmem:s17+$0xFFFFFFE0];
	v51 =	vpop (erf)  }
0x11e: {  	v60 =	vld [tilespmem:s6+$0xFFFFFFB0];
	v53 =	vpop (erf)  }
0x11f: {  	v46 =	vld [tilespmem:s6+$0x30];
	v56 =	vpop (erf)  }
0x120: {  	v44 =	vmul.f32 v51, v49;
	v61 =	vpop (erf)  }
0x121: {  	v42 =	vmul.f32 v53, v50;
	v47 =	vpop (erf)  }
0x122: {  	[tilespmem:s5+$0xFFFFFFC0] =	vst v44;
	v40 =	vmul.f32 v61, v52;
	v62 =	vpop (erf)  }
0x123: {  	v63 =	vld [tilespmem:s4+$0xFFFFFFD0];
	[tilespmem:s5+$0x40] =	vst v42;
	v41 =	vmul.f32 v62, v60;
	v51 =	vpop (erf)  }
0x124: {  	v52 =	vld [tilespmem:s4+$0x50];
	[tilespmem:s23+$0xFFFFFFE0] =	vst v40;
	v38 =	vmul.f32 v51, v46  }
0x125: {  	v53 =	vld [tilespmem:s15+$0xFFFFFFF0];
	[tilespmem:s8+$0xFFFFFFB0] =	vst v41  }
0x126: {  	v48 =	vld [tilespmem:s7+$0xFFFFFFC0];
	[tilespmem:s8+$0x30] =	vst v38  }
0x127: {  	v49 =	vld [tilespmem:s7+$0x40]  }
0x128: {  	v43 =	vmul.f32 $1.442695020e+00, v63  }
0x129: {  	v45 =	vmul.f32 $1.442695020e+00, v52  }
0x12a: {  	(erf) = vpow2.f32 v43;
	v54 =	vmul.f32 $1.442695020e+00, v53  }
0x12b: {  	(erf) = vpow2.f32 v45;
	v57 =	vmul.f32 $1.442695020e+00, v48  }
0x12c: {  	(erf) = vpow2.f32 v54;
	v58 =	vmul.f32 $1.442695020e+00, v49  }
0x12d: {  	(erf) = vpow2.f32 v57  }
0x12e: {  	(erf) = vpow2.f32 v58  }
0x12f: {  	v59 =	vld [tilespmem:s17+$0x60]  }
0x130: {  	v60 =	vld [tilespmem:s26+$0xFFFFFFD0]  }
0x131: {  	v61 =	vld [tilespmem:s26+$0x50]  }
0x132: {  	v62 =	vld [tilespmem:s6+$0xFFFFFFC0]  }
0x133: {  	v51 =	vld [tilespmem:s6+$0x40];
	v63 =	vpop (erf)  }
0x134: {  	v50 =	vmul.f32 v47, v59;
	v54 =	vpop (erf)  }
0x135: {  	v49 =	vmul.f32 v63, v60;
	v57 =	vpop (erf)  }
0x136: {  	[tilespmem:s23+$0x60] =	vst v50;
	v46 =	vmul.f32 v54, v61;
	v59 =	vpop (erf)  }
0x137: {  	v60 =	vld [tilespmem:s15+$0x70];
	[tilespmem:s5+$0xFFFFFFD0] =	vst v49;
	v45 =	vmul.f32 v59, v62;
	v61 =	vpop (erf)  }
0x138: {  	[tilespmem:s5+$0x50] =	vst v46;
	v62 =	vld [tilespmem:s4+$0xFFFFFFE0];
	v43 =	vmul.f32 v61, v51  }
0x139: {  	v63 =	vld [tilespmem:s4+$0x60];
	[tilespmem:s8+$0xFFFFFFC0] =	vst v45  }
0x13a: {  	v52 =	vld [tilespmem:s7+$0xFFFFFFD0];
	[tilespmem:s8+$0x40] =	vst v43  }
0x13b: {  	v53 =	vld [tilespmem:s7+$0x50]  }
0x13c: {  	v47 =	vmul.f32 $1.442695020e+00, v60  }
0x13d: {  	v48 =	vmul.f32 $1.442695020e+00, v62  }
0x13e: {  	(erf) = vpow2.f32 v47;
	v54 =	vmul.f32 $1.442695020e+00, v63  }
0x13f: {  	(erf) = vpow2.f32 v48;
	v58 =	vmul.f32 $1.442695020e+00, v52  }
0x140: {  	(erf) = vpow2.f32 v54;
	v59 =	vmul.f32 $1.442695020e+00, v53  }
0x141: {  	(erf) = vpow2.f32 v58  }
0x142: {  	(erf) = vpow2.f32 v59;
	_ =	sdelay $0x1  }
0x143: {  	v47 =	vld [tilespmem:s26+$0xFFFFFFE0]  }
0x144: {  	v60 =	vld [tilespmem:s26+$0x60]  }
0x145: {  	v61 =	vld [tilespmem:s6+$0xFFFFFFD0]  }
0x146: {  	v62 =	vld [tilespmem:s6+$0x50];
	v58 =	vpop (erf)  }
0x147: {  	v63 =	vpop (erf)  }
0x148: {  	v54 =	vmul.f32 v63, v47;
	v59 =	vpop (erf)  }
0x149: {  	v52 =	vmul.f32 v59, v60;
	v60 =	vpop (erf)  }
0x14a: {  	[tilespmem:s5+$0xFFFFFFE0] =	vst v54;
	v51 =	vmul.f32 v60, v61;
	v61 =	vpop (erf)  }
0x14b: {  	v59 =	vld [tilespmem:s4+$0xFFFFFFF0];
	[tilespmem:s5+$0x60] =	vst v52;
	v48 =	vmul.f32 v61, v62  }
0x14c: {  	v47 =	vld [tilespmem:s4+$0x70];
	[tilespmem:s8+$0xFFFFFFD0] =	vst v51  }
0x14d: {  	v53 =	vld [tilespmem:s7+$0xFFFFFFE0];
	[tilespmem:s8+$0x50] =	vst v48  }
0x14e: {  	v60 =	vld [tilespmem:s7+$0x60];
	_ =	sdelay $0x1  }
0x14f: {  	v59 =	vmul.f32 $1.442695020e+00, v59  }
0x150: {  	v47 =	vmul.f32 $1.442695020e+00, v47  }
0x151: {  	(erf) = vpow2.f32 v59;
	v53 =	vmul.f32 $1.442695020e+00, v53  }
0x152: {  	(erf) = vpow2.f32 v47;
	v62 =	vmul.f32 $1.442695020e+00, v60  }
0x153: {  	(erf) = vpow2.f32 v53  }
0x154: {  	(erf) = vpow2.f32 v62;
	_ =	sdelay $0x3  }
0x155: {  	v47 =	vld [tilespmem:s6+$0xFFFFFFE0]  }
0x156: {  	v59 =	vld [tilespmem:s6+$0x60]  }
0x157: {  	v60 =	vpop (erf)  }
0x158: {  	v61 =	vpop (erf)  }
0x159: {  	v53 =	vpop (erf)  }
0x15a: {  	v53 =	vmul.f32 v53, v47;
	v63 =	vpop (erf)  }
0x15b: {  	v47 =	vmul.f32 v63, v59  }
0x15c: {  	v0 =	vld [tilespmem:s31+$0x70];
	[tilespmem:s8+$0xFFFFFFE0] =	vst v53  }
0x15d: {  	v59 =	vld [tilespmem:s7+$0xFFFFFFF0];
	[tilespmem:s8+$0x60] =	vst v47  }
0x15e: {  	v62 =	vld [tilespmem:s7+$0x70];
	_ =	sdelay $0x1  }
0x15f: {  	v10 =	vld [tilespmem:s16+$0xFFFFFFF0]  }
0x160: {  	v8 =	vmul.f32 v20, v8;
	v20 =	vld [tilespmem:s17+$0xFFFFFFF0]  }
0x161: {  	v39 =	vmul.f32 v39, v0;
	v0 =	vld [tilespmem:s26+$0xFFFFFFF0];
	v59 =	vmul.f32 $1.442695020e+00, v59  }
0x162: {  	v63 =	vld [tilespmem:s31+$0xFFFFFFF0];
	v62 =	vmul.f32 $1.442695020e+00, v62  }
0x163: {  	(erf) = vpow2.f32 v59;
	v59 =	vld [tilespmem:s16+$0x70]  }
0x164: {  	v10 =	vmul.f32 v55, v10;
	v55 =	vld [tilespmem:s26+$0x70];
	(erf) = vpow2.f32 v62;
	_ =	sdelay $0x1  }
0x165: {  	[tilespmem:s30+$0x70] =	vst v8  }
0x166: {  	[tilespmem:s0+$0x70] =	vst v39;
	v57 =	vmul.f32 v57, v20;
	v62 =	vmul.f32 v36, v63;
	v36 =	vld [tilespmem:s17+$0x70]  }
0x167: {  	[tilespmem:s1+$0xFFFFFFF0] =	vst v10;
	v60 =	vmul.f32 v60, v0;
	v56 =	vmul.f32 v56, v59;
	v59 =	vld [tilespmem:s6+$0xFFFFFFF0]  }
0x168: {  	[tilespmem:s23+$0xFFFFFFF0] =	vst v57;
	v61 =	vmul.f32 v61, v55;
	v63 =	vld [tilespmem:s6+$0x70]  }
0x169: {  	[tilespmem:s5+$0xFFFFFFF0] =	vst v60  }
0x16a: {  	[tilespmem:s5+$0x70] =	vst v61  }
0x16b: {  	[tilespmem:s0+$0xFFFFFFF0] =	vst v62;
	v58 =	vmul.f32 v58, v36;
	v0 =	vpop (erf)  }
0x16c: {  	[tilespmem:s1+$0x70] =	vst v56;
	v20 =	vmul.f32 v0, v59;
	v0 =	vpop (erf)  }
0x16d: {  	[tilespmem:s23+$0x70] =	vst v58;
	v0 =	vmul.f32 v0, v63  }
0x16e: {  	[tilespmem:s8+$0xFFFFFFF0] =	vst v20  }
0x16f: {  	[tilespmem:s8+$0x70] =	vst v0  }
0x170: {  	s26 =	simm.s32 $0x14000;
	s23 =	simm.s32 $0x0;
	s1 =	rddreg [dreg:$0x8];
	v63 =	vld [tilespmem:$0x1FFF0]  }
0x171: {  	[hbm4b:s1+s23] =	stream.linear.scatter [tilespmem:s26], [sflag:$0x5], $0x5000, $0x38;
	[tilespmem:$0x1E400] =	vst v63  }
0x172: {  	s30 =	rddreg [dreg:$0x9]  }
0x173: {  	[tilespmem:s23], [sflag:$0x1] =	stream.linear.gather [hbm4b:s30+s23], $0x5000, $0x38;
	[tilespmem:$0x1E400] =	vst v63  }
0x174: {  	s31 =	simm.s32 $0xA000  }
0x175: {  	v3 =	vadd.f32 v12, v3;
	[tilespmem:s31], [sflag:$0x3] =	stream.linear.gather [hbm4b:s9+s23], $0x5000, $0x38;
	v1 =	vadd.f32 v63, v1;
	[tilespmem:$0x1E400] =	vst v63  }
0x176: {  	v8 =	vadd.f32 v8, v9;
	_ =	swait.ge [sflag:s21], $0x5000  }
0x177: {  	v3 =	vadd.f32 v13, v3;
	[sflag:s21] =	ssyncset.done $0x0;
	v11 =	vadd.f32 v11, v1  }
0x178: {  	v1 =	vadd.f32 v14, v2;
	v2 =	vadd.f32 v16, v4;
	[sflag:s21] =	ssyncadd.s32 $0xFFFFB000  }
0x179: {  	v6 =	vadd.f32 v21, v6;
	v4 =	vadd.f32 v18, v7;
	_ =	swait.ge [sflag:s22], $0x5000  }
0x17a: {  	v7 =	vadd.f32 v17, v1;
	v9 =	vadd.f32 v15, v2;
	[sflag:s22] =	ssyncset.done $0x0  }
0x17b: {  	s0 =	simm.s32 $0x0;
	v1 =	vadd.f32 v19, v4;
	v2 =	vadd.f32 v24, v5;
	[sflag:s22] =	ssyncadd.s32 $0xFFFFB000  }
0x17c: {  	v4 =	vadd.f32 v22, v6;
	v6 =	vadd.f32 v26, v11;
	v12 =	vld [tilespmem:s0+$0xF080]  }
0x17d: {  	v11 =	vadd.f32 v23, v2;
	v2 =	vadd.f32 v27, v3;
	v3 =	vld [tilespmem:s0+$0x5080]  }
0x17e: {  	v5 =	vadd.f32 v62, v8;
	v14 =	vld [tilespmem:s0+$0x5090]  }
0x17f: {  	v15 =	vld [tilespmem:s0+$0x50A0]  }
0x180: {  	v6 =	vadd.f32 v25, v6;
	v5 =	vadd.f32 v39, v5;
	v16 =	vld [tilespmem:s0+$0x50B0]  }
0x181: {  	v7 =	vadd.f32 v30, v7;
	v17 =	vld [tilespmem:s0+$0x50C0];
	v11 =	vadd.f32 v37, v11  }
0x182: {  	v9 =	vadd.f32 v31, v9;
	v5 =	vadd.f32 v10, v5;
	v10 =	vld [tilespmem:s0+$0x5000];
	v18 =	vmul.f32 $1.442695020e+00, v3  }
0x183: {  	v4 =	vadd.f32 v34, v4;
	v19 =	vld [tilespmem:s0+$0x50D0];
	v3 =	vadd.f32 v35, v11;
	v11 =	vmul.f32 $1.442695020e+00, v14  }
0x184: {  	v2 =	vadd.f32 v28, v2;
	v14 =	vld [tilespmem:s0+$0x50E0];
	v15 =	vmul.f32 $1.442695020e+00, v15;
	(erf) = vpow2.f32 v18  }
0x185: {  	v9 =	vadd.f32 v29, v9;
	v4 =	vadd.f32 v33, v4;
	(erf) = vpow2.f32 v11;
	v11 =	vld [tilespmem:s0+$0x5010]  }
0x186: {  	v6 =	vadd.f32 v44, v6;
	v16 =	vmul.f32 $1.442695020e+00, v16;
	(erf) = vpow2.f32 v15;
	v15 =	vld [tilespmem:s0+$0x5020]  }
0x187: {  	v13 =	vld [tilespmem:s0+$0xF090];
	v10 =	vmul.f32 $1.442695020e+00, v10;
	v18 =	vadd.f32 v56, v5;
	v5 =	vmul.f32 $1.442695020e+00, v17  }
0x188: {  	v6 =	vadd.f32 v42, v6;
	v17 =	vmul.f32 $1.442695020e+00, v19;
	(erf) = vpow2.f32 v16;
	v16 =	vld [tilespmem:s0+$0x5030]  }
0x189: {  	v9 =	vadd.f32 v41, v9;
	v19 =	vld [tilespmem:s0+$0x5040];
	(erf) = vpow2.f32 v5;
	v5 =	vmul.f32 $1.442695020e+00, v14  }
0x18a: {  	v8 =	vld [tilespmem:s0+$0xF0A0];
	v4 =	vadd.f32 v49, v4;
	(erf) = vpow2.f32 v17;
	v11 =	vmul.f32 $1.442695020e+00, v11  }
0x18b: {  	v14 =	vld [tilespmem:s0+$0x5050];
	(erf) = vpow2.f32 v5;
	v5 =	vadd.f32 v38, v9;
	v9 =	vmul.f32 $1.442695020e+00, v15  }
0x18c: {  	v7 =	vadd.f32 v32, v7;
	v6 =	vadd.f32 v45, v6;
	v17 =	vld [tilespmem:s0+$0x5060];
	(erf) = vpow2.f32 v10  }
0x18d: {  	v10 =	vld [tilespmem:s0+$0x5070];
	v15 =	vadd.f32 v46, v4;
	v4 =	vmul.f32 $1.442695020e+00, v16;
	(erf) = vpow2.f32 v11  }
0x18e: {  	v18 =	vadd.f32 v57, v18;
	v11 =	vld [tilespmem:s0+$0x50F0];
	v16 =	vmul.f32 $1.442695020e+00, v19;
	(erf) = vpow2.f32 v9  }
0x18f: {  	v23 =	vld [tilespmem:s0+$0xF0C0];
	v7 =	vadd.f32 v40, v7;
	(erf) = vpow2.f32 v4;
	v4 =	vadd.f32 v43, v6;
	v9 =	vpop (erf)  }
0x190: {  	v24 =	vld [tilespmem:s0+$0xF0D0];
	v6 =	vmul.f32 $1.442695020e+00, v14;
	v22 =	vpop (erf);
	(erf) = vpow2.f32 v16;
	v16 =	vadd.f32 v58, v18  }
0x191: {  	v27 =	vld [tilespmem:s0+$0xF010];
	v7 =	vadd.f32 v50, v7;
	v15 =	vadd.f32 v51, v15;
	v17 =	vmul.f32 $1.442695020e+00, v17;
	v14 =	vpop (erf)  }
0x192: {  	v19 =	vld [tilespmem:s0+$0xF0B0];
	v10 =	vmul.f32 $1.442695020e+00, v10;
	(erf) = vpow2.f32 v6;
	v26 =	vpop (erf);
	v16 =	vadd.f32 v60, v16  }
0x193: {  	v7 =	vadd.f32 v54, v7;
	v18 =	vld [tilespmem:s0+$0xF000];
	v11 =	vmul.f32 $1.442695020e+00, v11;
	(erf) = vpow2.f32 v17;
	v28 =	vpop (erf)  }
0x194: {  	v6 =	vadd.f32 v48, v15;
	v15 =	vld [tilespmem:s0+$0xF030];
	(erf) = vpow2.f32 v10;
	v29 =	vpop (erf)  }
0x195: {  	v7 =	vadd.f32 v52, v7;
	v17 =	vld [tilespmem:s0+$0xF020];
	(erf) = vpow2.f32 v11;
	v25 =	vpop (erf)  }
0x196: {  	v21 =	vld [tilespmem:s0+$0xF040];
	v12 =	vmul.f32 v9, v12;
	v13 =	vmul.f32 v22, v13;
	v9 =	vadd.f32 v61, v16;
	v16 =	vpop (erf)  }
0x197: {  	v7 =	vadd.f32 v53, v7;
	v22 =	vld [tilespmem:s0+$0xF050];
	v14 =	vmul.f32 v14, v8;
	v11 =	vmul.f32 v26, v19;
	v8 =	vpop (erf)  }
0x198: {  	[tilespmem:s0+$0x19080] =	vst v12;
	v10 =	vmul.f32 v28, v23;
	v26 =	vadd.f32 v20, v9;
	v20 =	vld [tilespmem:s0+$0xF060];
	v9 =	vmul.f32 v29, v24;
	v23 =	vpop (erf)  }
0x199: {  	v7 =	vadd.f32 v47, v7;
	[tilespmem:s0+$0x19090] =	vst v13;
	v19 =	vmul.f32 v16, v18;
	v16 =	vmul.f32 v8, v27;
	v27 =	vld [tilespmem:s0+$0xF070];
	v18 =	vpop (erf)  }
0x19a: {  	s3 =	simm.s32 $0x400;
	s1 =	simm.s32 $0x0;
	[tilespmem:s0+$0x190A0] =	vst v14;
	v8 =	vadd.f32 v0, v26;
	v26 =	vld [tilespmem:s0+$0xF0E0];
	v17 =	vmul.f32 v23, v17;
	v15 =	vmul.f32 v18, v15;
	v18 =	vpop (erf)  }
.LBB2_4:
0x19b: {  	s4 =	sshra.s32 s3, $0x2;
	[tilespmem:s0+$0x19000] =	vst v19;
	v23 =	vadd.f32 v19, v1;
	v2 =	vadd.f32 v16, v2;
	v19 =	vmul.f32 v18, v21;
	v21 =	vld [tilespmem:s0+$0xF0F0];
	v1 =	vpop (erf)  }
0x19c: {  	v18 =	vld [tilespmem:s4+$0xF080];
	[tilespmem:s0+$0x19010] =	vst v16;
	v3 =	vadd.f32 v17, v3;
	v5 =	vadd.f32 v15, v5;
	v16 =	vmul.f32 v1, v22;
	v1 =	vpop (erf)  }
0x19d: {  	v22 =	vld [tilespmem:s4+$0xF090];
	[tilespmem:s0+$0x19020] =	vst v17;
	v17 =	vmul.f32 v1, v20;
	v1 =	vadd.f32 v12, v23;
	v2 =	vadd.f32 v13, v2;
	v0 =	vpop (erf)  }
0x19e: {  	v20 =	vld [tilespmem:s4+$0xF0A0];
	[tilespmem:s0+$0x19030] =	vst v15;
	v0 =	vmul.f32 v0, v27;
	v3 =	vadd.f32 v14, v3;
	v5 =	vadd.f32 v11, v5;
	v12 =	vpop (erf)  }
0x19f: {  	v4 =	vadd.f32 v19, v4;
	v6 =	vadd.f32 v16, v6;
	v13 =	vld [tilespmem:s4+$0x5080];
	[tilespmem:s0+$0x19040] =	vst v19;
	v14 =	vmul.f32 v25, v26  }
0x1a0: {  	v7 =	vadd.f32 v17, v7;
	v15 =	vld [tilespmem:s4+$0x5090];
	[tilespmem:s0+$0x19050] =	vst v16;
	v8 =	vadd.f32 v0, v8;
	v12 =	vmul.f32 v12, v21  }
0x1a1: {  	v4 =	vadd.f32 v10, v4;
	v6 =	vadd.f32 v9, v6;
	v16 =	vld [tilespmem:s4+$0x50A0];
	[tilespmem:s0+$0x19060] =	vst v17  }
0x1a2: {  	v7 =	vadd.f32 v14, v7;
	v17 =	vld [tilespmem:s4+$0x50B0];
	[tilespmem:s0+$0x19070] =	vst v0;
	v8 =	vadd.f32 v12, v8  }
0x1a3: {  	v0 =	vld [tilespmem:s4+$0x50C0];
	[tilespmem:s0+$0x190B0] =	vst v11  }
0x1a4: {  	v11 =	vmul.f32 $1.442695020e+00, v13;
	v13 =	vld [tilespmem:s4+$0x50D0];
	[tilespmem:s0+$0x190C0] =	vst v10  }
0x1a5: {  	v10 =	vmul.f32 $1.442695020e+00, v15;
	v15 =	vld [tilespmem:s4+$0x50E0];
	[tilespmem:s0+$0x190D0] =	vst v9  }
0x1a6: {  	v9 =	vld [tilespmem:s4+$0x5000];
	v16 =	vmul.f32 $1.442695020e+00, v16;
	(erf) = vpow2.f32 v11;
	[tilespmem:s0+$0x190E0] =	vst v14  }
0x1a7: {  	v11 =	vld [tilespmem:s4+$0x5010];
	v14 =	vmul.f32 $1.442695020e+00, v17;
	(erf) = vpow2.f32 v10;
	[tilespmem:s0+$0x190F0] =	vst v12;
	s0 =	smov.u32 s4  }
0x1a8: {  	v10 =	vld [tilespmem:s0+$0x5020];
	v0 =	vmul.f32 $1.442695020e+00, v0;
	(erf) = vpow2.f32 v16  }
0x1a9: {  	v12 =	vld [tilespmem:s0+$0x5030];
	v13 =	vmul.f32 $1.442695020e+00, v13;
	(erf) = vpow2.f32 v14  }
0x1aa: {  	v14 =	vld [tilespmem:s0+$0x5040];
	v15 =	vmul.f32 $1.442695020e+00, v15;
	(erf) = vpow2.f32 v0  }
0x1ab: {  	v0 =	vmul.f32 $1.442695020e+00, v9;
	v9 =	vld [tilespmem:s0+$0x5050];
	(erf) = vpow2.f32 v13  }
0x1ac: {  	s1 =	sadd.s32 $0x2, s1;
	v11 =	vmul.f32 $1.442695020e+00, v11;
	v13 =	vld [tilespmem:s0+$0x5060];
	(erf) = vpow2.f32 v15  }
0x1ad: {  	p0 =	slt.u32 s1, $0x9E;
	v17 =	vmul.f32 $1.442695020e+00, v10;
	v15 =	vld [tilespmem:s0+$0x5070];
	(erf) = vpow2.f32 v0  }
0x1ae: {  	v19 =	vmul.f32 $1.442695020e+00, v12;
	v12 =	vld [tilespmem:s0+$0x50F0];
	(erf) = vpow2.f32 v11  }
0x1af: {  	v14 =	vmul.f32 $1.442695020e+00, v14;
	v16 =	vld [tilespmem:s0+$0xF0B0];
	(erf) = vpow2.f32 v17;
	v10 =	vpop (erf)  }
0x1b0: {  	v21 =	vmul.f32 $1.442695020e+00, v9;
	v17 =	vld [tilespmem:s0+$0xF0C0];
	(erf) = vpow2.f32 v19;
	v0 =	vpop (erf)  }
0x1b1: {  	v13 =	vmul.f32 $1.442695020e+00, v13;
	v19 =	vld [tilespmem:s0+$0xF0D0];
	(erf) = vpow2.f32 v14;
	v11 =	vpop (erf)  }
0x1b2: {  	v23 =	vld [tilespmem:s0+$0xF000];
	v14 =	vmul.f32 $1.442695020e+00, v15;
	(erf) = vpow2.f32 v21;
	v9 =	vpop (erf)  }
0x1b3: {  	v15 =	vld [tilespmem:s0+$0xF010];
	v12 =	vmul.f32 $1.442695020e+00, v12;
	(erf) = vpow2.f32 v13;
	v24 =	vpop (erf)  }
0x1b4: {  	v26 =	vld [tilespmem:s0+$0xF020];
	(erf) = vpow2.f32 v14;
	v27 =	vpop (erf)  }
0x1b5: {  	v28 =	vld [tilespmem:s0+$0xF030];
	v25 =	vpop (erf);
	(erf) = vpow2.f32 v12  }
.Ltmp1:
0x1b6: {  	v13 =	vmul.f32 v0, v22;
	v12 =	vmul.f32 v10, v18;
	v21 =	vld [tilespmem:s0+$0xF040];
	v0 =	vpop (erf);
	(pc) =	sbr.rel @p0 .LBB2_4-.Ltmp1, $4  }
0x1b7: {  	v14 =	vmul.f32 v11, v20;
	v11 =	vmul.f32 v9, v16;
	v22 =	vld [tilespmem:s0+$0xF050];
	v16 =	vpop (erf)  }
0x1b8: {  	v10 =	vmul.f32 v24, v17;
	v9 =	vmul.f32 v27, v19;
	v20 =	vld [tilespmem:s0+$0xF060];
	[tilespmem:s0+$0x19080] =	vst v12;
	v17 =	vpop (erf)  }
0x1b9: {  	v19 =	vmul.f32 v0, v23;
	v16 =	vmul.f32 v16, v15;
	v27 =	vld [tilespmem:s0+$0xF070];
	[tilespmem:s0+$0x19090] =	vst v13;
	v0 =	vpop (erf)  }
0x1ba: {  	s3 =	sadd.s32 $0x400, s3;
	v17 =	vmul.f32 v17, v26;
	v15 =	vmul.f32 v0, v28;
	[tilespmem:s0+$0x190A0] =	vst v14;
	v26 =	vld [tilespmem:s0+$0xF0E0];
	v18 =	vpop (erf)  }
0x1bb: {  	[tilespmem:s0+$0x19000] =	vst v19  }
0x1bc: {  	[tilespmem:s0+$0x19010] =	vst v16  }
0x1bd: {  	[tilespmem:s0+$0x190B0] =	vst v11  }
0x1be: {  	[tilespmem:s0+$0x190C0] =	vst v10  }
0x1bf: {  	[tilespmem:s0+$0x190D0] =	vst v9  }
0x1c0: {  	v21 =	vmul.f32 v18, v21;
	v0 =	vpop (erf);
	v18 =	vld [tilespmem:s0+$0xF0F0];
	[tilespmem:s0+$0x19020] =	vst v17  }
0x1c1: {  	v23 =	vmul.f32 v0, v22;
	v0 =	vpop (erf);
	[tilespmem:s0+$0x19030] =	vst v15  }
0x1c2: {  	v24 =	vmul.f32 v0, v20;
	v0 =	vpop (erf);
	[tilespmem:s0+$0x19040] =	vst v21  }
0x1c3: {  	v22 =	vmul.f32 v0, v27;
	[tilespmem:s0+$0x19050] =	vst v23  }
0x1c4: {  	v0 =	vpop (erf);
	[tilespmem:s0+$0x19060] =	vst v24;
	v20 =	vmul.f32 v25, v26  }
0x1c5: {  	[tilespmem:s0+$0x19070] =	vst v22;
	v18 =	vmul.f32 v0, v18  }
0x1c6: {  	[tilespmem:s0+$0x190E0] =	vst v20  }
0x1c7: {  	s26 =	simm.s32 $0x19000;
	[tilespmem:s0+$0x190F0] =	vst v18  }
0x1c8: {  	[hbm4b:s10+s2] =	stream.linear.scatter [tilespmem:s26], [sflag:$0x6], $0x5000, $0x38;
	[tilespmem:$0x1E400] =	vst v63  }
0x1c9: {  	_ =	swait.ge [sflag:s18], $0x5000  }
0x1ca: {  	[sflag:s18] =	ssyncset.done $0x0  }
0x1cb: {  	[sflag:s18] =	ssyncadd.s32 $0xFFFFB000  }
0x1cc: {  	_ =	swait.ge [sflag:s19], $0x5000  }
0x1cd: {  	[sflag:s19] =	ssyncset.done $0x0  }
0x1ce: {  	[sflag:s19] =	ssyncadd.s32 $0xFFFFB000  }
0x1cf: {  	_ =	swait.ge [sflag:s24], $0x5000  }
0x1d0: {  	[sflag:s24] =	ssyncset.done $0x0  }
0x1d1: {  	s5 =	simm.s32 $0x80;
	[sflag:s24] =	ssyncadd.s32 $0xFFFFB000  }
0x1d2: {  	v0 =	vld [tilespmem:s5+$0xFFFFFF80];
	_ =	sdelay $0x2  }
0x1d3: {  	v50 =	vld [tilespmem:s5+$0x0];
	_ =	sdelay $0x1  }
0x1d4: {  	v0 =	vmul.f32 $1.442695020e+00, v0;
	_ =	sdelay $0x1  }
0x1d5: {  	(erf) = vpow2.f32 v0  }
0x1d6: {  	v25 =	vmul.f32 $1.442695020e+00, v50;
	_ =	sdelay $0x1  }
0x1d7: {  	(erf) = vpow2.f32 v25  }
0x1d8: {  	s6 =	simm.s32 $0xA080  }
0x1d9: {  	v0 =	vld [tilespmem:s6+$0xFFFFFF80];
	_ =	sdelay $0x2  }
0x1da: {  	v51 =	vld [tilespmem:s6+$0x0]  }
0x1db: {  	v52 =	vpop (erf)  }
0x1dc: {  	v26 =	vmul.f32 v52, v0  }
0x1dd: {  	s30 =	simm.s32 $0x14080  }
0x1de: {  	v0 =	vpop (erf);
	[tilespmem:s30+$0xFFFFFF80] =	vst v26  }
0x1df: {  	v25 =	vmul.f32 v0, v51;
	v0 =	vld [tilespmem:s5+$0xFFFFFF90];
	_ =	sdelay $0x4  }
0x1e0: {  	[tilespmem:s30+$0x0] =	vst v25;
	v0 =	vmul.f32 $1.442695020e+00, v0  }
0x1e1: {  	v53 =	vld [tilespmem:s5+$0x10]  }
0x1e2: {  	(erf) = vpow2.f32 v0;
	_ =	sdelay $0x3  }
0x1e3: {  	v27 =	vmul.f32 $1.442695020e+00, v53  }
0x1e4: {  	s3 =	simm.s32 $0x180;
	v54 =	vld [tilespmem:s6+$0xFFFFFF90]  }
0x1e5: {  	v0 =	vld [tilespmem:s3+$0xFFFFFF80];
	(erf) = vpow2.f32 v27;
	_ =	sdelay $0x2  }
0x1e6: {  	v29 =	vld [tilespmem:s3+$0x0];
	v28 =	vpop (erf)  }
0x1e7: {  	v28 =	vmul.f32 v28, v54  }
0x1e8: {  	v30 =	vld [tilespmem:s6+$0x10];
	v0 =	vmul.f32 $1.442695020e+00, v0  }
0x1e9: {  	[tilespmem:s30+$0xFFFFFF90] =	vst v28  }
0x1ea: {  	(erf) = vpow2.f32 v0;
	v0 =	vld [tilespmem:s5+$0xFFFFFFA0]  }
0x1eb: {  	v29 =	vmul.f32 $1.442695020e+00, v29  }
0x1ec: {  	v55 =	vpop (erf)  }
0x1ed: {  	(erf) = vpow2.f32 v29;
	v27 =	vmul.f32 v55, v30  }
0x1ee: {  	s0 =	simm.s32 $0xA180  }
0x1ef: {  	v57 =	vld [tilespmem:s0+$0xFFFFFF80];
	[tilespmem:s30+$0x10] =	vst v27;
	v0 =	vmul.f32 $1.442695020e+00, v0  }
0x1f0: {  	v56 =	vld [tilespmem:s5+$0x20];
	_ =	sdelay $0x1  }
0x1f1: {  	v32 =	vld [tilespmem:s0+$0x0]  }
0x1f2: {  	(erf) = vpow2.f32 v0;
	v0 =	vpop (erf)  }
0x1f3: {  	v31 =	vmul.f32 v0, v57  }
0x1f4: {  	s31 =	simm.s32 $0x14180;
	v29 =	vmul.f32 $1.442695020e+00, v56  }
0x1f5: {  	v0 =	vpop (erf);
	[tilespmem:s31+$0xFFFFFF80] =	vst v31  }
0x1f6: {  	(erf) = vpow2.f32 v29;
	v29 =	vmul.f32 v0, v32;
	v0 =	vld [tilespmem:s3+$0xFFFFFF90];
	_ =	sdelay $0x2  }
0x1f7: {  	v58 =	vld [tilespmem:s6+$0xFFFFFFA0];
	_ =	sdelay $0x1  }
0x1f8: {  	v34 =	vld [tilespmem:s6+$0x20];
	[tilespmem:s31+$0x0] =	vst v29;
	v0 =	vmul.f32 $1.442695020e+00, v0  }
0x1f9: {  	v33 =	vld [tilespmem:s3+$0x10]  }
0x1fa: {  	v59 =	vpop (erf)  }
0x1fb: {  	v32 =	vmul.f32 v59, v58  }
0x1fc: {  	(erf) = vpow2.f32 v0;
	v0 =	vpop (erf)  }
0x1fd: {  	[tilespmem:s30+$0xFFFFFFA0] =	vst v32;
	v30 =	vmul.f32 v0, v34  }
0x1fe: {  	v33 =	vmul.f32 $1.442695020e+00, v33;
	v0 =	vld [tilespmem:s5+$0xFFFFFFB0]  }
0x1ff: {  	[tilespmem:s30+$0x20] =	vst v30  }
0x200: {  	s20 =	simm.s32 $0x280;
	(erf) = vpow2.f32 v33;
	v61 =	vld [tilespmem:s5+$0x30]  }
0x201: {  	v35 =	vld [tilespmem:s20+$0xFFFFFF80];
	_ =	sdelay $0x1  }
0x202: {  	v36 =	vld [tilespmem:s20+$0x0];
	v0 =	vmul.f32 $1.442695020e+00, v0  }
0x203: {  	v60 =	vld [tilespmem:s0+$0xFFFFFF90]  }
0x204: {  	v37 =	vld [tilespmem:s0+$0x10];
	(erf) = vpow2.f32 v0;
	v38 =	vmul.f32 $1.442695020e+00, v61  }
0x205: {  	v35 =	vmul.f32 $1.442695020e+00, v35  }
0x206: {  	(erf) = vpow2.f32 v38  }
0x207: {  	v0 =	vpop (erf);
	(erf) = vpow2.f32 v35  }
0x208: {  	v34 =	vmul.f32 v0, v60;
	v0 =	vpop (erf)  }
0x209: {  	v36 =	vmul.f32 $1.442695020e+00, v36;
	v33 =	vmul.f32 v0, v37;
	v0 =	vld [tilespmem:s6+$0xFFFFFFB0]  }
0x20a: {  	v63 =	vld [tilespmem:s6+$0x30];
	[tilespmem:s31+$0xFFFFFF90] =	vst v34  }
0x20b: {  	s16 =	simm.s32 $0xA280;
	(erf) = vpow2.f32 v36;
	v62 =	vld [tilespmem:s3+$0xFFFFFFA0]  }
0x20c: {  	v39 =	vld [tilespmem:s16+$0xFFFFFF80];
	[tilespmem:s31+$0x10] =	vst v33  }
0x20d: {  	v44 =	vld [tilespmem:s3+$0x20];
	v45 =	vpop (erf)  }
0x20e: {  	v38 =	vmul.f32 v45, v0  }
0x20f: {  	v0 =	vpop (erf)  }
0x210: {  	v40 =	vld [tilespmem:s16+$0x0];
	v35 =	vmul.f32 $1.442695020e+00, v62;
	[tilespmem:s30+$0xFFFFFFB0] =	vst v38;
	v46 =	vpop (erf);
	v37 =	vmul.f32 v0, v63  }
0x211: {  	v0 =	vld [tilespmem:s5+$0xFFFFFFC0];
	v36 =	vmul.f32 v46, v39  }
0x212: {  	s1 =	simm.s32 $0x14280;
	v41 =	vmul.f32 $1.442695020e+00, v44;
	(erf) = vpow2.f32 v35;
	[tilespmem:s30+$0x30] =	vst v37  }
0x213: {  	[tilespmem:s1+$0xFFFFFF80] =	vst v36;
	v49 =	vld [tilespmem:s5+$0x40]  }
0x214: {  	v48 =	vpop (erf);
	(erf) = vpow2.f32 v41;
	v50 =	vld [tilespmem:s20+$0xFFFFFF90]  }
0x215: {  	v35 =	vmul.f32 v48, v40  }
0x216: {  	v0 =	vmul.f32 $1.442695020e+00, v0  }
0x217: {  	v47 =	vld [tilespmem:s0+$0xFFFFFFA0];
	[tilespmem:s1+$0x0] =	vst v35  }
0x218: {  	v42 =	vld [tilespmem:s20+$0x10];
	(erf) = vpow2.f32 v0;
	v40 =	vmul.f32 $1.442695020e+00, v49  }
0x219: {  	v43 =	vld [tilespmem:s0+$0x20];
	v41 =	vmul.f32 $1.442695020e+00, v50  }
0x21a: {  	(erf) = vpow2.f32 v40  }
0x21b: {  	v0 =	vpop (erf);
	(erf) = vpow2.f32 v41  }
0x21c: {  	v39 =	vmul.f32 v0, v47  }
0x21d: {  	v54 =	vld [tilespmem:s6+$0xFFFFFFC0];
	v51 =	vpop (erf);
	v52 =	vmul.f32 $1.442695020e+00, v42  }
0x21e: {  	v0 =	vld [tilespmem:s6+$0x40];
	v40 =	vmul.f32 v51, v43;
	[tilespmem:s31+$0xFFFFFFA0] =	vst v39  }
0x21f: {  	(erf) = vpow2.f32 v52;
	v53 =	vld [tilespmem:s3+$0xFFFFFFB0]  }
0x220: {  	v44 =	vld [tilespmem:s16+$0xFFFFFF90];
	[tilespmem:s31+$0x20] =	vst v40  }
0x221: {  	s15 =	simm.s32 $0x380;
	v55 =	vld [tilespmem:s3+$0x30];
	v46 =	vpop (erf)  }
0x222: {  	v45 =	vld [tilespmem:s15+$0xFFFFFF80];
	v42 =	vmul.f32 v46, v54  }
0x223: {  	v56 =	vld [tilespmem:s15+$0x0];
	v57 =	vpop (erf)  }
0x224: {  	v48 =	vld [tilespmem:s16+$0x10];
	v47 =	vmul.f32 $1.442695020e+00, v53;
	[tilespmem:s30+$0xFFFFFFC0] =	vst v42;
	v58 =	vpop (erf);
	v41 =	vmul.f32 v57, v0  }
0x225: {  	v0 =	vld [tilespmem:s5+$0xFFFFFFD0];
	v43 =	vmul.f32 v58, v44  }
0x226: {  	v49 =	vmul.f32 $1.442695020e+00, v55;
	(erf) = vpow2.f32 v47;
	[tilespmem:s30+$0x40] =	vst v41  }
0x227: {  	v45 =	vmul.f32 $1.442695020e+00, v45;
	[tilespmem:s1+$0xFFFFFF90] =	vst v43;
	v61 =	vld [tilespmem:s5+$0x50]  }
0x228: {  	v46 =	vmul.f32 $1.442695020e+00, v56;
	(erf) = vpow2.f32 v49;
	v60 =	vpop (erf);
	v62 =	vld [tilespmem:s20+$0xFFFFFFA0]  }
0x229: {  	(erf) = vpow2.f32 v45;
	v44 =	vmul.f32 v60, v48  }
0x22a: {  	v0 =	vmul.f32 $1.442695020e+00, v0  }
0x22b: {  	v59 =	vld [tilespmem:s0+$0xFFFFFFB0];
	(erf) = vpow2.f32 v46;
	[tilespmem:s1+$0x10] =	vst v44  }
0x22c: {  	v50 =	vld [tilespmem:s20+$0x20];
	(erf) = vpow2.f32 v0  }
0x22d: {  	s17 =	simm.s32 $0xA380;
	v63 =	vld [tilespmem:s0+$0x30];
	v45 =	vmul.f32 $1.442695020e+00, v61;
	v0 =	vmul.f32 $1.442695020e+00, v62  }
0x22e: {  	v51 =	vld [tilespmem:s17+$0xFFFFFF80]  }
0x22f: {  	v56 =	vpop (erf);
	(erf) = vpow2.f32 v45  }
0x230: {  	v57 =	vld [tilespmem:s17+$0x0];
	v46 =	vmul.f32 v56, v59;
	(erf) = vpow2.f32 v0  }
0x231: {  	v52 =	vld [tilespmem:s6+$0xFFFFFFD0];
	v50 =	vmul.f32 $1.442695020e+00, v50;
	v0 =	vpop (erf)  }
0x232: {  	v54 =	vld [tilespmem:s16+$0xFFFFFFA0];
	[tilespmem:s31+$0xFFFFFFB0] =	vst v46;
	v58 =	vpop (erf);
	v47 =	vmul.f32 v0, v63  }
0x233: {  	v53 =	vld [tilespmem:s3+$0xFFFFFFC0];
	(erf) = vpow2.f32 v50;
	v48 =	vmul.f32 v58, v51  }
0x234: {  	s23 =	simm.s32 $0x14380;
	v0 =	vld [tilespmem:s6+$0x50];
	[tilespmem:s31+$0x30] =	vst v47  }
0x235: {  	v59 =	vpop (erf);
	[tilespmem:s23+$0xFFFFFF80] =	vst v48;
	v60 =	vld [tilespmem:s3+$0x40]  }
0x236: {  	v45 =	vmul.f32 v59, v57;
	v55 =	vld [tilespmem:s15+$0xFFFFFF90]  }
0x237: {  	v61 =	vpop (erf)  }
0x238: {  	v57 =	vld [tilespmem:s16+$0x20];
	v51 =	vmul.f32 v61, v52;
	[tilespmem:s23+$0x0] =	vst v45;
	v62 =	vpop (erf)  }
0x239: {  	v53 =	vmul.f32 $1.442695020e+00, v53;
	v56 =	vld [tilespmem:s15+$0x10];
	v63 =	vpop (erf);
	v49 =	vmul.f32 v62, v0  }
0x23a: {  	[tilespmem:s30+$0xFFFFFFD0] =	vst v51;
	v58 =	vmul.f32 $1.442695020e+00, v60;
	v60 =	vmul.f32 v63, v54  }
0x23b: {  	v1 =	vadd.f32 v19, v1;
	(erf) = vpow2.f32 v53;
	v61 =	vld [tilespmem:s5+$0xFFFFFFE0];
	[tilespmem:s30+$0x50] =	vst v49;
	v55 =	vmul.f32 $1.442695020e+00, v55  }
0x23c: {  	v3 =	vadd.f32 v17, v3;
	v5 =	vadd.f32 v15, v5;
	v15 =	vpop (erf);
	v17 =	vld [tilespmem:s5+$0x60];
	(erf) = vpow2.f32 v58;
	[tilespmem:s1+$0xFFFFFFA0] =	vst v60  }
0x23d: {  	v15 =	vmul.f32 v15, v57;
	(erf) = vpow2.f32 v55;
	v19 =	vld [tilespmem:s20+$0xFFFFFFB0]  }
0x23e: {  	v1 =	vadd.f32 v12, v1;
	v12 =	vmul.f32 $1.442695020e+00, v56  }
0x23f: {  	v2 =	vadd.f32 v16, v2;
	v4 =	vadd.f32 v21, v4;
	v16 =	vld [tilespmem:s0+$0xFFFFFFC0];
	[tilespmem:s1+$0x20] =	vst v15  }
0x240: {  	s4 =	simm.s32 $0x480;
	v3 =	vadd.f32 v14, v3;
	(erf) = vpow2.f32 v12;
	v12 =	vmul.f32 $1.442695020e+00, v61;
	v14 =	vld [tilespmem:s20+$0x30]  }
0x241: {  	v4 =	vadd.f32 v10, v4;
	v10 =	vld [tilespmem:s4+$0x0]  }
0x242: {  	v5 =	vadd.f32 v11, v5;
	v11 =	vld [tilespmem:s17+$0xFFFFFF90];
	v17 =	vmul.f32 $1.442695020e+00, v17;
	v19 =	vmul.f32 $1.442695020e+00, v19  }
0x243: {  	v6 =	vadd.f32 v23, v6;
	v0 =	vld [tilespmem:s0+$0x40];
	(erf) = vpow2.f32 v12  }
0x244: {  	v62 =	vld [tilespmem:s4+$0xFFFFFF80];
	v12 =	vpop (erf);
	(erf) = vpow2.f32 v17  }
0x245: {  	v6 =	vadd.f32 v9, v6;
	s26 =	simm.s32 $0xA480;
	v17 =	vld [tilespmem:s17+$0x10];
	v12 =	vmul.f32 v12, v16;
	v14 =	vmul.f32 $1.442695020e+00, v14;
	v9 =	vpop (erf)  }
0x246: {  	v7 =	vadd.f32 v24, v7;
	v5 =	vadd.f32 v38, v5;
	v38 =	vld [tilespmem:s26+$0xFFFFFF80];
	(erf) = vpow2.f32 v19;
	v19 =	vpop (erf)  }
0x247: {  	v1 =	vadd.f32 v26, v1;
	v50 =	vld [tilespmem:s26+$0x0];
	[tilespmem:s31+$0xFFFFFFC0] =	vst v12;
	v11 =	vmul.f32 v19, v11  }
0x248: {  	v2 =	vadd.f32 v13, v2;
	v7 =	vadd.f32 v20, v7;
	v0 =	vmul.f32 v9, v0;
	v20 =	vld [tilespmem:s3+$0xFFFFFFD0]  }
0x249: {  	v8 =	vadd.f32 v22, v8;
	v1 =	vadd.f32 v25, v1;
	v16 =	vld [tilespmem:s6+$0xFFFFFFE0];
	(erf) = vpow2.f32 v14;
	v14 =	vpop (erf);
	[tilespmem:s23+$0xFFFFFF90] =	vst v11  }
0x24a: {  	v2 =	vadd.f32 v28, v2;
	v21 =	vmul.f32 $1.442695020e+00, v62;
	[tilespmem:s31+$0x40] =	vst v0;
	v14 =	vmul.f32 v14, v17;
	v17 =	vld [tilespmem:s15+$0xFFFFFFA0]  }
0x24b: {  	v10 =	vmul.f32 $1.442695020e+00, v10;
	v1 =	vadd.f32 v31, v1;
	v9 =	vadd.f32 v18, v8;
	v18 =	vld [tilespmem:s3+$0x50]  }
0x24c: {  	v2 =	vadd.f32 v27, v2;
	v3 =	vadd.f32 v32, v3;
	v13 =	vld [tilespmem:s6+$0x60];
	(erf) = vpow2.f32 v21  }
0x24d: {  	v1 =	vadd.f32 v29, v1;
	v8 =	vld [tilespmem:s16+$0xFFFFFFB0];
	v20 =	vmul.f32 $1.442695020e+00, v20  }
0x24e: {  	v3 =	vadd.f32 v30, v3;
	v2 =	vadd.f32 v34, v2;
	v63 =	vld [tilespmem:s0+$0xFFFFFFD0];
	(erf) = vpow2.f32 v10;
	v19 =	vpop (erf)  }
0x24f: {  	v1 =	vadd.f32 v36, v1;
	v16 =	vmul.f32 v19, v16;
	v19 =	vld [tilespmem:s16+$0x30];
	[tilespmem:s23+$0x10] =	vst v14;
	v17 =	vmul.f32 $1.442695020e+00, v17  }
0x250: {  	v2 =	vadd.f32 v33, v2;
	v5 =	vadd.f32 v37, v5;
	v37 =	vpop (erf);
	v34 =	vld [tilespmem:s15+$0x20];
	v18 =	vmul.f32 $1.442695020e+00, v18  }
0x251: {  	v1 =	vadd.f32 v35, v1;
	v3 =	vadd.f32 v39, v3;
	v10 =	vld [tilespmem:s0+$0x50];
	[tilespmem:s30+$0xFFFFFFE0] =	vst v16;
	(erf) = vpow2.f32 v20;
	v20 =	vpop (erf)  }
0x252: {  	v4 =	vadd.f32 v42, v4;
	v20 =	vmul.f32 v20, v8;
	v8 =	vld [tilespmem:s5+$0xFFFFFFF0];
	(erf) = vpow2.f32 v18  }
0x253: {  	v2 =	vadd.f32 v43, v2;
	v42 =	vld [tilespmem:s17+$0xFFFFFFA0];
	v13 =	vmul.f32 v37, v13;
	(erf) = vpow2.f32 v17;
	v17 =	vpop (erf)  }
0x254: {  	v3 =	vadd.f32 v40, v3;
	v1 =	vadd.f32 v48, v1;
	v61 =	vld [tilespmem:s17+$0x20];
	[tilespmem:s1+$0xFFFFFFB0] =	vst v20;
	v17 =	vmul.f32 v17, v19  }
0x255: {  	v4 =	vadd.f32 v41, v4;
	v2 =	vadd.f32 v44, v2;
	[tilespmem:s30+$0x60] =	vst v13;
	v21 =	vmul.f32 $1.442695020e+00, v34;
	v53 =	vld [tilespmem:s20+$0xFFFFFFC0];
	v43 =	vpop (erf)  }
0x256: {  	v5 =	vadd.f32 v46, v5;
	v59 =	vadd.f32 v45, v1;
	v54 =	vld [tilespmem:s5+$0x70];
	v24 =	vmul.f32 v43, v38;
	[tilespmem:s1+$0x30] =	vst v17  }
0x257: {  	v1 =	vadd.f32 v12, v4;
	s5 =	simm.s32 $0x14480;
	(erf) = vpow2.f32 v21;
	v19 =	vpop (erf);
	v55 =	vmul.f32 $1.442695020e+00, v8;
	v57 =	vld [tilespmem:s20+$0x40]  }
0x258: {  	v5 =	vadd.f32 v47, v5;
	v3 =	vadd.f32 v60, v3;
	v18 =	vld [tilespmem:s6+$0xFFFFFFF0];
	v56 =	vmul.f32 v19, v50;
	[tilespmem:s5+$0xFFFFFF80] =	vst v24  }
0x259: {  	v1 =	vadd.f32 v0, v1;
	v0 =	vadd.f32 v11, v2;
	(erf) = vpow2.f32 v55;
	v58 =	vld [tilespmem:s4+$0xFFFFFF90]  }
0x25a: {  	v15 =	vadd.f32 v15, v3;
	v8 =	vld [tilespmem:s6+$0x70];
	v12 =	vpop (erf);
	[tilespmem:s5+$0x0] =	vst v56;
	v4 =	vmul.f32 $1.442695020e+00, v53  }
0x25b: {  	v3 =	vadd.f32 v14, v0;
	v5 =	vadd.f32 v20, v5;
	s6 =	simm.s32 $0xA580;
	v12 =	vmul.f32 v12, v63;
	v60 =	vld [tilespmem:s4+$0x10];
	v2 =	vpop (erf)  }
0x25c: {  	v19 =	vld [tilespmem:s6+$0x0];
	(erf) = vpow2.f32 v4;
	v4 =	vadd.f32 v16, v7;
	v7 =	vpop (erf);
	v0 =	vmul.f32 $1.442695020e+00, v57  }
0x25d: {  	v6 =	vadd.f32 v51, v6;
	v11 =	vld [tilespmem:s16+$0x40];
	[tilespmem:s31+$0xFFFFFFD0] =	vst v12;
	v16 =	vmul.f32 v2, v10;
	v7 =	vmul.f32 v7, v42  }
0x25e: {  	v14 =	vld [tilespmem:s3+$0xFFFFFFE0];
	v2 =	vadd.f32 v13, v4;
	v4 =	vadd.f32 v17, v5;
	v5 =	vmul.f32 $1.442695020e+00, v58  }
0x25f: {  	v10 =	vld [tilespmem:s16+$0xFFFFFFC0];
	[tilespmem:s31+$0x50] =	vst v16;
	v17 =	vmul.f32 $1.442695020e+00, v54;
	(erf) = vpow2.f32 v0  }
0x260: {  	v6 =	vadd.f32 v49, v6;
	[tilespmem:s23+$0xFFFFFFA0] =	vst v7;
	v62 =	vld [tilespmem:s3+$0x60];
	(erf) = vpow2.f32 v5;
	v5 =	vmul.f32 $1.442695020e+00, v60;
	v0 =	vpop (erf)  }
0x261: {  	v20 =	vadd.f32 v24, v59;
	v13 =	vld [tilespmem:s15+$0xFFFFFFB0];
	(erf) = vpow2.f32 v17;
	v0 =	vmul.f32 v0, v61  }
0x262: {  	s7 =	simm.s32 $0x580;
	v6 =	vadd.f32 v12, v6;
	v12 =	vld [tilespmem:s26+$0xFFFFFF90];
	v15 =	vadd.f32 v7, v15;
	v63 =	vpop (erf);
	(erf) = vpow2.f32 v5  }
0x263: {  	v7 =	vadd.f32 v56, v20;
	v20 =	vmul.f32 $1.442695020e+00, v14;
	v14 =	vld [tilespmem:s7+$0xFFFFFF80];
	v22 =	vmul.f32 v63, v18;
	[tilespmem:s23+$0x20] =	vst v0  }
0x264: {  	v6 =	vadd.f32 v16, v6;
	v5 =	vadd.f32 v0, v15;
	v15 =	vld [tilespmem:s15+$0x30]  }
0x265: {  	s8 =	simm.s32 $0xA;
	v17 =	vld [tilespmem:s0+$0x60];
	v18 =	vmul.f32 $1.442695020e+00, v62;
	(erf) = vpow2.f32 v20;
	v16 =	vpop (erf);
	[tilespmem:s30+$0xFFFFFFF0] =	vst v22;
	v9 =	vadd.f32 v22, v9  }
.LBB2_6:
0x266: {  	s8 =	sadd.s32 $0x2, s8;
	v21 =	vmul.f32 $1.442695020e+00, v13;
	v10 =	vmul.f32 v16, v10;
	v13 =	vld [tilespmem:s0+$0xFFFFFFE0]  }
0x267: {  	p0 =	slt.u32 s8, $0x9E;
	v16 =	vld [tilespmem:s7+$0x0];
	(erf) = vpow2.f32 v18  }
0x268: {  	v18 =	vld [tilespmem:s26+$0x10];
	(erf) = vpow2.f32 v21;
	[tilespmem:s1+$0xFFFFFFC0] =	vst v10;
	v0 =	vpop (erf)  }
0x269: {  	v1 =	vadd.f32 v10, v1;
	v20 =	vpop (erf);
	v15 =	vmul.f32 $1.442695020e+00, v15;
	v10 =	vld [tilespmem:s20+$0xFFFFFFD0];
	v0 =	vmul.f32 v0, v11  }
0x26a: {  	v11 =	vmul.f32 $1.442695020e+00, v14;
	v12 =	vmul.f32 v20, v12;
	v14 =	vld [tilespmem:s16+$0xFFFFFFD0];
	v20 =	vpop (erf)  }
0x26b: {  	v21 =	vpop (erf);
	v22 =	vld [tilespmem:s17+$0xFFFFFFB0];
	(erf) = vpow2.f32 v15;
	[tilespmem:s1+$0x40] =	vst v0;
	v1 =	vadd.f32 v0, v1;
	v0 =	vmul.f32 v20, v8  }
0x26c: {  	v16 =	vmul.f32 $1.442695020e+00, v16;
	(erf) = vpow2.f32 v11;
	[tilespmem:s5+$0xFFFFFF90] =	vst v12;
	v11 =	vld [tilespmem:s20+$0x50]  }
0x26d: {  	v3 =	vadd.f32 v12, v3;
	v12 =	vld [tilespmem:s4+$0xFFFFFFA0];
	v15 =	vmul.f32 v21, v18;
	[tilespmem:s30+$0x70] =	vst v0;
	v9 =	vadd.f32 v0, v9;
	s30 =	smov.u32 s31;
	s31 =	smov.u32 s1;
	s1 =	smov.u32 s23  }
0x26e: {  	s23 =	smov.u32 s5;
	(erf) = vpow2.f32 v16;
	v0 =	vld [tilespmem:s16+$0x50];
	v8 =	vpop (erf)  }
0x26f: {  	v10 =	vmul.f32 $1.442695020e+00, v10;
	[tilespmem:s5+$0x10] =	vst v15;
	v3 =	vadd.f32 v15, v3;
	v15 =	vld [tilespmem:s17+$0x30];
	v8 =	vmul.f32 v8, v13  }
0x270: {  	v13 =	vld [tilespmem:s4+$0x20];
	v16 =	vpop (erf)  }
0x271: {  	v18 =	vld [tilespmem:s6+$0xFFFFFF80];
	v20 =	vpop (erf);
	v11 =	vmul.f32 $1.442695020e+00, v11;
	(erf) = vpow2.f32 v10;
	[tilespmem:s30+$0xFFFFFFE0] =	vst v8  }
0x272: {  	v23 =	vmul.f32 $1.442695020e+00, v12;
	v12 =	vmul.f32 v20, v22;
	v20 =	vld [tilespmem:s3+$0xFFFFFFF0]  }
0x273: {  	v2 =	vadd.f32 v8, v2;
	v8 =	vmul.f32 v16, v17;
	(erf) = vpow2.f32 v11;
	v21 =	vld [tilespmem:s0+$0xFFFFFFF0]  }
0x274: {  	v16 =	vld [tilespmem:s26+$0xFFFFFFA0];
	(erf) = vpow2.f32 v23;
	[tilespmem:s1+$0xFFFFFFB0] =	vst v12;
	v4 =	vadd.f32 v12, v4;
	v10 =	vpop (erf)  }
0x275: {  	v2 =	vadd.f32 v8, v2;
	v11 =	vpop (erf);
	v12 =	vmul.f32 $1.442695020e+00, v13;
	v13 =	vld [tilespmem:s15+$0xFFFFFFC0];
	v10 =	vmul.f32 v10, v15;
	[tilespmem:s30+$0x60] =	vst v8  }
0x276: {  	v11 =	vmul.f32 v11, v18;
	v15 =	vld [tilespmem:s3+$0x70];
	s3 =	smov.u32 s20;
	s20 =	smov.u32 s15;
	s15 =	smov.u32 s4  }
0x277: {  	s5 =	sadd.s32 $0x100, s5;
	v17 =	vpop (erf);
	(erf) = vpow2.f32 v12;
	[tilespmem:s1+$0x30] =	vst v10;
	v4 =	vadd.f32 v10, v4;
	v10 =	vmul.f32 $1.442695020e+00, v20;
	v8 =	vld [tilespmem:s0+$0x70];
	s0 =	smov.u32 s16;
	s16 =	smov.u32 s17  }
0x278: {  	s4 =	smov.u32 s7;
	s17 =	smov.u32 s26;
	s26 =	smov.u32 s6;
	[tilespmem:s5+$0xFFFFFF80] =	vst v11;
	v7 =	vadd.f32 v11, v7;
	v18 =	vmul.f32 v17, v19;
	v12 =	vld [tilespmem:s20+$0x40]  }
0x279: {  	s6 =	sadd.s32 $0x100, s6;
	v17 =	vld [tilespmem:s7+$0xFFFFFF90];
	(erf) = vpow2.f32 v10  }
0x27a: {  	v19 =	vld [tilespmem:s6+$0x0];
	[tilespmem:s5+$0x0] =	vst v18;
	v7 =	vadd.f32 v18, v7;
	v22 =	vmul.f32 $1.442695020e+00, v13;
	v11 =	vpop (erf)  }
0x27b: {  	v13 =	vld [tilespmem:s7+$0x10];
	v14 =	vmul.f32 v11, v14;
	v15 =	vmul.f32 $1.442695020e+00, v15  }
0x27c: {  	v18 =	vld [tilespmem:s17+$0x20];
	(erf) = vpow2.f32 v22;
	v10 =	vpop (erf)  }
0x27d: {  	v20 =	vpop (erf);
	v22 =	vmul.f32 $1.442695020e+00, v12;
	v11 =	vld [tilespmem:s16+$0x40];
	[tilespmem:s31+$0xFFFFFFD0] =	vst v14;
	v6 =	vadd.f32 v14, v6;
	v0 =	vmul.f32 v10, v0  }
0x27e: {  	v14 =	vmul.f32 $1.442695020e+00, v17;
	v16 =	vmul.f32 v20, v16;
	v20 =	vld [tilespmem:s3+$0xFFFFFFE0]  }
0x27f: {  	v10 =	vld [tilespmem:s16+$0xFFFFFFC0];
	(erf) = vpow2.f32 v22;
	[tilespmem:s31+$0x50] =	vst v0;
	v6 =	vadd.f32 v0, v6  }
0x280: {  	v23 =	vmul.f32 $1.442695020e+00, v13;
	(erf) = vpow2.f32 v14;
	[tilespmem:s23+$0xFFFFFFA0] =	vst v16;
	v12 =	vpop (erf);
	v22 =	vld [tilespmem:s3+$0x60]  }
.Ltmp2:
0x281: {  	v5 =	vadd.f32 v16, v5;
	v13 =	vld [tilespmem:s15+$0xFFFFFFB0];
	v14 =	vmul.f32 v12, v18;
	(erf) = vpow2.f32 v15;
	(pc) =	sbr.rel @p0 .LBB2_6-.Ltmp2, $4  }
0x282: {  	(erf) = vpow2.f32 v23;
	v17 =	vld [tilespmem:s0+$0x60];
	v0 =	vpop (erf)  }
0x283: {  	v12 =	vld [tilespmem:s26+$0xFFFFFF90];
	[tilespmem:s23+$0x20] =	vst v14;
	v5 =	vadd.f32 v14, v5;
	v20 =	vmul.f32 $1.442695020e+00, v20;
	v0 =	vmul.f32 v0, v21  }
0x284: {  	s7 =	sadd.s32 $0x100, s7;
	v15 =	vld [tilespmem:s15+$0x30]  }
0x285: {  	v14 =	vld [tilespmem:s7+$0xFFFFFF80];
	v16 =	vpop (erf);
	v18 =	vmul.f32 $1.442695020e+00, v22;
	(erf) = vpow2.f32 v20;
	[tilespmem:s30+$0xFFFFFFF0] =	vst v0;
	v9 =	vadd.f32 v0, v9  }
0x286: {  	_ =	sdelay $0x2  }
0x287: {  	v13 =	vmul.f32 $1.442695020e+00, v13;
	v15 =	vmul.f32 $1.442695020e+00, v15  }
0x288: {  	v0 =	vld [tilespmem:s7+$0x0];
	v10 =	vmul.f32 v16, v10;
	(erf) = vpow2.f32 v18  }
0x289: {  	(erf) = vpow2.f32 v13;
	v13 =	vmul.f32 $1.442695020e+00, v14  }
0x28a: {  	[tilespmem:$0x1FF80] =	vst v10;
	(erf) = vpow2.f32 v15  }
0x28b: {  	(erf) = vpow2.f32 v13;
	v13 =	vld [tilespmem:s26+$0x10];
	v15 =	vpop (erf)  }
0x28c: {  	[tilespmem:s1+$0xFFFFFFC0] =	vst v10;
	v10 =	vmul.f32 v15, v11  }
0x28d: {  	v14 =	vld [tilespmem:s0+$0xFFFFFFE0];
	v0 =	vmul.f32 $1.442695020e+00, v0;
	v16 =	vpop (erf)  }
0x28e: {  	v18 =	vld [tilespmem:s20+$0xFFFFFFD0];
	v20 =	vpop (erf);
	[tilespmem:$0x1FF90] =	vst v10  }
0x28f: {  	(erf) = vpow2.f32 v0;
	v15 =	vpop (erf);
	v0 =	vld [tilespmem:s17+$0xFFFFFFB0]  }
0x290: {  	v21 =	vld [tilespmem:s17+$0x30];
	[tilespmem:s1+$0x40] =	vst v10;
	v10 =	vmul.f32 v15, v13  }
0x291: {  	v12 =	vmul.f32 v16, v12;
	v16 =	vpop (erf);
	v22 =	vld [tilespmem:s6+$0xFFFFFF80]  }
0x292: {  	v23 =	vld [tilespmem:s20+$0x50];
	v24 =	vpop (erf);
	v11 =	vmul.f32 v16, v14;
	[tilespmem:$0x1FFA0] =	vst v10  }
0x293: {  	v14 =	vpop (erf);
	[tilespmem:s5+$0xFFFFFF90] =	vst v12  }
0x294: {  	[tilespmem:$0x1FFB0] =	vst v11;
	v13 =	vmul.f32 v14, v0  }
0x295: {  	[tilespmem:s5+$0x10] =	vst v10;
	v0 =	vpop (erf)  }
0x296: {  	v25 =	vld [tilespmem:s4+$0xFFFFFFA0];
	v10 =	vmul.f32 v0, v21;
	[tilespmem:$0x1FFC0] =	vst v13  }
0x297: {  	[tilespmem:s31+$0xFFFFFFE0] =	vst v11  }
0x298: {  	v26 =	vld [tilespmem:s4+$0x20];
	v11 =	vmul.f32 v24, v17;
	[tilespmem:$0x1FFE0] =	vst v10  }
0x299: {  	v27 =	vpop (erf);
	[tilespmem:s23+$0xFFFFFFB0] =	vst v13  }
0x29a: {  	v0 =	vmul.f32 $1.442695020e+00, v18;
	v18 =	vmul.f32 v27, v22;
	v21 =	vld [tilespmem:s3+$0xFFFFFFF0];
	[tilespmem:$0x1FFD0] =	vst v11  }
0x29b: {  	s8 =	sadd.s32 $0x100, s5;
	v22 =	vmul.f32 $1.442695020e+00, v23;
	v23 =	vld [tilespmem:s15+$0xFFFFFFC0];
	[tilespmem:s23+$0x30] =	vst v10  }
0x29c: {  	v24 =	vpop (erf);
	(erf) = vpow2.f32 v0;
	[tilespmem:s8+$0xFFFFFF80] =	vst v18;
	v0 =	vld [tilespmem:s15+$0x40]  }
0x29d: {  	v19 =	vmul.f32 v24, v19;
	v24 =	vmul.f32 $1.442695020e+00, v25;
	v25 =	vld [tilespmem:s7+$0xFFFFFF90]  }
0x29e: {  	(erf) = vpow2.f32 v22;
	[tilespmem:s31+$0x60] =	vst v11;
	v22 =	vmul.f32 $1.442695020e+00, v26  }
0x29f: {  	[tilespmem:s8+$0x0] =	vst v19;
	(erf) = vpow2.f32 v24;
	v27 =	vld [tilespmem:s3+$0x70];
	v21 =	vmul.f32 $1.442695020e+00, v21  }
0x2a0: {  	v24 =	vld [tilespmem:s7+$0x10];
	(erf) = vpow2.f32 v22  }
0x2a1: {  	v22 =	vmul.f32 $1.442695020e+00, v23;
	(erf) = vpow2.f32 v21  }
0x2a2: {  	v23 =	vld [tilespmem:s16+$0xFFFFFFD0];
	v0 =	vmul.f32 $1.442695020e+00, v0;
	v21 =	vmul.f32 $1.442695020e+00, v25  }
0x2a3: {  	(erf) = vpow2.f32 v22  }
0x2a4: {  	v22 =	vmul.f32 $1.442695020e+00, v27;
	(erf) = vpow2.f32 v0  }
0x2a5: {  	v24 =	vmul.f32 $1.442695020e+00, v24;
	v0 =	vld [tilespmem:s16+$0x50];
	(erf) = vpow2.f32 v21  }
0x2a6: {  	v25 =	vld [tilespmem:s26+$0xFFFFFFA0];
	v21 =	vpop (erf);
	(erf) = vpow2.f32 v22  }
0x2a7: {  	v21 =	vmul.f32 v21, v23;
	v23 =	vld [tilespmem:s26+$0x20];
	(erf) = vpow2.f32 v24  }
0x2a8: {  	v26 =	vld [tilespmem:s17+$0xFFFFFFC0];
	v22 =	vpop (erf)  }
0x2a9: {  	v29 =	vld [tilespmem:s6+$0xFFFFFF90];
	v24 =	vpop (erf)  }
0x2aa: {  	v27 =	vld [tilespmem:s17+$0x40];
	[tilespmem:s1+$0xFFFFFFD0] =	vst v21;
	v22 =	vmul.f32 v22, v0;
	v28 =	vpop (erf)  }
0x2ab: {  	v0 =	vld [tilespmem:s20+$0xFFFFFFE0];
	v49 =	vpop (erf)  }
0x2ac: {  	v24 =	vmul.f32 v24, v25;
	[tilespmem:s1+$0x50] =	vst v22;
	v23 =	vmul.f32 v28, v23;
	v25 =	vpop (erf);
	v28 =	vld [tilespmem:s6+$0x10]  }
0x2ad: {  	v30 =	vld [tilespmem:s20+$0x60];
	v31 =	vpop (erf)  }
0x2ae: {  	[tilespmem:s5+$0xFFFFFFA0] =	vst v24;
	v26 =	vmul.f32 v25, v26;
	v33 =	vpop (erf)  }
0x2af: {  	v32 =	vld [tilespmem:s4+$0xFFFFFFB0];
	[tilespmem:s5+$0x20] =	vst v23;
	v25 =	vmul.f32 v31, v27;
	v54 =	vpop (erf)  }
0x2b0: {  	v34 =	vld [tilespmem:s4+$0x30];
	[tilespmem:s23+$0xFFFFFFC0] =	vst v26;
	v27 =	vmul.f32 v33, v29;
	v29 =	vpop (erf)  }
0x2b1: {  	v31 =	vld [tilespmem:s15+$0xFFFFFFD0];
	[tilespmem:s23+$0x40] =	vst v25;
	v28 =	vmul.f32 v29, v28  }
0x2b2: {  	v0 =	vmul.f32 $1.442695020e+00, v0;
	v29 =	vmul.f32 $1.442695020e+00, v30;
	[tilespmem:s8+$0xFFFFFF90] =	vst v27;
	v30 =	vld [tilespmem:s15+$0x50]  }
0x2b3: {  	v51 =	vld [tilespmem:s7+$0xFFFFFFA0];
	[tilespmem:s8+$0x10] =	vst v28  }
0x2b4: {  	(erf) = vpow2.f32 v0;
	v0 =	vmul.f32 $1.442695020e+00, v32;
	v52 =	vld [tilespmem:s7+$0x20]  }
0x2b5: {  	(erf) = vpow2.f32 v29;
	v29 =	vmul.f32 $1.442695020e+00, v34  }
0x2b6: {  	(erf) = vpow2.f32 v0;
	v0 =	vmul.f32 $1.442695020e+00, v31  }
0x2b7: {  	(erf) = vpow2.f32 v29;
	v29 =	vmul.f32 $1.442695020e+00, v30  }
0x2b8: {  	(erf) = vpow2.f32 v0;
	v0 =	vmul.f32 $1.442695020e+00, v51  }
0x2b9: {  	(erf) = vpow2.f32 v29;
	v29 =	vmul.f32 $1.442695020e+00, v52  }
0x2ba: {  	v30 =	vld [tilespmem:s16+$0xFFFFFFE0]  }
0x2bb: {  	v31 =	vld [tilespmem:s26+$0xFFFFFFB0];
	(erf) = vpow2.f32 v0  }
0x2bc: {  	v0 =	vld [tilespmem:s26+$0x30];
	(erf) = vpow2.f32 v29  }
0x2bd: {  	v53 =	vld [tilespmem:s16+$0x60];
	v29 =	vpop (erf)  }
0x2be: {  	v55 =	vld [tilespmem:s17+$0xFFFFFFD0];
	v36 =	vpop (erf)  }
0x2bf: {  	v37 =	vld [tilespmem:s17+$0x50];
	v34 =	vmul.f32 v29, v30;
	v29 =	vpop (erf)  }
0x2c0: {  	v35 =	vmul.f32 v29, v31;
	v31 =	vld [tilespmem:s6+$0xFFFFFFA0];
	v29 =	vpop (erf)  }
0x2c1: {  	[tilespmem:s1+$0xFFFFFFE0] =	vst v34;
	v29 =	vmul.f32 v29, v0;
	v0 =	vld [tilespmem:s6+$0x20]  }
0x2c2: {  	v36 =	vmul.f32 v36, v53;
	v38 =	vld [tilespmem:s20+$0xFFFFFFF0];
	v30 =	vpop (erf);
	[tilespmem:s5+$0xFFFFFFB0] =	vst v35  }
0x2c3: {  	v32 =	vmul.f32 v30, v55;
	v30 =	vpop (erf);
	v39 =	vld [tilespmem:s4+$0xFFFFFFC0];
	[tilespmem:s5+$0x30] =	vst v29  }
0x2c4: {  	[tilespmem:s1+$0x60] =	vst v36;
	v56 =	vpop (erf);
	v30 =	vmul.f32 v30, v37;
	v40 =	vld [tilespmem:s4+$0x40]  }
0x2c5: {  	v41 =	vld [tilespmem:s20+$0x70];
	[tilespmem:s23+$0xFFFFFFD0] =	vst v32;
	v37 =	vmul.f32 v56, v31;
	v31 =	vpop (erf)  }
0x2c6: {  	v42 =	vld [tilespmem:s15+$0xFFFFFFE0];
	[tilespmem:s23+$0x50] =	vst v30;
	v33 =	vmul.f32 v31, v0  }
0x2c7: {  	v0 =	vmul.f32 $1.442695020e+00, v38;
	v31 =	vld [tilespmem:s15+$0x60];
	[tilespmem:s8+$0xFFFFFFA0] =	vst v37  }
0x2c8: {  	v57 =	vmul.f32 $1.442695020e+00, v39;
	v58 =	vld [tilespmem:s7+$0xFFFFFFB0];
	[tilespmem:s8+$0x20] =	vst v33  }
0x2c9: {  	(erf) = vpow2.f32 v0;
	v0 =	vmul.f32 $1.442695020e+00, v40;
	v59 =	vld [tilespmem:s7+$0x30]  }
0x2ca: {  	v41 =	vmul.f32 $1.442695020e+00, v41;
	(erf) = vpow2.f32 v57  }
0x2cb: {  	(erf) = vpow2.f32 v0;
	v0 =	vmul.f32 $1.442695020e+00, v42  }
0x2cc: {  	v31 =	vmul.f32 $1.442695020e+00, v31;
	(erf) = vpow2.f32 v41  }
0x2cd: {  	(erf) = vpow2.f32 v0;
	v0 =	vmul.f32 $1.442695020e+00, v58  }
0x2ce: {  	(erf) = vpow2.f32 v31;
	v31 =	vmul.f32 $1.442695020e+00, v59  }
0x2cf: {  	(erf) = vpow2.f32 v0  }
0x2d0: {  	(erf) = vpow2.f32 v31  }
0x2d1: {  	v0 =	vld [tilespmem:s26+$0xFFFFFFC0]  }
0x2d2: {  	v31 =	vld [tilespmem:s26+$0x40];
	v55 =	vpop (erf)  }
0x2d3: {  	v60 =	vld [tilespmem:s17+$0xFFFFFFE0];
	v38 =	vpop (erf)  }
0x2d4: {  	v62 =	vld [tilespmem:s6+$0xFFFFFFB0];
	v61 =	vpop (erf)  }
0x2d5: {  	v43 =	vld [tilespmem:s6+$0x30];
	v56 =	vpop (erf)  }
0x2d6: {  	v50 =	vmul.f32 v38, v0;
	v0 =	vpop (erf)  }
0x2d7: {  	v45 =	vmul.f32 v61, v31;
	v63 =	vpop (erf)  }
0x2d8: {  	[tilespmem:s5+$0xFFFFFFC0] =	vst v50;
	v42 =	vmul.f32 v0, v60;
	v0 =	vpop (erf)  }
0x2d9: {  	v52 =	vld [tilespmem:s4+$0xFFFFFFD0];
	[tilespmem:s5+$0x40] =	vst v45;
	v40 =	vmul.f32 v0, v62;
	v0 =	vpop (erf)  }
0x2da: {  	v53 =	vld [tilespmem:s4+$0x50];
	[tilespmem:s23+$0xFFFFFFE0] =	vst v42;
	v31 =	vmul.f32 v0, v43  }
0x2db: {  	v0 =	vld [tilespmem:s15+$0xFFFFFFF0];
	[tilespmem:s8+$0xFFFFFFB0] =	vst v40  }
0x2dc: {  	v57 =	vld [tilespmem:s7+$0xFFFFFFC0];
	[tilespmem:s8+$0x30] =	vst v31  }
0x2dd: {  	v44 =	vld [tilespmem:s7+$0x40]  }
0x2de: {  	v39 =	vmul.f32 $1.442695020e+00, v52  }
0x2df: {  	v41 =	vmul.f32 $1.442695020e+00, v53  }
0x2e0: {  	(erf) = vpow2.f32 v39;
	v0 =	vmul.f32 $1.442695020e+00, v0  }
0x2e1: {  	(erf) = vpow2.f32 v41;
	v58 =	vmul.f32 $1.442695020e+00, v57  }
0x2e2: {  	(erf) = vpow2.f32 v0;
	v0 =	vmul.f32 $1.442695020e+00, v44  }
0x2e3: {  	(erf) = vpow2.f32 v58  }
0x2e4: {  	(erf) = vpow2.f32 v0  }
0x2e5: {  	v0 =	vld [tilespmem:s17+$0x60]  }
0x2e6: {  	v59 =	vld [tilespmem:s26+$0xFFFFFFD0]  }
0x2e7: {  	v60 =	vld [tilespmem:s26+$0x50]  }
0x2e8: {  	v61 =	vld [tilespmem:s6+$0xFFFFFFC0]  }
0x2e9: {  	v48 =	vld [tilespmem:s6+$0x40];
	v62 =	vpop (erf)  }
0x2ea: {  	v53 =	vmul.f32 v63, v0;
	v0 =	vpop (erf)  }
0x2eb: {  	v51 =	vmul.f32 v62, v59;
	v57 =	vpop (erf)  }
0x2ec: {  	v47 =	vmul.f32 v0, v60;
	[tilespmem:s23+$0x60] =	vst v53;
	v0 =	vpop (erf)  }
0x2ed: {  	[tilespmem:s5+$0xFFFFFFD0] =	vst v51;
	v63 =	vld [tilespmem:s15+$0x70];
	v46 =	vmul.f32 v0, v61;
	v0 =	vpop (erf)  }
0x2ee: {  	v52 =	vld [tilespmem:s4+$0xFFFFFFE0];
	[tilespmem:s5+$0x50] =	vst v47;
	v41 =	vmul.f32 v0, v48  }
0x2ef: {  	v0 =	vld [tilespmem:s4+$0x60];
	[tilespmem:s8+$0xFFFFFFC0] =	vst v46  }
0x2f0: {  	v58 =	vld [tilespmem:s7+$0xFFFFFFD0];
	[tilespmem:s8+$0x40] =	vst v41  }
0x2f1: {  	v59 =	vld [tilespmem:s7+$0x50]  }
0x2f2: {  	v38 =	vmul.f32 $1.442695020e+00, v63  }
0x2f3: {  	v39 =	vmul.f32 $1.442695020e+00, v52  }
0x2f4: {  	(erf) = vpow2.f32 v38;
	v0 =	vmul.f32 $1.442695020e+00, v0  }
0x2f5: {  	(erf) = vpow2.f32 v39;
	v60 =	vmul.f32 $1.442695020e+00, v58  }
0x2f6: {  	(erf) = vpow2.f32 v0;
	v0 =	vmul.f32 $1.442695020e+00, v59  }
0x2f7: {  	(erf) = vpow2.f32 v60  }
0x2f8: {  	(erf) = vpow2.f32 v0;
	_ =	sdelay $0x1  }
0x2f9: {  	v0 =	vld [tilespmem:s26+$0xFFFFFFE0]  }
0x2fa: {  	v61 =	vld [tilespmem:s26+$0x60]  }
0x2fb: {  	v62 =	vld [tilespmem:s6+$0xFFFFFFD0]  }
0x2fc: {  	v63 =	vld [tilespmem:s6+$0x50];
	v58 =	vpop (erf)  }
0x2fd: {  	v59 =	vpop (erf)  }
0x2fe: {  	v52 =	vmul.f32 v59, v0;
	v0 =	vpop (erf)  }
0x2ff: {  	v48 =	vmul.f32 v0, v61;
	v0 =	vpop (erf)  }
0x300: {  	[tilespmem:s5+$0xFFFFFFE0] =	vst v52;
	v43 =	vmul.f32 v0, v62;
	v0 =	vpop (erf)  }
0x301: {  	v60 =	vld [tilespmem:s4+$0xFFFFFFF0];
	[tilespmem:s5+$0x60] =	vst v48;
	v39 =	vmul.f32 v0, v63  }
0x302: {  	v0 =	vld [tilespmem:s4+$0x70];
	[tilespmem:s8+$0xFFFFFFD0] =	vst v43  }
0x303: {  	v61 =	vld [tilespmem:s7+$0xFFFFFFE0];
	[tilespmem:s8+$0x50] =	vst v39  }
0x304: {  	v59 =	vld [tilespmem:s7+$0x60];
	_ =	sdelay $0x1  }
0x305: {  	v38 =	vmul.f32 $1.442695020e+00, v60  }
0x306: {  	v0 =	vmul.f32 $1.442695020e+00, v0  }
0x307: {  	(erf) = vpow2.f32 v38;
	v62 =	vmul.f32 $1.442695020e+00, v61  }
0x308: {  	(erf) = vpow2.f32 v0;
	v0 =	vmul.f32 $1.442695020e+00, v59  }
0x309: {  	(erf) = vpow2.f32 v62  }
0x30a: {  	(erf) = vpow2.f32 v0;
	_ =	sdelay $0x3  }
0x30b: {  	v0 =	vld [tilespmem:s6+$0xFFFFFFE0]  }
0x30c: {  	v38 =	vld [tilespmem:s6+$0x60]  }
0x30d: {  	v59 =	vpop (erf)  }
0x30e: {  	v60 =	vpop (erf)  }
0x30f: {  	v63 =	vpop (erf)  }
0x310: {  	v44 =	vmul.f32 v63, v0;
	v0 =	vpop (erf)  }
0x311: {  	v38 =	vmul.f32 v0, v38  }
0x312: {  	[tilespmem:s8+$0xFFFFFFE0] =	vst v44  }
0x313: {  	v0 =	vld [tilespmem:s7+$0xFFFFFFF0];
	[tilespmem:s8+$0x60] =	vst v38  }
0x314: {  	v61 =	vld [tilespmem:s7+$0x70];
	_ =	sdelay $0x2  }
0x315: {  	v62 =	vld [tilespmem:s0+$0xFFFFFFF0]  }
0x316: {  	v63 =	vld [tilespmem:s0+$0x70];
	v0 =	vmul.f32 $1.442695020e+00, v0  }
0x317: {  	v10 =	vld [tilespmem:s16+$0xFFFFFFF0];
	v61 =	vmul.f32 $1.442695020e+00, v61  }
0x318: {  	(erf) = vpow2.f32 v0;
	v0 =	vld [tilespmem:s16+$0x70]  }
0x319: {  	v8 =	vmul.f32 v20, v8;
	v20 =	vld [tilespmem:s17+$0xFFFFFFF0];
	(erf) = vpow2.f32 v61  }
0x31a: {  	v61 =	vmul.f32 v49, v62;
	v49 =	vld [tilespmem:s17+$0x70]  }
0x31b: {  	[tilespmem:s30+$0x70] =	vst v8;
	v62 =	vmul.f32 v54, v63;
	v54 =	vld [tilespmem:s26+$0xFFFFFFF0]  }
0x31c: {  	v63 =	vmul.f32 v55, v10;
	v10 =	vld [tilespmem:s26+$0x70];
	[tilespmem:s31+$0xFFFFFFF0] =	vst v61  }
0x31d: {  	v55 =	vld [tilespmem:s6+$0xFFFFFFF0];
	[tilespmem:s31+$0x70] =	vst v62;
	v14 =	vmul.f32 v56, v0  }
0x31e: {  	[tilespmem:s1+$0xFFFFFFF0] =	vst v63;
	v56 =	vmul.f32 v57, v20;
	v57 =	vld [tilespmem:s6+$0x70]  }
0x31f: {  	v58 =	vmul.f32 v58, v49;
	[tilespmem:s1+$0x70] =	vst v14  }
0x320: {  	v54 =	vmul.f32 v59, v54;
	[tilespmem:s23+$0xFFFFFFF0] =	vst v56  }
0x321: {  	v49 =	vmul.f32 v60, v10;
	[tilespmem:s23+$0x70] =	vst v58;
	v10 =	vpop (erf)  }
0x322: {  	[tilespmem:s5+$0xFFFFFFF0] =	vst v54;
	v20 =	vmul.f32 v10, v55;
	v10 =	vpop (erf)  }
0x323: {  	[tilespmem:s5+$0x70] =	vst v49;
	v57 =	vmul.f32 v10, v57  }
0x324: {  	[tilespmem:s8+$0xFFFFFFF0] =	vst v20  }
0x325: {  	[tilespmem:s8+$0x70] =	vst v57  }
0x326: {  	v0 =	vld [tilespmem:$0x1FF80];
	_ =	sdelay $0x4  }
0x327: {  	s20 =	simm.s32 $0x0;
	s26 =	simm.s32 $0x80;
	s23 =	simm.s32 $0x14000;
	v1 =	vadd.f32 v0, v1;
	v0 =	vld [tilespmem:$0x1FF90]  }
0x328: {  	[hbm4b:s12+s20] =	stream.linear.scatter [tilespmem:s23], [sflag:$0x5], $0x5000, $0x38;
	v17 =	vld [tilespmem:$0x1FFC0]  }
0x329: {  	v10 =	vld [tilespmem:s26+$0xFFFFFFF0]  }
0x32a: {  	v55 =	vld [tilespmem:s26+$0xFFFFFFA0]  }
0x32b: {  	v59 =	vld [tilespmem:s26+$0x70]  }
0x32c: {  	v0 =	vadd.f32 v0, v1;
	v1 =	vld [tilespmem:$0x1FFA0]  }
0x32d: {  	v60 =	vld [tilespmem:s26+$0xFFFFFFB0]  }
0x32e: {  	v11 =	vld [tilespmem:s26+$0xFFFFFFC0]  }
0x32f: {  	v3 =	vadd.f32 v12, v3;
	v16 =	vld [tilespmem:s26+$0xFFFFFFD0]  }
0x330: {  	v13 =	vld [tilespmem:s26+$0x50]  }
0x331: {  	v3 =	vadd.f32 v1, v3;
	v1 =	vld [tilespmem:$0x1FFB0]  }
0x332: {  	v8 =	vadd.f32 v8, v9;
	v15 =	vld [tilespmem:s26+$0x30]  }
0x333: {  	v6 =	vadd.f32 v21, v6;
	v4 =	vadd.f32 v17, v4;
	v17 =	vld [tilespmem:$0x1FFD0]  }
0x334: {  	s31 =	simm.s32 $0x180;
	v12 =	vld [tilespmem:s26+$0xFFFFFF90]  }
0x335: {  	v22 =	vadd.f32 v22, v6;
	v6 =	vadd.f32 v61, v8;
	v61 =	vld [tilespmem:s31+$0xFFFFFFA0]  }
0x336: {  	v9 =	vld [tilespmem:s26+$0xFFFFFF80];
	v1 =	vadd.f32 v1, v2  }
0x337: {  	v7 =	vadd.f32 v18, v7;
	v18 =	vld [tilespmem:s26+$0x20]  }
0x338: {  	v17 =	vadd.f32 v17, v1;
	v1 =	vld [tilespmem:$0x1FFE0]  }
0x339: {  	s30 =	simm.s32 $0xA080;
	v8 =	vld [tilespmem:s26+$0x60]  }
0x33a: {  	v22 =	vadd.f32 v32, v22;
	v32 =	vmul.f32 $1.442695020e+00, v61;
	v61 =	vld [tilespmem:s30+$0x0];
	v2 =	vmul.f32 $1.442695020e+00, v10  }
0x33b: {  	v0 =	vadd.f32 v26, v0;
	v26 =	vld [tilespmem:s30+$0x50]  }
0x33c: {  	v11 =	vmul.f32 $1.442695020e+00, v11;
	v3 =	vadd.f32 v27, v3;
	v10 =	vld [tilespmem:s26+$0x40];
	(erf) = vpow2.f32 v2  }
0x33d: {  	v13 =	vmul.f32 $1.442695020e+00, v13;
	v2 =	vld [tilespmem:s30+$0xFFFFFFF0];
	v21 =	vadd.f32 v1, v4;
	v1 =	vadd.f32 v19, v7  }
0x33e: {  	v12 =	vmul.f32 $1.442695020e+00, v12;
	v19 =	vld [tilespmem:s26+$0xFFFFFFE0];
	v4 =	vadd.f32 v24, v5;
	v24 =	vadd.f32 v25, v0  }
0x33f: {  	v18 =	vmul.f32 $1.442695020e+00, v18;
	v5 =	vld [tilespmem:s30+$0x70];
	v25 =	vadd.f32 v62, v6;
	v6 =	vadd.f32 v28, v3  }
0x340: {  	v0 =	vadd.f32 v34, v17;
	v3 =	vld [tilespmem:s26+$0x10];
	v17 =	vadd.f32 v35, v21;
	v21 =	vmul.f32 $1.442695020e+00, v59  }
0x341: {  	v15 =	vmul.f32 $1.442695020e+00, v15;
	v8 =	vmul.f32 $1.442695020e+00, v8;
	v7 =	vld [tilespmem:s30+$0xFFFFFFD0]  }
0x342: {  	v28 =	vmul.f32 $1.442695020e+00, v60;
	v60 =	vld [tilespmem:s26+$0x0];
	(erf) = vpow2.f32 v21  }
0x343: {  	v16 =	vmul.f32 $1.442695020e+00, v16;
	v23 =	vadd.f32 v23, v4;
	v4 =	vld [tilespmem:s30+$0x60];
	v19 =	vmul.f32 $1.442695020e+00, v19  }
0x344: {  	v10 =	vmul.f32 $1.442695020e+00, v10;
	v27 =	vadd.f32 v36, v0;
	v25 =	vadd.f32 v63, v25;
	v63 =	vld [tilespmem:s31+$0x30]  }
0x345: {  	v59 =	vmul.f32 $1.442695020e+00, v55;
	v55 =	vld [tilespmem:s31+$0xFFFFFFE0];
	v17 =	vadd.f32 v29, v17;
	v0 =	vpop (erf);
	(erf) = vpow2.f32 v19  }
0x346: {  	v21 =	vld [tilespmem:s30+$0xFFFFFFC0];
	v23 =	vadd.f32 v37, v23;
	v2 =	vmul.f32 v0, v2;
	(erf) = vpow2.f32 v13  }
0x347: {  	v29 =	vld [tilespmem:s30+$0xFFFFFFB0];
	v14 =	vadd.f32 v14, v25;
	v3 =	vmul.f32 $1.442695020e+00, v3;
	(erf) = vpow2.f32 v11  }
0x348: {  	p0 =	sgt.u32 s11, $0x0;
	s5 =	simm.f32 $1.000000000e+00;
	v0 =	vld [tilespmem:s30+$0x30];
	v19 =	vadd.f32 v30, v22;
	v22 =	vmul.f32 $1.442695020e+00, v9;
	(erf) = vpow2.f32 v28  }
0x349: {  	s5 =	simm.s32 @!p0 $0x0;
	v9 =	vadd.f32 v33, v23;
	v23 =	vadd.f32 v50, v24;
	v24 =	vld [tilespmem:s30+$0x10];
	(erf) = vpow2.f32 v59  }
0x34a: {  	v17 =	vadd.f32 v40, v17;
	v30 =	vmul.f32 s5, v2;
	v2 =	vld [tilespmem:s30+$0xFFFFFFE0];
	(erf) = vpow2.f32 v18  }
0x34b: {  	v14 =	vadd.f32 v56, v14;
	v50 =	vld [tilespmem:s31+$0x40];
	v35 =	vmul.f32 $1.442695020e+00, v63;
	(erf) = vpow2.f32 v15;
	v25 =	vpop (erf)  }
0x34c: {  	s1 =	simm.f32 $1.000000000e+00;
	p0 =	sgt.u32 s11, $0x1;
	v13 =	vld [tilespmem:s30+$0xFFFFFF80];
	v17 =	vadd.f32 v31, v17;
	(erf) = vpow2.f32 v12;
	v5 =	vmul.f32 v25, v5  }
0x34d: {  	s1 =	simm.s32 @!p0 $0x0;
	v18 =	vadd.f32 v42, v27;
	v27 =	vmul.f32 $1.442695020e+00, v60;
	(erf) = vpow2.f32 v3;
	v3 =	vld [tilespmem:s31+$0xFFFFFFF0]  }
0x34e: {  	v14 =	vadd.f32 v58, v14;
	v12 =	vld [tilespmem:s30+$0xFFFFFFA0];
	v25 =	vpop (erf);
	(erf) = vpow2.f32 v10;
	v62 =	vmul.f32 s1, v5  }
0x34f: {  	v19 =	vadd.f32 v51, v19;
	v15 =	vld [tilespmem:s30+$0x20];
	v25 =	vmul.f32 v25, v2;
	v10 =	vpop (erf);
	(erf) = vpow2.f32 v16  }
0x350: {  	v23 =	vadd.f32 v45, v23;
	v2 =	vld [tilespmem:s31+$0x70];
	v16 =	vpop (erf);
	v10 =	vmul.f32 v10, v26;
	(erf) = vpow2.f32 v8  }
0x351: {  	v19 =	vadd.f32 v47, v19;
	v26 =	vld [tilespmem:s31+$0xFFFFFFC0];
	v8 =	vpop (erf);
	(erf) = vpow2.f32 v22;
	v16 =	vmul.f32 v16, v21  }
0x352: {  	v28 =	vld [tilespmem:s30+$0xFFFFFF90];
	v23 =	vadd.f32 v46, v23;
	v3 =	vmul.f32 $1.442695020e+00, v3;
	v22 =	vpop (erf);
	v8 =	vmul.f32 v8, v29  }
0x353: {  	v31 =	vld [tilespmem:s31+$0xFFFFFFB0];
	v18 =	vadd.f32 v53, v18;
	(erf) = vpow2.f32 v27;
	v12 =	vmul.f32 v22, v12  }
0x354: {  	v11 =	vld [tilespmem:s30+$0x40];
	v34 =	vadd.f32 v41, v23;
	v27 =	vpop (erf);
	v51 =	vmul.f32 s5, v16;
	(erf) = vpow2.f32 v3  }
0x355: {  	v5 =	vld [tilespmem:s31+$0xFFFFFFD0];
	v22 =	vpop (erf);
	v3 =	vadd.f32 v52, v18;
	v2 =	vmul.f32 $1.442695020e+00, v2;
	v15 =	vmul.f32 v27, v15  }
0x356: {  	v16 =	vadd.f32 v43, v19;
	v27 =	vld [tilespmem:s31+$0xFFFFFF80];
	v23 =	vpop (erf);
	v26 =	vmul.f32 $1.442695020e+00, v26;
	v12 =	vmul.f32 s5, v12  }
0x357: {  	v18 =	vld [tilespmem:s31+$0xFFFFFF90];
	v0 =	vmul.f32 v22, v0;
	v28 =	vmul.f32 v23, v28;
	v23 =	vadd.f32 v48, v3  }
0x358: {  	v22 =	vld [tilespmem:s31+$0x10];
	v21 =	vpop (erf);
	v3 =	vadd.f32 v54, v14;
	v15 =	vmul.f32 s1, v15;
	(erf) = vpow2.f32 v2  }
0x359: {  	s3 =	simm.s32 $0xA180;
	v24 =	vmul.f32 v21, v24;
	v21 =	vmul.f32 $1.442695020e+00, v31;
	v31 =	vld [tilespmem:s31+$0x20];
	v14 =	vpop (erf)  }
0x35a: {  	v19 =	vld [tilespmem:s3+$0xFFFFFFF0];
	v0 =	vmul.f32 s1, v0;
	v52 =	vmul.f32 v14, v11;
	v53 =	vpop (erf);
	v11 =	vadd.f32 v49, v3  }
0x35b: {  	v29 =	vld [tilespmem:s31+$0x50];
	v39 =	vadd.f32 v39, v16;
	v56 =	vpop (erf);
	v14 =	vmul.f32 $1.442695020e+00, v27;
	v27 =	vmul.f32 $1.442695020e+00, v55  }
0x35c: {  	v54 =	vmul.f32 $1.442695020e+00, v18;
	v18 =	vmul.f32 $1.442695020e+00, v50;
	v16 =	vpop (erf);
	v11 =	vadd.f32 v20, v11;
	v20 =	vld [tilespmem:s31+$0x60]  }
0x35d: {  	v2 =	vld [tilespmem:s3+$0x60];
	v58 =	vmul.f32 v16, v13;
	v59 =	vpop (erf);
	v13 =	vadd.f32 v44, v23;
	(erf) = vpow2.f32 v27  }
0x35e: {  	v3 =	vld [tilespmem:s3+$0x70];
	v60 =	vmul.f32 $1.442695020e+00, v31;
	v23 =	vadd.f32 v57, v11;
	v31 =	vmul.f32 $1.442695020e+00, v22;
	v16 =	vpop (erf)  }
0x35f: {  	v9 =	vsub.f32 v9, v12;
	v11 =	vld [tilespmem:s3+$0x50];
	v33 =	vmul.f32 v59, v61;
	v16 =	vmul.f32 v16, v19  }
0x360: {  	s0 =	simm.f32 $1.000000000e+00;
	p0 =	sgt.u32 s11, $0x2;
	v22 =	vld [tilespmem:s3+$0x10];
	v19 =	vmul.f32 s5, v8;
	v8 =	vsub.f32 v23, v30;
	v30 =	vmul.f32 v56, v4  }
0x361: {  	s0 =	simm.s32 @!p0 $0x0;
	v38 =	vadd.f32 v38, v13;
	v13 =	vld [tilespmem:s3+$0xFFFFFFC0];
	v23 =	vmul.f32 $1.442695020e+00, v20;
	v20 =	vmul.f32 s5, v28  }
0x362: {  	v4 =	vld [tilespmem:s3+$0xFFFFFFD0];
	v28 =	vmul.f32 v53, v7;
	v16 =	vmul.f32 s0, v16  }
0x363: {  	v12 =	vsub.f32 v8, v62;
	v62 =	vld [tilespmem:s31+$0x0];
	v8 =	vsub.f32 v9, v15;
	v9 =	vmul.f32 $1.442695020e+00, v29  }
0x364: {  	v15 =	vsub.f32 v17, v19;
	v17 =	vmul.f32 s1, v10;
	v19 =	vld [tilespmem:s3+$0xFFFFFF80];
	v63 =	vmul.f32 s1, v30  }
0x365: {  	v27 =	vsub.f32 v6, v20;
	v6 =	vmul.f32 s5, v25;
	v25 =	vld [tilespmem:s3+$0xFFFFFF90];
	(erf) = vpow2.f32 v9  }
0x366: {  	v30 =	vmul.f32 s1, v24;
	v7 =	vsub.f32 v12, v16;
	v16 =	vld [tilespmem:s3+$0xFFFFFFB0];
	(erf) = vpow2.f32 v26  }
0x367: {  	v28 =	vmul.f32 s5, v28;
	v12 =	vld [tilespmem:s3+$0x30];
	v10 =	vsub.f32 v15, v0;
	(erf) = vpow2.f32 v21  }
0x368: {  	v15 =	vld [tilespmem:s3+$0x40];
	v0 =	vsub.f32 v34, v51;
	v9 =	vmul.f32 s1, v52;
	(erf) = vpow2.f32 v32  }
0x369: {  	v6 =	vsub.f32 v38, v6;
	v26 =	vld [tilespmem:s3+$0x20];
	v24 =	vsub.f32 v39, v28;
	(erf) = vpow2.f32 v60  }
0x36a: {  	s4 =	simm.s32 $0x2;
	v21 =	vld [tilespmem:s3+$0xFFFFFFE0];
	v9 =	vsub.f32 v0, v9;
	v29 =	vmul.f32 $1.442695020e+00, v62;
	(erf) = vpow2.f32 v35  }
0x36b: {  	s7 =	simm.s32 $0x280;
	s6 =	simm.s32 $0x4;
	v20 =	vpop (erf);
	v28 =	vld [tilespmem:s3+$0xFFFFFFA0];
	v32 =	vmul.f32 s5, v58;
	v6 =	vsub.f32 v6, v63;
	s5 =	simm.s32 $0xA180;
	(erf) = vpow2.f32 v54  }
.LBB2_8:
0x36c: {  	s4 =	sadd.s32 $0x1, s4  }
0x36d: {  	v0 =	vld [tilespmem:s7+$0xFFFFFFF0];
	p0 =	slt.u32 s6, $0x26;
	v3 =	vmul.f32 v20, v3;
	s3 =	sadd.s32 $0x100, s3;
	v20 =	vpop (erf);
	(erf) = vpow2.f32 v31;
	v1 =	vsub.f32 v1, v32;
	p1 =	slt.u32 s4, s11  }
0x36e: {  	v5 =	vmul.f32 $1.442695020e+00, v5;
	v27 =	vsub.f32 v27, v30;
	v31 =	vld [tilespmem:s7+$0xFFFFFFA0];
	v32 =	vmul.f32 s1, v33;
	s4 =	smov.u32 s6;
	s6 =	sadd.s32 $0x2, s6;
	s1 =	simm.f32 $1.000000000e+00  }
0x36f: {  	v24 =	vsub.f32 v24, v17;
	v30 =	vld [tilespmem:s7+$0x70];
	v21 =	vmul.f32 v20, v21;
	s1 =	simm.s32 @!p1 $0x0;
	(erf) = vpow2.f32 v18;
	v18 =	vpop (erf)  }
0x370: {  	v17 =	vld [tilespmem:s7+$0xFFFFFFB0];
	v34 =	vmul.f32 s1, v3;
	v20 =	vpop (erf);
	(erf) = vpow2.f32 v5;
	v1 =	vsub.f32 v1, v32  }
0x371: {  	v33 =	vmul.f32 v18, v11;
	v32 =	vld [tilespmem:s7+$0xFFFFFFC0];
	v11 =	vpop (erf);
	(erf) = vpow2.f32 v23  }
0x372: {  	v5 =	vld [tilespmem:s7+$0xFFFFFFD0];
	v0 =	vmul.f32 $1.442695020e+00, v0;
	v7 =	vsub.f32 v7, v34;
	(erf) = vpow2.f32 v14;
	v3 =	vpop (erf)  }
0x373: {  	v11 =	vmul.f32 v11, v16;
	v34 =	vld [tilespmem:s7+$0x50];
	(erf) = vpow2.f32 v29;
	v14 =	vpop (erf)  }
0x374: {  	v16 =	vld [tilespmem:s7+$0x30];
	(erf) = vpow2.f32 v0;
	v0 =	vmul.f32 v3, v28;
	v23 =	vpop (erf)  }
0x375: {  	v28 =	vmul.f32 $1.442695020e+00, v30;
	v14 =	vmul.f32 v14, v26;
	v3 =	vld [tilespmem:s7+$0xFFFFFF90];
	v18 =	vpop (erf)  }
0x376: {  	v29 =	vmul.f32 v20, v13;
	v26 =	vld [tilespmem:s7+$0xFFFFFF80];
	v25 =	vmul.f32 v18, v25;
	v18 =	vpop (erf)  }
0x377: {  	v30 =	vmul.f32 $1.442695020e+00, v32;
	v20 =	vld [tilespmem:s7+$0x40];
	v32 =	vmul.f32 v18, v22  }
0x378: {  	v35 =	vmul.f32 $1.442695020e+00, v17;
	v22 =	vmul.f32 s0, v29;
	v17 =	vld [tilespmem:s7+$0x20];
	v13 =	vpop (erf)  }
0x379: {  	v36 =	vmul.f32 $1.442695020e+00, v31;
	v29 =	vld [tilespmem:s3+$0xFFFFFFF0];
	v37 =	vmul.f32 v13, v15;
	v13 =	vpop (erf)  }
0x37a: {  	v31 =	vmul.f32 s1, v14;
	v38 =	vmul.f32 $1.442695020e+00, v3;
	v15 =	vld [tilespmem:s7+$0xFFFFFFE0];
	v39 =	vpop (erf)  }
0x37b: {  	v0 =	vmul.f32 s0, v0;
	v14 =	vmul.f32 $1.442695020e+00, v26;
	v3 =	vld [tilespmem:s3+$0x70];
	v26 =	vpop (erf)  }
0x37c: {  	v18 =	vmul.f32 $1.442695020e+00, v20;
	v20 =	vld [tilespmem:s7+$0x60];
	v40 =	vmul.f32 v26, v19;
	v41 =	vpop (erf)  }
0x37d: {  	v0 =	vsub.f32 v8, v0;
	v26 =	vmul.f32 $1.442695020e+00, v17;
	v17 =	vpop (erf);
	(erf) = vpow2.f32 v28;
	v42 =	vld [tilespmem:s5+$0x0];
	s5 =	smov.u32 s3  }
0x37e: {  	s8 =	simm.f32 $1.000000000e+00;
	p1 =	slt.u32 s4, s11;
	v19 =	vmul.f32 s0, v11;
	v8 =	vmul.f32 v17, v29;
	v17 =	vld [tilespmem:s3+$0x60]  }
0x37f: {  	s8 =	simm.s32 @!p1 $0x0;
	v12 =	vmul.f32 v23, v12;
	v15 =	vmul.f32 $1.442695020e+00, v15;
	v11 =	vld [tilespmem:s3+$0x50]  }
0x380: {  	v28 =	vmul.f32 s8, v8;
	v29 =	vld [tilespmem:s7+$0x10];
	v8 =	vsub.f32 v0, v31;
	v0 =	vmul.f32 v39, v2  }
0x381: {  	v39 =	vld [tilespmem:s3+$0xFFFFFFD0];
	v23 =	vmul.f32 $1.442695020e+00, v20;
	v20 =	vmul.f32 s0, v25  }
0x382: {  	v4 =	vmul.f32 v13, v4;
	v7 =	vsub.f32 v7, v28;
	v25 =	vld [tilespmem:s7+$0x0];
	v28 =	vmul.f32 $1.442695020e+00, v16  }
0x383: {  	v43 =	vmul.f32 s1, v12;
	v34 =	vmul.f32 $1.442695020e+00, v34;
	v10 =	vsub.f32 v10, v19;
	v13 =	vld [tilespmem:s3+$0xFFFFFFC0];
	v2 =	vmovc v17  }
0x384: {  	v44 =	vmul.f32 s0, v4;
	v27 =	vsub.f32 v27, v20;
	v16 =	vld [tilespmem:s3+$0xFFFFFFB0];
	(erf) = vpow2.f32 v15  }
0x385: {  	v17 =	vmul.f32 s1, v33;
	v31 =	vmul.f32 $1.442695020e+00, v29;
	v12 =	vld [tilespmem:s3+$0x30]  }
0x386: {  	v21 =	vmul.f32 s0, v21;
	v10 =	vsub.f32 v10, v43;
	v19 =	vld [tilespmem:s3+$0xFFFFFF80];
	(erf) = vpow2.f32 v34;
	v20 =	vpop (erf)  }
0x387: {  	v9 =	vsub.f32 v9, v22;
	v4 =	vmovc v39;
	v29 =	vmul.f32 $1.442695020e+00, v25;
	v15 =	vld [tilespmem:s3+$0x40];
	(erf) = vpow2.f32 v30  }
.Ltmp3:
0x388: {  	v6 =	vsub.f32 v6, v21;
	v33 =	vmul.f32 s1, v37;
	v22 =	vld [tilespmem:s3+$0x10];
	(erf) = vpow2.f32 v35;
	(pc) =	sbr.rel @p0 .LBB2_8-.Ltmp3, $4  }
0x389: {  	v0 =	vmul.f32 s1, v0;
	v25 =	vld [tilespmem:s3+$0xFFFFFF90];
	(erf) = vpow2.f32 v36  }
0x38a: {  	v9 =	vsub.f32 v9, v33;
	v30 =	vmul.f32 s1, v32;
	v21 =	vld [tilespmem:s3+$0xFFFFFFE0];
	(erf) = vpow2.f32 v26  }
0x38b: {  	v24 =	vsub.f32 v24, v44;
	v32 =	vmul.f32 s0, v40;
	s0 =	smov.u32 s8;
	v26 =	vld [tilespmem:s3+$0x20];
	(erf) = vpow2.f32 v28  }
0x38c: {  	s7 =	sadd.s32 $0x100, s7;
	v6 =	vsub.f32 v6, v0;
	v33 =	vmul.f32 v41, v42;
	v28 =	vld [tilespmem:s3+$0xFFFFFFA0];
	(erf) = vpow2.f32 v38  }
0x38d: {  	(erf) = vpow2.f32 v31;
	v0 =	vmul.f32 $1.442695020e+00, v5  }
0x38e: {  	v5 =	vpop (erf);
	(erf) = vpow2.f32 v18  }
0x38f: {  	v60 =	vpop (erf);
	(erf) = vpow2.f32 v0  }
0x390: {  	v61 =	vpop (erf);
	(erf) = vpow2.f32 v23  }
0x391: {  	v62 =	vpop (erf);
	(erf) = vpow2.f32 v14  }
0x392: {  	v63 =	vpop (erf);
	(erf) = vpow2.f32 v29  }
0x393: {  	v44 =	vpop (erf)  }
0x394: {  	v45 =	vpop (erf)  }
0x395: {  	v34 =	vpop (erf)  }
0x396: {  	v35 =	vpop (erf)  }
0x397: {  	v36 =	vpop (erf)  }
0x398: {  	v37 =	vpop (erf)  }
0x399: {  	v39 =	vpop (erf)  }
0x39a: {  	v40 =	vpop (erf)  }
0x39b: {  	v47 =	vpop (erf)  }
0x39c: {  	v38 =	vld [tilespmem:s5+$0x0];
	_ =	swait.ge [sflag:s25], $0x5000  }
0x39d: {  	[sflag:s25] =	ssyncset.done $0x0  }
0x39e: {  	[sflag:s25] =	ssyncadd.s32 $0xFFFFB000  }
0x39f: {  	_ =	swait.ge [sflag:s24], $0x5000  }
0x3a0: {  	[sflag:s24] =	ssyncset.done $0x0  }
0x3a1: {  	v19 =	vmul.f32 v40, v19;
	v40 =	vimm.f32 $0.0e+00;
	[sflag:s24] =	ssyncadd.s32 $0xFFFFB000  }
0x3a2: {  	[tilespmem:$0x1E080] =	vst v40  }
0x3a3: {  	[tilespmem:$0x1E100] =	vst v40  }
0x3a4: {  	[tilespmem:$0x1E180] =	vst v40  }
0x3a5: {  	[tilespmem:$0x1E200] =	vst v40  }
0x3a6: {  	[tilespmem:$0x1E280] =	vst v40  }
0x3a7: {  	[tilespmem:$0x1E300] =	vst v40  }
0x3a8: {  	[tilespmem:$0x1E380] =	vst v40  }
0x3a9: {  	[tilespmem:$0x1E090] =	vst v40  }
0x3aa: {  	[tilespmem:$0x1E110] =	vst v40  }
0x3ab: {  	[tilespmem:$0x1E190] =	vst v40  }
0x3ac: {  	[tilespmem:$0x1E210] =	vst v40  }
0x3ad: {  	[tilespmem:$0x1E290] =	vst v40  }
0x3ae: {  	[tilespmem:$0x1E310] =	vst v40  }
0x3af: {  	[tilespmem:$0x1E390] =	vst v40  }
0x3b0: {  	[tilespmem:$0x1E0A0] =	vst v40  }
0x3b1: {  	[tilespmem:$0x1E120] =	vst v40  }
0x3b2: {  	[tilespmem:$0x1E1A0] =	vst v40  }
0x3b3: {  	[tilespmem:$0x1E220] =	vst v40  }
0x3b4: {  	[tilespmem:$0x1E2A0] =	vst v40  }
0x3b5: {  	[tilespmem:$0x1E320] =	vst v40  }
0x3b6: {  	[tilespmem:$0x1E3A0] =	vst v40  }
0x3b7: {  	[tilespmem:$0x1E0B0] =	vst v40  }
0x3b8: {  	[tilespmem:$0x1E130] =	vst v40  }
0x3b9: {  	[tilespmem:$0x1E1B0] =	vst v40  }
0x3ba: {  	[tilespmem:$0x1E230] =	vst v40  }
0x3bb: {  	[tilespmem:$0x1E2B0] =	vst v40  }
0x3bc: {  	[tilespmem:$0x1E330] =	vst v40  }
0x3bd: {  	v1 =	vsub.f32 v1, v32;
	v46 =	vmul.f32 s1, v33;
	[tilespmem:$0x1E3B0] =	vst v40  }
0x3be: {  	s30 =	sadd.s32 $0x1, s4;
	[tilespmem:$0x1E0C0] =	vst v40  }
0x3bf: {  	p0 =	slt.u32 s30, s11;
	s1 =	simm.f32 $1.000000000e+00;
	v1 =	vsub.f32 v1, v46;
	v48 =	vmul.f32 v47, v38;
	v19 =	vmul.f32 s0, v19;
	[tilespmem:$0x1E140] =	vst v40  }
0x3c0: {  	s1 =	simm.s32 @!p0 $0x0;
	[tilespmem:$0x1E1C0] =	vst v40  }
0x3c1: {  	v50 =	vmul.f32 v34, v25;
	v49 =	vmul.f32 s1, v48;
	v1 =	vsub.f32 v1, v19;
	[tilespmem:$0x1E240] =	vst v40  }
0x3c2: {  	v51 =	vsub.f32 v27, v30;
	[tilespmem:$0x1E2C0] =	vst v40  }
0x3c3: {  	v22 =	vmul.f32 v35, v22;
	v19 =	vmul.f32 s0, v50;
	v1 =	vsub.f32 v1, v49;
	[tilespmem:$0x1E340] =	vst v40  }
0x3c4: {  	[tilespmem:$0x1E3C0] =	vst v40  }
0x3c5: {  	v14 =	vmul.f32 v63, v28;
	v52 =	vmul.f32 s1, v22;
	[tilespmem:$0x1E000] =	vst v1;
	v1 =	vsub.f32 v51, v19  }
0x3c6: {  	[tilespmem:$0x1E0D0] =	vst v40  }
0x3c7: {  	v53 =	vmul.f32 v44, v26;
	v14 =	vmul.f32 s0, v14;
	[tilespmem:$0x1E150] =	vst v40;
	v1 =	vsub.f32 v1, v52  }
0x3c8: {  	[tilespmem:$0x1E1D0] =	vst v40  }
0x3c9: {  	v54 =	vmul.f32 v62, v16;
	v8 =	vsub.f32 v8, v14;
	[tilespmem:$0x1E010] =	vst v1;
	v1 =	vmul.f32 s1, v53  }
0x3ca: {  	[tilespmem:$0x1E250] =	vst v40  }
0x3cb: {  	v55 =	vmul.f32 s0, v54;
	v56 =	vmul.f32 v45, v12;
	[tilespmem:$0x1E2D0] =	vst v40;
	v1 =	vsub.f32 v8, v1  }
0x3cc: {  	[tilespmem:$0x1E350] =	vst v40  }
0x3cd: {  	v0 =	vmul.f32 v61, v13;
	v8 =	vmul.f32 s1, v56;
	[tilespmem:$0x1E020] =	vst v1;
	v1 =	vsub.f32 v10, v55  }
0x3ce: {  	[tilespmem:$0x1E3D0] =	vst v40  }
0x3cf: {  	v0 =	vmul.f32 s0, v0;
	v57 =	vmul.f32 v36, v15;
	[tilespmem:$0x1E0E0] =	vst v40;
	v1 =	vsub.f32 v1, v8  }
0x3d0: {  	[tilespmem:$0x1E160] =	vst v40  }
0x3d1: {  	v0 =	vsub.f32 v9, v0;
	v58 =	vmul.f32 v37, v4;
	[tilespmem:$0x1E030] =	vst v1;
	v1 =	vmul.f32 s1, v57  }
0x3d2: {  	v59 =	vsub.f32 v24, v17;
	[tilespmem:$0x1E1E0] =	vst v40  }
0x3d3: {  	v60 =	vmul.f32 v60, v11;
	[tilespmem:$0x1E260] =	vst v40;
	v0 =	vsub.f32 v0, v1;
	v1 =	vmul.f32 s0, v58  }
0x3d4: {  	[tilespmem:$0x1E2E0] =	vst v40  }
0x3d5: {  	v61 =	vmul.f32 v5, v21;
	v4 =	vmul.f32 s1, v60;
	[tilespmem:$0x1E040] =	vst v0;
	v0 =	vsub.f32 v59, v1  }
0x3d6: {  	[tilespmem:$0x1E360] =	vst v40  }
0x3d7: {  	v62 =	vmul.f32 v39, v2;
	[tilespmem:$0x1E3E0] =	vst v40;
	v1 =	vmul.f32 s0, v61;
	v0 =	vsub.f32 v0, v4  }
0x3d8: {  	[tilespmem:$0x1E0F0] =	vst v40  }
0x3d9: {  	v1 =	vsub.f32 v6, v1;
	[tilespmem:$0x1E050] =	vst v0;
	v0 =	vmul.f32 s1, v62  }
0x3da: {  	[tilespmem:$0x1E170] =	vst v40  }
0x3db: {  	v63 =	vmul.f32 v20, v3;
	[tilespmem:$0x1E1F0] =	vst v40;
	v0 =	vsub.f32 v1, v0  }
0x3dc: {  	[tilespmem:$0x1E270] =	vst v40  }
0x3dd: {  	[tilespmem:$0x1E060] =	vst v0;
	v0 =	vmul.f32 s1, v63  }
0x3de: {  	[tilespmem:$0x1E2F0] =	vst v40  }
0x3df: {  	s29 =	sadd.s32 $0x1, s29;
	[tilespmem:$0x1E370] =	vst v40;
	v0 =	vsub.f32 v7, v0  }
0x3e0: {  	p0 =	sne.s32 s29, s14;
	[tilespmem:$0x1E3F0] =	vst v40  }
.Ltmp4:
0x3e1: {  	s31 =	simm.s32 $0x1E000;
	[tilespmem:$0x1E070] =	vst v0;
	(pc) =	sbr.rel @p0 .LBB2_1-.Ltmp4, $4  }
0x3e2: {  	[hbm4b:s13+s2] =	stream.linear.scatter [tilespmem:s31], [sflag:$0x7], $0x400, $0x38;
	[tilespmem:$0x1E400] =	vst v63  }
0x3e3: {  	_ =	swait.ge [sflag:s28], $0x400  }
0x3e4: {  	[sflag:s28] =	ssyncset.done $0x0  }
0x3e5: {  	[sflag:s28] =	ssyncadd.s32 $0xFFFFFC00  }
0x3e6: {  	_ =	sfence.sel $0x180000  }
0x3e7: {  	[bflag:$0x0] =	sbarrier.arrive $0xFFFF  }
0x3e8: {  	_ =	strace $0x90000047  }
0x3e9: {  	s0 =	stileid.u32;
	[bflag:$0x2] =	sbarrier.arrive $0xFFFF  }
0x3ea: {  	p0 =	sne.s32 s0, $0x0;
	s0 =	rddreg [dreg:$0x3]  }
0x3eb: {  	s0 =	sadd.s32 @!p0 $0x100000, s0  }
0x3ec: {  	[sflag:s0] =	ssyncadd.tile.s32 @!p0 $0x1;
	_ =	shalt  }
.Lfunc_end2:
_tile_overlayer_lowered:
.L_overlay_start_2:
0x3ed: {  	(tag) =	ssettag $0x2  }
0x3ee: {  	s0 =	rddreg [dreg:$0x0];
	s2 =	stileid.u32  }
0x3ef: {  	s1 =	rddreg [dreg:$0x1];
	p0 =	sne.s32 s2, $0x0  }
0x3f0: {  	s3 =	rddreg [dreg:$0x2];
	[bflag:$0x3] =	sbarrier.arrive $0xFFFF;
	s2 =	simm.s32 @!p0 $0x1C08  }
0x3f1: {  	[timem:s3], [sflag:s2] =	dma.local @!p0 [hbm:s0], s1  }
0x3f2: {  	s0 =	simm.s32 @!p0 $0x8  }
0x3f3: {  	_ =	swait.ge @!p0 [sflag:s0], s1  }
0x3f4: {  	s1 =	ssub.s32 @!p0 $0x0, s1;
	[sflag:s0] =	ssyncset.done @!p0 $0x0  }
0x3f5: {  	[sflag:s0] =	ssyncadd.s32 @!p0 s1  }
0x3f6: {  	[bflag:$0x3] =	sbarrier.arrive $0xFFFF  }
0x3f7: {  	_ =	shalt  }

</sc_bundles>
